<compile_context>
chip_gen: v7x
topology: tpu7x:2x2x1
jax: 0.10.2.dev20260603
libtpu: 0.0.44.dev20260713+nightly
codegen_flags: <defaults>
</compile_context>

<pallas_src>
import functools

import jax
import jax.numpy as jnp
from jax import lax
from jax.experimental import pallas as pl
from jax.experimental.pallas import tpu as pltpu
from jax.experimental.pallas import tpu_sc as plsc

NC = 2
NS = 16
L = 16
NW = NC * NS
BLK = 128


@functools.lru_cache(maxsize=None)
def _make_kernel(B, D, VP):
    nd8 = D // 8
    nbw = NW // nd8
    bpw = B // nbw
    kpw = bpw // BLK
    assert B % (nbw * BLK) == 0 and D % 8 == 0

    mesh = plsc.VectorSubcoreMesh(
        core_axis_name="c", subcore_axis_name="s", num_cores=NC, num_subcores=NS
    )

    @functools.partial(
        pl.kernel,
        out_type=jax.ShapeDtypeStruct((nd8, B // BLK, 8, BLK), jnp.float32),
        mesh=mesh,
        compiler_params=pltpu.CompilerParams(
            use_tc_tiling_on_sc=False,
            needs_layout_passes=False,
            disable_bounds_checks=True,
        ),
        scratch_types=[
            pltpu.VMEM((2 * bpw,), jnp.int32),
            pltpu.VMEM((8 * VP,), jnp.float32),
            pltpu.VMEM((8 * VP,), jnp.float32),
            pltpu.VMEM((kpw, 8, BLK), jnp.float32),
            pltpu.SemaphoreType.DMA,
            pltpu.SemaphoreType.DMA,
        ],
    )
    def dual_embed(act_hbm, dir_hbm, len_hbm, out_hbm,
                   act_v, dtab_v, ltab_v, out_v, sem_a, sem_c):
        wid = lax.axis_index("s") * NC + lax.axis_index("c")
        w = wid % nbw
        i = wid // nbw

        stage = [
            pltpu.async_copy(act_hbm.at[pl.ds(w * 2 * bpw, 2 * bpw)], act_v, sem_a),
            pltpu.async_copy(dir_hbm.at[i], dtab_v, sem_a),
            pltpu.async_copy(len_hbm.at[i], ltab_v, sem_a),
        ]
        for c in stage:
            c.wait()

        nc8 = BLK // L

        @plsc.parallel_loop(0, kpw, 1)
        def block(jl):
            abase = jl * 2 * BLK
            for c8 in range(nc8):
                dp = act_v[pl.ds(abase + c8 * L, L)] + 1
                lp = act_v[pl.ds(abase + BLK + c8 * L, L)] + 1
                di = ((dp >> 7) << 10) + (dp & 127)
                li = ((lp >> 7) << 10) + (lp & 127)
                dv = [plsc.load_gather(dtab_v, [di + (r << 7)]) for r in range(8)]
                lv = [plsc.load_gather(ltab_v, [li + (r << 7)]) for r in range(8)]
                for r in range(8):
                    out_v[jl, r, pl.ds(c8 * L, L)] = dv[r] + lv[r]

        copies = [
            pltpu.async_copy(
                out_v.at[jl],
                out_hbm.at[i, w * kpw + jl],
                sem_c,
            )
            for jl in range(kpw)
        ]
        for c in copies:
            c.wait()

    return dual_embed


@jax.jit
def kernel(action_tuple, dir_emb, len_emb):
    B, D = action_tuple.shape[0], dir_emb.shape[1]
    VP = 1024
    act = (
        action_tuple.astype(jnp.int32)
        .reshape(B // BLK, BLK, 2)
        .transpose(0, 2, 1)
        .reshape(2 * B)
    )
    npad = VP - dir_emb.shape[0]
    dt = (jnp.pad(dir_emb, ((0, npad), (0, 0)))
          .reshape(VP // 128, 128, D // 8, 8)
          .transpose(2, 0, 3, 1)
          .reshape(D // 8, 8 * VP))
    lt = (jnp.pad(len_emb, ((0, npad), (0, 0)))
          .reshape(VP // 128, 128, D // 8, 8)
          .transpose(2, 0, 3, 1)
          .reshape(D // 8, 8 * VP))
    p = _make_kernel(B, D, VP)(act, dt, lt)
    return p.transpose(1, 3, 0, 2).reshape(B, D)

# --- scband reference (transcript-rebuilt; emitter-appended) ---
"""Pipeline reference for scband-multi-head-action-embedding-42545946034555 (READ-ONLY COPY).

The authoritative reference and input builder live on the scoring server;
editing this copy changes nothing except your own understanding.
"""

import jax, jax.numpy as jnp
import numpy as np

NUM_DIRECTIONS = 1000
NUM_LENGTHS = 1000
EMB_DIM = 32
BATCH = 16384


def setup_inputs(seed: int = 0) -> dict:
    key = jax.random.key(seed)
    k1, k2, k3 = jax.random.split(key, 3)
    action_tuple = jax.random.randint(k1, (BATCH, 2), 0, 1000, dtype=jnp.int64)
    dir_emb = jax.random.normal(k2, (NUM_DIRECTIONS + 1, EMB_DIM), dtype=jnp.float32)
    len_emb = jax.random.normal(k3, (NUM_LENGTHS + 1, EMB_DIM), dtype=jnp.float32)
    return {"action_tuple": action_tuple, "dir_emb": dir_emb, "len_emb": len_emb}


def reference(action_tuple, dir_emb, len_emb):
    dir_idx = action_tuple[:, 0]
    len_idx = action_tuple[:, 1]
    dir_idx = jnp.where((dir_idx == -1) | (dir_idx == -100), 0, dir_idx)
    len_idx = jnp.where((len_idx == -1) | (len_idx == -100), 0, len_idx)
    e_dir = jnp.take(dir_emb, dir_idx + 1, axis=0)
    e_len = jnp.take(len_emb, len_idx + 1, axis=0)
    return e_dir + e_len

if __name__ == "__main__":
    import jax
    _d = setup_inputs()
    print(jax.jit(kernel)(*tuple(_d.values())))

</pallas_src>

<mosaic_0001>
#map = affine_map<(d0, d1) -> (0)>
#map1 = affine_map<(d0, d1) -> (0, 0)>
#map2 = affine_map<(d0, d1) -> (0, 0, 0, 0)>
module attributes {stable_mosaic.version = 14 : i64} {
  func.func @dual_embed(%arg0: i32, %arg1: i32, %arg2: memref<32768xi32, #tpu.memory_space<hbm>>, %arg3: memref<4x8192xf32, #tpu.memory_space<hbm>>, %arg4: memref<4x8192xf32, #tpu.memory_space<hbm>>, %arg5: memref<4x128x8x128xf32, #tpu.memory_space<hbm>>, %arg6: memref<4096xi32, #tpu.memory_space<vmem>>, %arg7: memref<8192xf32, #tpu.memory_space<vmem>>, %arg8: memref<8192xf32, #tpu.memory_space<vmem>>, %arg9: memref<16x8x128xf32, #tpu.memory_space<vmem>>, %arg10: memref<!tpu.dma_semaphore, #tpu.memory_space<semaphore_mem>>, %arg11: memref<!tpu.dma_semaphore, #tpu.memory_space<semaphore_mem>>) attributes {dimension_semantics = [#tpu.dimension_semantics<core_parallel>, #tpu.dimension_semantics<subcore_parallel>], iteration_bounds = array<i64: 2, 16>, scalar_prefetch = 0 : i64, scratch_operands = 6 : i64, tpu.core_type = #tpu.core_type<sc_vector_subcore>, window_params = [{transform_indices = #map}, {transform_indices = #map1}, {transform_indices = #map1}, {transform_indices = #map2}]} {
    %mul3A = arith.constant 2 : i32
    %mul3A_0 = arith.muli %arg1, %mul3A : i32
    %add3A = arith.addi %mul3A_0, %arg0 : i32
    %jit3A = arith.constant 8 : i32
    %eq3A = arith.constant 0 : i32
    %eq3A_1 = arith.cmpi eq, %jit3A, %eq3A : i32
    %jit3A_2 = arith.constant 1 : i32
    %select_n3A = arith.select %eq3A_1, %jit3A_2, %jit3A : i32
    %rem3A = arith.remsi %add3A, %select_n3A : i32
    %ne3A = arith.constant 0 : i32
    %ne3A_3 = arith.cmpi ne, %rem3A, %ne3A : i32
    %lt3A = arith.constant 0 : i32
    %lt3A_4 = arith.cmpi slt, %rem3A, %lt3A : i32
    %lt3A_5 = arith.constant 0 : i32
    %lt3A_6 = arith.cmpi slt, %select_n3A, %lt3A_5 : i32
    %ne3A_7 = arith.xori %lt3A_4, %lt3A_6 : i1
    %and3A = arith.andi %ne3A_7, %ne3A_3 : i1
    %add3A_8 = arith.addi %rem3A, %select_n3A : i32
    %select_n3A_9 = arith.select %and3A, %add3A_8, %rem3A : i32
    %jit3A_10 = arith.constant 8 : i32
    %div3A = arith.divsi %add3A, %jit3A_10 : i32
    %sign3A = arith.constant 0 : i32
    %sign3A_11 = arith.cmpi sgt, %add3A, %sign3A : i32
    %sign3A_12 = arith.extui %sign3A_11 : i1 to i32
    %sign3A_13 = arith.constant 0 : i32
    %sign3A_14 = arith.cmpi slt, %add3A, %sign3A_13 : i32
    %sign3A_15 = arith.extui %sign3A_14 : i1 to i32
    %sign3A_16 = arith.subi %sign3A_12, %sign3A_15 : i32
    %sign3A_17 = arith.constant 0 : i32
    %sign3A_18 = arith.cmpi sgt, %jit3A_10, %sign3A_17 : i32
    %sign3A_19 = arith.extui %sign3A_18 : i1 to i32
    %sign3A_20 = arith.constant 0 : i32
    %sign3A_21 = arith.cmpi slt, %jit3A_10, %sign3A_20 : i32
    %sign3A_22 = arith.extui %sign3A_21 : i1 to i32
    %sign3A_23 = arith.subi %sign3A_19, %sign3A_22 : i32
    %ne3A_24 = arith.cmpi ne, %sign3A_16, %sign3A_23 : i32
    %rem3A_25 = arith.remsi %add3A, %jit3A_10 : i32
    %ne3A_26 = arith.constant 0 : i32
    %ne3A_27 = arith.cmpi ne, %rem3A_25, %ne3A_26 : i32
    %and3A_28 = arith.andi %ne3A_24, %ne3A_27 : i1
    %sub3A = arith.constant 1 : i32
    %sub3A_29 = arith.subi %div3A, %sub3A : i32
    %select_n3A_30 = arith.select %and3A_28, %sub3A_29, %div3A : i32
    %mul3A_31 = arith.constant 2 : i32
    %mul3A_32 = arith.muli %select_n3A_9, %mul3A_31 : i32
    %mul3A_33 = arith.constant 2048 : i32
    %mul3A_34 = arith.muli %mul3A_32, %mul3A_33 : i32
    %dma_start3A = tpu.memref_slice %arg2[%mul3A_34] : memref<32768xi32, #tpu.memory_space<hbm>> -> memref<4096xi32, #tpu.memory_space<hbm>>
    %dma_start3A_35 = tpu.memref_slice %arg2[%mul3A_34] : memref<32768xi32, #tpu.memory_space<hbm>> -> memref<4096xi32, #tpu.memory_space<hbm>>
    tpu.enqueue_dma source(%dma_start3A_35 : memref<4096xi32, #tpu.memory_space<hbm>>) target(%arg6 : memref<4096xi32, #tpu.memory_space<vmem>>) target_semaphore(%arg10 : memref<!tpu.dma_semaphore, #tpu.memory_space<semaphore_mem>>)
    %dma_start3A_36 = arith.constant 0 : i32
    %dma_start3A_37 = tpu.memref_slice %arg3[%select_n3A_30, %dma_start3A_36] : memref<4x8192xf32, #tpu.memory_space<hbm>> -> memref<1x8192xf32, #tpu.memory_space<hbm>>
    %dma_start3A_38 = tpu.memref_squeeze %dma_start3A_37 : memref<1x8192xf32, #tpu.memory_space<hbm>> -> memref<8192xf32, #tpu.memory_space<hbm>>
    %dma_start3A_39 = arith.constant 0 : i32
    %dma_start3A_40 = tpu.memref_slice %arg3[%select_n3A_30, %dma_start3A_39] : memref<4x8192xf32, #tpu.memory_space<hbm>> -> memref<1x8192xf32, #tpu.memory_space<hbm>>
    %dma_start3A_41 = tpu.memref_squeeze %dma_start3A_40 : memref<1x8192xf32, #tpu.memory_space<hbm>> -> memref<8192xf32, #tpu.memory_space<hbm>>
    tpu.enqueue_dma source(%dma_start3A_41 : memref<8192xf32, #tpu.memory_space<hbm>>) target(%arg7 : memref<8192xf32, #tpu.memory_space<vmem>>) target_semaphore(%arg10 : memref<!tpu.dma_semaphore, #tpu.memory_space<semaphore_mem>>)
    %dma_start3A_42 = arith.constant 0 : i32
    %dma_start3A_43 = tpu.memref_slice %arg4[%select_n3A_30, %dma_start3A_42] : memref<4x8192xf32, #tpu.memory_space<hbm>> -> memref<1x8192xf32, #tpu.memory_space<hbm>>
    %dma_start3A_44 = tpu.memref_squeeze %dma_start3A_43 : memref<1x8192xf32, #tpu.memory_space<hbm>> -> memref<8192xf32, #tpu.memory_space<hbm>>
    %dma_start3A_45 = arith.constant 0 : i32
    %dma_start3A_46 = tpu.memref_slice %arg4[%select_n3A_30, %dma_start3A_45] : memref<4x8192xf32, #tpu.memory_space<hbm>> -> memref<1x8192xf32, #tpu.memory_space<hbm>>
    %dma_start3A_47 = tpu.memref_squeeze %dma_start3A_46 : memref<1x8192xf32, #tpu.memory_space<hbm>> -> memref<8192xf32, #tpu.memory_space<hbm>>
    tpu.enqueue_dma source(%dma_start3A_47 : memref<8192xf32, #tpu.memory_space<hbm>>) target(%arg8 : memref<8192xf32, #tpu.memory_space<vmem>>) target_semaphore(%arg10 : memref<!tpu.dma_semaphore, #tpu.memory_space<semaphore_mem>>)
    %dma_wait3A = tpu.memref_slice %arg2[%mul3A_34] : memref<32768xi32, #tpu.memory_space<hbm>> -> memref<4096xi32, #tpu.memory_space<hbm>>
    %dma_wait3A_48 = tpu.memref_slice %arg2[%mul3A_34] : memref<32768xi32, #tpu.memory_space<hbm>> -> memref<4096xi32, #tpu.memory_space<hbm>>
    tpu.wait_dma2 semaphore(%arg10 : memref<!tpu.dma_semaphore, #tpu.memory_space<semaphore_mem>>) src(%dma_wait3A_48 : memref<4096xi32, #tpu.memory_space<hbm>>) dst(%arg6 : memref<4096xi32, #tpu.memory_space<vmem>>)
    %dma_wait3A_49 = arith.constant 0 : i32
    %dma_wait3A_50 = tpu.memref_slice %arg3[%select_n3A_30, %dma_wait3A_49] : memref<4x8192xf32, #tpu.memory_space<hbm>> -> memref<1x8192xf32, #tpu.memory_space<hbm>>
    %dma_wait3A_51 = tpu.memref_squeeze %dma_wait3A_50 : memref<1x8192xf32, #tpu.memory_space<hbm>> -> memref<8192xf32, #tpu.memory_space<hbm>>
    %dma_wait3A_52 = arith.constant 0 : i32
    %dma_wait3A_53 = tpu.memref_slice %arg3[%select_n3A_30, %dma_wait3A_52] : memref<4x8192xf32, #tpu.memory_space<hbm>> -> memref<1x8192xf32, #tpu.memory_space<hbm>>
    %dma_wait3A_54 = tpu.memref_squeeze %dma_wait3A_53 : memref<1x8192xf32, #tpu.memory_space<hbm>> -> memref<8192xf32, #tpu.memory_space<hbm>>
    tpu.wait_dma2 semaphore(%arg10 : memref<!tpu.dma_semaphore, #tpu.memory_space<semaphore_mem>>) src(%dma_wait3A_54 : memref<8192xf32, #tpu.memory_space<hbm>>) dst(%arg7 : memref<8192xf32, #tpu.memory_space<vmem>>)
    %dma_wait3A_55 = arith.constant 0 : i32
    %dma_wait3A_56 = tpu.memref_slice %arg4[%select_n3A_30, %dma_wait3A_55] : memref<4x8192xf32, #tpu.memory_space<hbm>> -> memref<1x8192xf32, #tpu.memory_space<hbm>>
    %dma_wait3A_57 = tpu.memref_squeeze %dma_wait3A_56 : memref<1x8192xf32, #tpu.memory_space<hbm>> -> memref<8192xf32, #tpu.memory_space<hbm>>
    %dma_wait3A_58 = arith.constant 0 : i32
    %dma_wait3A_59 = tpu.memref_slice %arg4[%select_n3A_30, %dma_wait3A_58] : memref<4x8192xf32, #tpu.memory_space<hbm>> -> memref<1x8192xf32, #tpu.memory_space<hbm>>
    %dma_wait3A_60 = tpu.memref_squeeze %dma_wait3A_59 : memref<1x8192xf32, #tpu.memory_space<hbm>> -> memref<8192xf32, #tpu.memory_space<hbm>>
    tpu.wait_dma2 semaphore(%arg10 : memref<!tpu.dma_semaphore, #tpu.memory_space<semaphore_mem>>) src(%dma_wait3A_60 : memref<8192xf32, #tpu.memory_space<hbm>>) dst(%arg8 : memref<8192xf32, #tpu.memory_space<vmem>>)
    %parallel_loop3A = arith.constant 0 : i32
    %parallel_loop3A_61 = arith.constant 16 : i32
    %parallel_loop3A_62 = arith.constant 1 : i32
    scf.for %parallel_loop3A_671 = %parallel_loop3A to %parallel_loop3A_61 step %parallel_loop3A_62  : i32 {
      %parallel_loop3A_672 = arith.constant 2 : i32
      %parallel_loop3A_673 = arith.muli %parallel_loop3A_671, %parallel_loop3A_672 : i32
      %parallel_loop3A_674 = arith.constant 128 : i32
      %parallel_loop3A_675 = arith.muli %parallel_loop3A_673, %parallel_loop3A_674 : i32
      %parallel_loop3A_676 = arith.constant 0 : i32
      %parallel_loop3A_677 = arith.addi %parallel_loop3A_675, %parallel_loop3A_676 : i32
      %parallel_loop3A_678 = arith.index_cast %parallel_loop3A_677 : i32 to index
      %parallel_loop3A_679 = tpu.vector_load %arg6[%parallel_loop3A_678] {strides = array<i32>} : memref<4096xi32, #tpu.memory_space<vmem>>, vector<16xi32>,
      %parallel_loop3A_680 = arith.constant 1 : i32
      %parallel_loop3A_681 = vector.broadcast %parallel_loop3A_680 : i32 to vector<16xi32>
      %parallel_loop3A_682 = arith.addi %parallel_loop3A_679, %parallel_loop3A_681 : vector<16xi32>
      %parallel_loop3A_683 = arith.constant 128 : i32
      %parallel_loop3A_684 = arith.addi %parallel_loop3A_675, %parallel_loop3A_683 : i32
      %parallel_loop3A_685 = arith.constant 0 : i32
      %parallel_loop3A_686 = arith.addi %parallel_loop3A_684, %parallel_loop3A_685 : i32
      %parallel_loop3A_687 = arith.index_cast %parallel_loop3A_686 : i32 to index
      %parallel_loop3A_688 = tpu.vector_load %arg6[%parallel_loop3A_687] {strides = array<i32>} : memref<4096xi32, #tpu.memory_space<vmem>>, vector<16xi32>,
      %parallel_loop3A_689 = arith.constant 1 : i32
      %parallel_loop3A_690 = vector.broadcast %parallel_loop3A_689 : i32 to vector<16xi32>
      %parallel_loop3A_691 = arith.addi %parallel_loop3A_688, %parallel_loop3A_690 : vector<16xi32>
      %parallel_loop3A_692 = arith.constant 7 : i32
      %parallel_loop3A_693 = vector.broadcast %parallel_loop3A_692 : i32 to vector<16xi32>
      %parallel_loop3A_694 = arith.shrsi %parallel_loop3A_682, %parallel_loop3A_693 : vector<16xi32>
      %parallel_loop3A_695 = arith.constant 10 : i32
      %parallel_loop3A_696 = vector.broadcast %parallel_loop3A_695 : i32 to vector<16xi32>
      %parallel_loop3A_697 = arith.shli %parallel_loop3A_694, %parallel_loop3A_696 : vector<16xi32>
      %parallel_loop3A_698 = arith.constant 127 : i32
      %parallel_loop3A_699 = vector.broadcast %parallel_loop3A_698 : i32 to vector<16xi32>
      %parallel_loop3A_700 = arith.andi %parallel_loop3A_682, %parallel_loop3A_699 : vector<16xi32>
      %parallel_loop3A_701 = arith.addi %parallel_loop3A_697, %parallel_loop3A_700 : vector<16xi32>
      %parallel_loop3A_702 = arith.constant 7 : i32
      %parallel_loop3A_703 = vector.broadcast %parallel_loop3A_702 : i32 to vector<16xi32>
      %parallel_loop3A_704 = arith.shrsi %parallel_loop3A_691, %parallel_loop3A_703 : vector<16xi32>
      %parallel_loop3A_705 = arith.constant 10 : i32
      %parallel_loop3A_706 = vector.broadcast %parallel_loop3A_705 : i32 to vector<16xi32>
      %parallel_loop3A_707 = arith.shli %parallel_loop3A_704, %parallel_loop3A_706 : vector<16xi32>
      %parallel_loop3A_708 = arith.constant 127 : i32
      %parallel_loop3A_709 = vector.broadcast %parallel_loop3A_708 : i32 to vector<16xi32>
      %parallel_loop3A_710 = arith.andi %parallel_loop3A_691, %parallel_loop3A_709 : vector<16xi32>
      %parallel_loop3A_711 = arith.addi %parallel_loop3A_707, %parallel_loop3A_710 : vector<16xi32>
      %parallel_loop3A_712 = arith.constant 0 : i32
      %parallel_loop3A_713 = vector.broadcast %parallel_loop3A_712 : i32 to vector<16xi32>
      %parallel_loop3A_714 = arith.addi %parallel_loop3A_701, %parallel_loop3A_713 : vector<16xi32>
      %parallel_loop3A_715 = tpu.vector_load_idx %arg7[%parallel_loop3A_714] : memref<8192xf32, #tpu.memory_space<vmem>>[vector<16xi32>], vector<16xf32>,
      %parallel_loop3A_716 = arith.constant 128 : i32
      %parallel_loop3A_717 = vector.broadcast %parallel_loop3A_716 : i32 to vector<16xi32>
      %parallel_loop3A_718 = arith.addi %parallel_loop3A_701, %parallel_loop3A_717 : vector<16xi32>
      %parallel_loop3A_719 = tpu.vector_load_idx %arg7[%parallel_loop3A_718] : memref<8192xf32, #tpu.memory_space<vmem>>[vector<16xi32>], vector<16xf32>,
      %parallel_loop3A_720 = arith.constant 256 : i32
      %parallel_loop3A_721 = vector.broadcast %parallel_loop3A_720 : i32 to vector<16xi32>
      %parallel_loop3A_722 = arith.addi %parallel_loop3A_701, %parallel_loop3A_721 : vector<16xi32>
      %parallel_loop3A_723 = tpu.vector_load_idx %arg7[%parallel_loop3A_722] : memref<8192xf32, #tpu.memory_space<vmem>>[vector<16xi32>], vector<16xf32>,
      %parallel_loop3A_724 = arith.constant 384 : i32
      %parallel_loop3A_725 = vector.broadcast %parallel_loop3A_724 : i32 to vector<16xi32>
      %parallel_loop3A_726 = arith.addi %parallel_loop3A_701, %parallel_loop3A_725 : vector<16xi32>
      %parallel_loop3A_727 = tpu.vector_load_idx %arg7[%parallel_loop3A_726] : memref<8192xf32, #tpu.memory_space<vmem>>[vector<16xi32>], vector<16xf32>,
      %parallel_loop3A_728 = arith.constant 512 : i32
      %parallel_loop3A_729 = vector.broadcast %parallel_loop3A_728 : i32 to vector<16xi32>
      %parallel_loop3A_730 = arith.addi %parallel_loop3A_701, %parallel_loop3A_729 : vector<16xi32>
      %parallel_loop3A_731 = tpu.vector_load_idx %arg7[%parallel_loop3A_730] : memref<8192xf32, #tpu.memory_space<vmem>>[vector<16xi32>], vector<16xf32>,
      %parallel_loop3A_732 = arith.constant 640 : i32
      %parallel_loop3A_733 = vector.broadcast %parallel_loop3A_732 : i32 to vector<16xi32>
      %parallel_loop3A_734 = arith.addi %parallel_loop3A_701, %parallel_loop3A_733 : vector<16xi32>
      %parallel_loop3A_735 = tpu.vector_load_idx %arg7[%parallel_loop3A_734] : memref<8192xf32, #tpu.memory_space<vmem>>[vector<16xi32>], vector<16xf32>,
      %parallel_loop3A_736 = arith.constant 768 : i32
      %parallel_loop3A_737 = vector.broadcast %parallel_loop3A_736 : i32 to vector<16xi32>
      %parallel_loop3A_738 = arith.addi %parallel_loop3A_701, %parallel_loop3A_737 : vector<16xi32>
      %parallel_loop3A_739 = tpu.vector_load_idx %arg7[%parallel_loop3A_738] : memref<8192xf32, #tpu.memory_space<vmem>>[vector<16xi32>], vector<16xf32>,
      %parallel_loop3A_740 = arith.constant 896 : i32
      %parallel_loop3A_741 = vector.broadcast %parallel_loop3A_740 : i32 to vector<16xi32>
      %parallel_loop3A_742 = arith.addi %parallel_loop3A_701, %parallel_loop3A_741 : vector<16xi32>
      %parallel_loop3A_743 = tpu.vector_load_idx %arg7[%parallel_loop3A_742] : memref<8192xf32, #tpu.memory_space<vmem>>[vector<16xi32>], vector<16xf32>,
      %parallel_loop3A_744 = arith.constant 0 : i32
      %parallel_loop3A_745 = vector.broadcast %parallel_loop3A_744 : i32 to vector<16xi32>
      %parallel_loop3A_746 = arith.addi %parallel_loop3A_711, %parallel_loop3A_745 : vector<16xi32>
      %parallel_loop3A_747 = tpu.vector_load_idx %arg8[%parallel_loop3A_746] : memref<8192xf32, #tpu.memory_space<vmem>>[vector<16xi32>], vector<16xf32>,
      %parallel_loop3A_748 = arith.constant 128 : i32
      %parallel_loop3A_749 = vector.broadcast %parallel_loop3A_748 : i32 to vector<16xi32>
      %parallel_loop3A_750 = arith.addi %parallel_loop3A_711, %parallel_loop3A_749 : vector<16xi32>
      %parallel_loop3A_751 = tpu.vector_load_idx %arg8[%parallel_loop3A_750] : memref<8192xf32, #tpu.memory_space<vmem>>[vector<16xi32>], vector<16xf32>,
      %parallel_loop3A_752 = arith.constant 256 : i32
      %parallel_loop3A_753 = vector.broadcast %parallel_loop3A_752 : i32 to vector<16xi32>
      %parallel_loop3A_754 = arith.addi %parallel_loop3A_711, %parallel_loop3A_753 : vector<16xi32>
      %parallel_loop3A_755 = tpu.vector_load_idx %arg8[%parallel_loop3A_754] : memref<8192xf32, #tpu.memory_space<vmem>>[vector<16xi32>], vector<16xf32>,
      %parallel_loop3A_756 = arith.constant 384 : i32
      %parallel_loop3A_757 = vector.broadcast %parallel_loop3A_756 : i32 to vector<16xi32>
      %parallel_loop3A_758 = arith.addi %parallel_loop3A_711, %parallel_loop3A_757 : vector<16xi32>
      %parallel_loop3A_759 = tpu.vector_load_idx %arg8[%parallel_loop3A_758] : memref<8192xf32, #tpu.memory_space<vmem>>[vector<16xi32>], vector<16xf32>,
      %parallel_loop3A_760 = arith.constant 512 : i32
      %parallel_loop3A_761 = vector.broadcast %parallel_loop3A_760 : i32 to vector<16xi32>
      %parallel_loop3A_762 = arith.addi %parallel_loop3A_711, %parallel_loop3A_761 : vector<16xi32>
      %parallel_loop3A_763 = tpu.vector_load_idx %arg8[%parallel_loop3A_762] : memref<8192xf32, #tpu.memory_space<vmem>>[vector<16xi32>], vector<16xf32>,
      %parallel_loop3A_764 = arith.constant 640 : i32
      %parallel_loop3A_765 = vector.broadcast %parallel_loop3A_764 : i32 to vector<16xi32>
      %parallel_loop3A_766 = arith.addi %parallel_loop3A_711, %parallel_loop3A_765 : vector<16xi32>
      %parallel_loop3A_767 = tpu.vector_load_idx %arg8[%parallel_loop3A_766] : memref<8192xf32, #tpu.memory_space<vmem>>[vector<16xi32>], vector<16xf32>,
      %parallel_loop3A_768 = arith.constant 768 : i32
      %parallel_loop3A_769 = vector.broadcast %parallel_loop3A_768 : i32 to vector<16xi32>
      %parallel_loop3A_770 = arith.addi %parallel_loop3A_711, %parallel_loop3A_769 : vector<16xi32>
      %parallel_loop3A_771 = tpu.vector_load_idx %arg8[%parallel_loop3A_770] : memref<8192xf32, #tpu.memory_space<vmem>>[vector<16xi32>], vector<16xf32>,
      %parallel_loop3A_772 = arith.constant 896 : i32
      %parallel_loop3A_773 = vector.broadcast %parallel_loop3A_772 : i32 to vector<16xi32>
      %parallel_loop3A_774 = arith.addi %parallel_loop3A_711, %parallel_loop3A_773 : vector<16xi32>
      %parallel_loop3A_775 = tpu.vector_load_idx %arg8[%parallel_loop3A_774] : memref<8192xf32, #tpu.memory_space<vmem>>[vector<16xi32>], vector<16xf32>,
      %parallel_loop3A_776 = arith.addf %parallel_loop3A_715, %parallel_loop3A_747 : vector<16xf32>
      %parallel_loop3A_777 = arith.constant 0 : i32
      %parallel_loop3A_778 = arith.index_cast %parallel_loop3A_671 : i32 to index
      %parallel_loop3A_779 = arith.index_cast %parallel_loop3A_777 : i32 to index
      %parallel_loop3A_780 = arith.constant 0 : index
      %parallel_loop3A_781 = tpu.vector_load %arg9[%parallel_loop3A_778, %parallel_loop3A_779, %parallel_loop3A_780] {strides = array<i32>} : memref<16x8x128xf32, #tpu.memory_space<vmem>>, vector<16xf32>,
      tpu.vector_store %arg9[%parallel_loop3A_778, %parallel_loop3A_779, %parallel_loop3A_780], %parallel_loop3A_776 {strides = array<i32>} : memref<16x8x128xf32, #tpu.memory_space<vmem>>, vector<16xf32>,
      %parallel_loop3A_782 = arith.addf %parallel_loop3A_719, %parallel_loop3A_751 : vector<16xf32>
      %parallel_loop3A_783 = arith.constant 1 : i32
      %parallel_loop3A_784 = arith.index_cast %parallel_loop3A_671 : i32 to index
      %parallel_loop3A_785 = arith.index_cast %parallel_loop3A_783 : i32 to index
      %parallel_loop3A_786 = arith.constant 0 : index
      %parallel_loop3A_787 = tpu.vector_load %arg9[%parallel_loop3A_784, %parallel_loop3A_785, %parallel_loop3A_786] {strides = array<i32>} : memref<16x8x128xf32, #tpu.memory_space<vmem>>, vector<16xf32>,
      tpu.vector_store %arg9[%parallel_loop3A_784, %parallel_loop3A_785, %parallel_loop3A_786], %parallel_loop3A_782 {strides = array<i32>} : memref<16x8x128xf32, #tpu.memory_space<vmem>>, vector<16xf32>,
      %parallel_loop3A_788 = arith.addf %parallel_loop3A_723, %parallel_loop3A_755 : vector<16xf32>
      %parallel_loop3A_789 = arith.constant 2 : i32
      %parallel_loop3A_790 = arith.index_cast %parallel_loop3A_671 : i32 to index
      %parallel_loop3A_791 = arith.index_cast %parallel_loop3A_789 : i32 to index
      %parallel_loop3A_792 = arith.constant 0 : index
      %parallel_loop3A_793 = tpu.vector_load %arg9[%parallel_loop3A_790, %parallel_loop3A_791, %parallel_loop3A_792] {strides = array<i32>} : memref<16x8x128xf32, #tpu.memory_space<vmem>>, vector<16xf32>,
      tpu.vector_store %arg9[%parallel_loop3A_790, %parallel_loop3A_791, %parallel_loop3A_792], %parallel_loop3A_788 {strides = array<i32>} : memref<16x8x128xf32, #tpu.memory_space<vmem>>, vector<16xf32>,
      %parallel_loop3A_794 = arith.addf %parallel_loop3A_727, %parallel_loop3A_759 : vector<16xf32>
      %parallel_loop3A_795 = arith.constant 3 : i32
      %parallel_loop3A_796 = arith.index_cast %parallel_loop3A_671 : i32 to index
      %parallel_loop3A_797 = arith.index_cast %parallel_loop3A_795 : i32 to index
      %parallel_loop3A_798 = arith.constant 0 : index
      %parallel_loop3A_799 = tpu.vector_load %arg9[%parallel_loop3A_796, %parallel_loop3A_797, %parallel_loop3A_798] {strides = array<i32>} : memref<16x8x128xf32, #tpu.memory_space<vmem>>, vector<16xf32>,
      tpu.vector_store %arg9[%parallel_loop3A_796, %parallel_loop3A_797, %parallel_loop3A_798], %parallel_loop3A_794 {strides = array<i32>} : memref<16x8x128xf32, #tpu.memory_space<vmem>>, vector<16xf32>,
      %parallel_loop3A_800 = arith.addf %parallel_loop3A_731, %parallel_loop3A_763 : vector<16xf32>
      %parallel_loop3A_801 = arith.constant 4 : i32
      %parallel_loop3A_802 = arith.index_cast %parallel_loop3A_671 : i32 to index
      %parallel_loop3A_803 = arith.index_cast %parallel_loop3A_801 : i32 to index
      %parallel_loop3A_804 = arith.constant 0 : index
      %parallel_loop3A_805 = tpu.vector_load %arg9[%parallel_loop3A_802, %parallel_loop3A_803, %parallel_loop3A_804] {strides = array<i32>} : memref<16x8x128xf32, #tpu.memory_space<vmem>>, vector<16xf32>,
      tpu.vector_store %arg9[%parallel_loop3A_802, %parallel_loop3A_803, %parallel_loop3A_804], %parallel_loop3A_800 {strides = array<i32>} : memref<16x8x128xf32, #tpu.memory_space<vmem>>, vector<16xf32>,
      %parallel_loop3A_806 = arith.addf %parallel_loop3A_735, %parallel_loop3A_767 : vector<16xf32>
      %parallel_loop3A_807 = arith.constant 5 : i32
      %parallel_loop3A_808 = arith.index_cast %parallel_loop3A_671 : i32 to index
      %parallel_loop3A_809 = arith.index_cast %parallel_loop3A_807 : i32 to index
      %parallel_loop3A_810 = arith.constant 0 : index
      %parallel_loop3A_811 = tpu.vector_load %arg9[%parallel_loop3A_808, %parallel_loop3A_809, %parallel_loop3A_810] {strides = array<i32>} : memref<16x8x128xf32, #tpu.memory_space<vmem>>, vector<16xf32>,
      tpu.vector_store %arg9[%parallel_loop3A_808, %parallel_loop3A_809, %parallel_loop3A_810], %parallel_loop3A_806 {strides = array<i32>} : memref<16x8x128xf32, #tpu.memory_space<vmem>>, vector<16xf32>,
      %parallel_loop3A_812 = arith.addf %parallel_loop3A_739, %parallel_loop3A_771 : vector<16xf32>
      %parallel_loop3A_813 = arith.constant 6 : i32
      %parallel_loop3A_814 = arith.index_cast %parallel_loop3A_671 : i32 to index
      %parallel_loop3A_815 = arith.index_cast %parallel_loop3A_813 : i32 to index
      %parallel_loop3A_816 = arith.constant 0 : index
      %parallel_loop3A_817 = tpu.vector_load %arg9[%parallel_loop3A_814, %parallel_loop3A_815, %parallel_loop3A_816] {strides = array<i32>} : memref<16x8x128xf32, #tpu.memory_space<vmem>>, vector<16xf32>,
      tpu.vector_store %arg9[%parallel_loop3A_814, %parallel_loop3A_815, %parallel_loop3A_816], %parallel_loop3A_812 {strides = array<i32>} : memref<16x8x128xf32, #tpu.memory_space<vmem>>, vector<16xf32>,
      %parallel_loop3A_818 = arith.addf %parallel_loop3A_743, %parallel_loop3A_775 : vector<16xf32>
      %parallel_loop3A_819 = arith.constant 7 : i32
      %parallel_loop3A_820 = arith.index_cast %parallel_loop3A_671 : i32 to index
      %parallel_loop3A_821 = arith.index_cast %parallel_loop3A_819 : i32 to index
      %parallel_loop3A_822 = arith.constant 0 : index
      %parallel_loop3A_823 = tpu.vector_load %arg9[%parallel_loop3A_820, %parallel_loop3A_821, %parallel_loop3A_822] {strides = array<i32>} : memref<16x8x128xf32, #tpu.memory_space<vmem>>, vector<16xf32>,
      tpu.vector_store %arg9[%parallel_loop3A_820, %parallel_loop3A_821, %parallel_loop3A_822], %parallel_loop3A_818 {strides = array<i32>} : memref<16x8x128xf32, #tpu.memory_space<vmem>>, vector<16xf32>,
      %parallel_loop3A_824 = arith.constant 16 : i32
      %parallel_loop3A_825 = arith.addi %parallel_loop3A_675, %parallel_loop3A_824 : i32
      %parallel_loop3A_826 = arith.index_cast %parallel_loop3A_825 : i32 to index
      %parallel_loop3A_827 = tpu.vector_load %arg6[%parallel_loop3A_826] {strides = array<i32>} : memref<4096xi32, #tpu.memory_space<vmem>>, vector<16xi32>,
      %parallel_loop3A_828 = arith.constant 1 : i32
      %parallel_loop3A_829 = vector.broadcast %parallel_loop3A_828 : i32 to vector<16xi32>
      %parallel_loop3A_830 = arith.addi %parallel_loop3A_827, %parallel_loop3A_829 : vector<16xi32>
      %parallel_loop3A_831 = arith.constant 128 : i32
      %parallel_loop3A_832 = arith.addi %parallel_loop3A_675, %parallel_loop3A_831 : i32
      %parallel_loop3A_833 = arith.constant 16 : i32
      %parallel_loop3A_834 = arith.addi %parallel_loop3A_832, %parallel_loop3A_833 : i32
      %parallel_loop3A_835 = arith.index_cast %parallel_loop3A_834 : i32 to index
      %parallel_loop3A_836 = tpu.vector_load %arg6[%parallel_loop3A_835] {strides = array<i32>} : memref<4096xi32, #tpu.memory_space<vmem>>, vector<16xi32>,
      %parallel_loop3A_837 = arith.constant 1 : i32
      %parallel_loop3A_838 = vector.broadcast %parallel_loop3A_837 : i32 to vector<16xi32>
      %parallel_loop3A_839 = arith.addi %parallel_loop3A_836, %parallel_loop3A_838 : vector<16xi32>
      %parallel_loop3A_840 = arith.constant 7 : i32
      %parallel_loop3A_841 = vector.broadcast %parallel_loop3A_840 : i32 to vector<16xi32>
      %parallel_loop3A_842 = arith.shrsi %parallel_loop3A_830, %parallel_loop3A_841 : vector<16xi32>
      %parallel_loop3A_843 = arith.constant 10 : i32
      %parallel_loop3A_844 = vector.broadcast %parallel_loop3A_843 : i32 to vector<16xi32>
      %parallel_loop3A_845 = arith.shli %parallel_loop3A_842, %parallel_loop3A_844 : vector<16xi32>
      %parallel_loop3A_846 = arith.constant 127 : i32
      %parallel_loop3A_847 = vector.broadcast %parallel_loop3A_846 : i32 to vector<16xi32>
      %parallel_loop3A_848 = arith.andi %parallel_loop3A_830, %parallel_loop3A_847 : vector<16xi32>
      %parallel_loop3A_849 = arith.addi %parallel_loop3A_845, %parallel_loop3A_848 : vector<16xi32>
      %parallel_loop3A_850 = arith.constant 7 : i32
      %parallel_loop3A_851 = vector.broadcast %parallel_loop3A_850 : i32 to vector<16xi32>
      %parallel_loop3A_852 = arith.shrsi %parallel_loop3A_839, %parallel_loop3A_851 : vector<16xi32>
      %parallel_loop3A_853 = arith.constant 10 : i32
      %parallel_loop3A_854 = vector.broadcast %parallel_loop3A_853 : i32 to vector<16xi32>
      %parallel_loop3A_855 = arith.shli %parallel_loop3A_852, %parallel_loop3A_854 : vector<16xi32>
      %parallel_loop3A_856 = arith.constant 127 : i32
      %parallel_loop3A_857 = vector.broadcast %parallel_loop3A_856 : i32 to vector<16xi32>
      %parallel_loop3A_858 = arith.andi %parallel_loop3A_839, %parallel_loop3A_857 : vector<16xi32>
      %parallel_loop3A_859 = arith.addi %parallel_loop3A_855, %parallel_loop3A_858 : vector<16xi32>
      %parallel_loop3A_860 = arith.constant 0 : i32
      %parallel_loop3A_861 = vector.broadcast %parallel_loop3A_860 : i32 to vector<16xi32>
      %parallel_loop3A_862 = arith.addi %parallel_loop3A_849, %parallel_loop3A_861 : vector<16xi32>
      %parallel_loop3A_863 = tpu.vector_load_idx %arg7[%parallel_loop3A_862] : memref<8192xf32, #tpu.memory_space<vmem>>[vector<16xi32>], vector<16xf32>,
      %parallel_loop3A_864 = arith.constant 128 : i32
      %parallel_loop3A_865 = vector.broadcast %parallel_loop3A_864 : i32 to vector<16xi32>
      %parallel_loop3A_866 = arith.addi %parallel_loop3A_849, %parallel_loop3A_865 : vector<16xi32>
      %parallel_loop3A_867 = tpu.vector_load_idx %arg7[%parallel_loop3A_866] : memref<8192xf32, #tpu.memory_space<vmem>>[vector<16xi32>], vector<16xf32>,
      %parallel_loop3A_868 = arith.constant 256 : i32
      %parallel_loop3A_869 = vector.broadcast %parallel_loop3A_868 : i32 to vector<16xi32>
      %parallel_loop3A_870 = arith.addi %parallel_loop3A_849, %parallel_loop3A_869 : vector<16xi32>
      %parallel_loop3A_871 = tpu.vector_load_idx %arg7[%parallel_loop3A_870] : memref<8192xf32, #tpu.memory_space<vmem>>[vector<16xi32>], vector<16xf32>,
      %parallel_loop3A_872 = arith.constant 384 : i32
      %parallel_loop3A_873 = vector.broadcast %parallel_loop3A_872 : i32 to vector<16xi32>
      %parallel_loop3A_874 = arith.addi %parallel_loop3A_849, %parallel_loop3A_873 : vector<16xi32>
      %parallel_loop3A_875 = tpu.vector_load_idx %arg7[%parallel_loop3A_874] : memref<8192xf32, #tpu.memory_space<vmem>>[vector<16xi32>], vector<16xf32>,
      %parallel_loop3A_876 = arith.constant 512 : i32
      %parallel_loop3A_877 = vector.broadcast %parallel_loop3A_876 : i32 to vector<16xi32>
      %parallel_loop3A_878 = arith.addi %parallel_loop3A_849, %parallel_loop3A_877 : vector<16xi32>
      %parallel_loop3A_879 = tpu.vector_load_idx %arg7[%parallel_loop3A_878] : memref<8192xf32, #tpu.memory_space<vmem>>[vector<16xi32>], vector<16xf32>,
      %parallel_loop3A_880 = arith.constant 640 : i32
      %parallel_loop3A_881 = vector.broadcast %parallel_loop3A_880 : i32 to vector<16xi32>
      %parallel_loop3A_882 = arith.addi %parallel_loop3A_849, %parallel_loop3A_881 : vector<16xi32>
      %parallel_loop3A_883 = tpu.vector_load_idx %arg7[%parallel_loop3A_882] : memref<8192xf32, #tpu.memory_space<vmem>>[vector<16xi32>], vector<16xf32>,
      %parallel_loop3A_884 = arith.constant 768 : i32
      %parallel_loop3A_885 = vector.broadcast %parallel_loop3A_884 : i32 to vector<16xi32>
      %parallel_loop3A_886 = arith.addi %parallel_loop3A_849, %parallel_loop3A_885 : vector<16xi32>
      %parallel_loop3A_887 = tpu.vector_load_idx %arg7[%parallel_loop3A_886] : memref<8192xf32, #tpu.memory_space<vmem>>[vector<16xi32>], vector<16xf32>,
      %parallel_loop3A_888 = arith.constant 896 : i32
      %parallel_loop3A_889 = vector.broadcast %parallel_loop3A_888 : i32 to vector<16xi32>
      %parallel_loop3A_890 = arith.addi %parallel_loop3A_849, %parallel_loop3A_889 : vector<16xi32>
      %parallel_loop3A_891 = tpu.vector_load_idx %arg7[%parallel_loop3A_890] : memref<8192xf32, #tpu.memory_space<vmem>>[vector<16xi32>], vector<16xf32>,
      %parallel_loop3A_892 = arith.constant 0 : i32
      %parallel_loop3A_893 = vector.broadcast %parallel_loop3A_892 : i32 to vector<16xi32>
      %parallel_loop3A_894 = arith.addi %parallel_loop3A_859, %parallel_loop3A_893 : vector<16xi32>
      %parallel_loop3A_895 = tpu.vector_load_idx %arg8[%parallel_loop3A_894] : memref<8192xf32, #tpu.memory_space<vmem>>[vector<16xi32>], vector<16xf32>,
      %parallel_loop3A_896 = arith.constant 128 : i32
      %parallel_loop3A_897 = vector.broadcast %parallel_loop3A_896 : i32 to vector<16xi32>
      %parallel_loop3A_898 = arith.addi %parallel_loop3A_859, %parallel_loop3A_897 : vector<16xi32>
      %parallel_loop3A_899 = tpu.vector_load_idx %arg8[%parallel_loop3A_898] : memref<8192xf32, #tpu.memory_space<vmem>>[vector<16xi32>], vector<16xf32>,
      %parallel_loop3A_900 = arith.constant 256 : i32
      %parallel_loop3A_901 = vector.broadcast %parallel_loop3A_900 : i32 to vector<16xi32>
      %parallel_loop3A_902 = arith.addi %parallel_loop3A_859, %parallel_loop3A_901 : vector<16xi32>
      %parallel_loop3A_903 = tpu.vector_load_idx %arg8[%parallel_loop3A_902] : memref<8192xf32, #tpu.memory_space<vmem>>[vector<16xi32>], vector<16xf32>,
      %parallel_loop3A_904 = arith.constant 384 : i32
      %parallel_loop3A_905 = vector.broadcast %parallel_loop3A_904 : i32 to vector<16xi32>
      %parallel_loop3A_906 = arith.addi %parallel_loop3A_859, %parallel_loop3A_905 : vector<16xi32>
      %parallel_loop3A_907 = tpu.vector_load_idx %arg8[%parallel_loop3A_906] : memref<8192xf32, #tpu.memory_space<vmem>>[vector<16xi32>], vector<16xf32>,
      %parallel_loop3A_908 = arith.constant 512 : i32
      %parallel_loop3A_909 = vector.broadcast %parallel_loop3A_908 : i32 to vector<16xi32>
      %parallel_loop3A_910 = arith.addi %parallel_loop3A_859, %parallel_loop3A_909 : vector<16xi32>
      %parallel_loop3A_911 = tpu.vector_load_idx %arg8[%parallel_loop3A_910] : memref<8192xf32, #tpu.memory_space<vmem>>[vector<16xi32>], vector<16xf32>,
      %parallel_loop3A_912 = arith.constant 640 : i32
      %parallel_loop3A_913 = vector.broadcast %parallel_loop3A_912 : i32 to vector<16xi32>
      %parallel_loop3A_914 = arith.addi %parallel_loop3A_859, %parallel_loop3A_913 : vector<16xi32>
      %parallel_loop3A_915 = tpu.vector_load_idx %arg8[%parallel_loop3A_914] : memref<8192xf32, #tpu.memory_space<vmem>>[vector<16xi32>], vector<16xf32>,
      %parallel_loop3A_916 = arith.constant 768 : i32
      %parallel_loop3A_917 = vector.broadcast %parallel_loop3A_916 : i32 to vector<16xi32>
      %parallel_loop3A_918 = arith.addi %parallel_loop3A_859, %parallel_loop3A_917 : vector<16xi32>
      %parallel_loop3A_919 = tpu.vector_load_idx %arg8[%parallel_loop3A_918] : memref<8192xf32, #tpu.memory_space<vmem>>[vector<16xi32>], vector<16xf32>,
      %parallel_loop3A_920 = arith.constant 896 : i32
      %parallel_loop3A_921 = vector.broadcast %parallel_loop3A_920 : i32 to vector<16xi32>
      %parallel_loop3A_922 = arith.addi %parallel_loop3A_859, %parallel_loop3A_921 : vector<16xi32>
      %parallel_loop3A_923 = tpu.vector_load_idx %arg8[%parallel_loop3A_922] : memref<8192xf32, #tpu.memory_space<vmem>>[vector<16xi32>], vector<16xf32>,
      %parallel_loop3A_924 = arith.addf %parallel_loop3A_863, %parallel_loop3A_895 : vector<16xf32>
      %parallel_loop3A_925 = arith.constant 0 : i32
      %parallel_loop3A_926 = arith.index_cast %parallel_loop3A_671 : i32 to index
      %parallel_loop3A_927 = arith.index_cast %parallel_loop3A_925 : i32 to index
      %parallel_loop3A_928 = arith.constant 16 : index
      %parallel_loop3A_929 = tpu.vector_load %arg9[%parallel_loop3A_926, %parallel_loop3A_927, %parallel_loop3A_928] {strides = array<i32>} : memref<16x8x128xf32, #tpu.memory_space<vmem>>, vector<16xf32>,
      tpu.vector_store %arg9[%parallel_loop3A_926, %parallel_loop3A_927, %parallel_loop3A_928], %parallel_loop3A_924 {strides = array<i32>} : memref<16x8x128xf32, #tpu.memory_space<vmem>>, vector<16xf32>,
      %parallel_loop3A_930 = arith.addf %parallel_loop3A_867, %parallel_loop3A_899 : vector<16xf32>
      %parallel_loop3A_931 = arith.constant 1 : i32
      %parallel_loop3A_932 = arith.index_cast %parallel_loop3A_671 : i32 to index
      %parallel_loop3A_933 = arith.index_cast %parallel_loop3A_931 : i32 to index
      %parallel_loop3A_934 = arith.constant 16 : index
      %parallel_loop3A_935 = tpu.vector_load %arg9[%parallel_loop3A_932, %parallel_loop3A_933, %parallel_loop3A_934] {strides = array<i32>} : memref<16x8x128xf32, #tpu.memory_space<vmem>>, vector<16xf32>,
      tpu.vector_store %arg9[%parallel_loop3A_932, %parallel_loop3A_933, %parallel_loop3A_934], %parallel_loop3A_930 {strides = array<i32>} : memref<16x8x128xf32, #tpu.memory_space<vmem>>, vector<16xf32>,
      %parallel_loop3A_936 = arith.addf %parallel_loop3A_871, %parallel_loop3A_903 : vector<16xf32>
      %parallel_loop3A_937 = arith.constant 2 : i32
      %parallel_loop3A_938 = arith.index_cast %parallel_loop3A_671 : i32 to index
      %parallel_loop3A_939 = arith.index_cast %parallel_loop3A_937 : i32 to index
      %parallel_loop3A_940 = arith.constant 16 : index
      %parallel_loop3A_941 = tpu.vector_load %arg9[%parallel_loop3A_938, %parallel_loop3A_939, %parallel_loop3A_940] {strides = array<i32>} : memref<16x8x128xf32, #tpu.memory_space<vmem>>, vector<16xf32>,
      tpu.vector_store %arg9[%parallel_loop3A_938, %parallel_loop3A_939, %parallel_loop3A_940], %parallel_loop3A_936 {strides = array<i32>} : memref<16x8x128xf32, #tpu.memory_space<vmem>>, vector<16xf32>,
      %parallel_loop3A_942 = arith.addf %parallel_loop3A_875, %parallel_loop3A_907 : vector<16xf32>
      %parallel_loop3A_943 = arith.constant 3 : i32
      %parallel_loop3A_944 = arith.index_cast %parallel_loop3A_671 : i32 to index
      %parallel_loop3A_945 = arith.index_cast %parallel_loop3A_943 : i32 to index
      %parallel_loop3A_946 = arith.constant 16 : index
      %parallel_loop3A_947 = tpu.vector_load %arg9[%parallel_loop3A_944, %parallel_loop3A_945, %parallel_loop3A_946] {strides = array<i32>} : memref<16x8x128xf32, #tpu.memory_space<vmem>>, vector<16xf32>,
      tpu.vector_store %arg9[%parallel_loop3A_944, %parallel_loop3A_945, %parallel_loop3A_946], %parallel_loop3A_942 {strides = array<i32>} : memref<16x8x128xf32, #tpu.memory_space<vmem>>, vector<16xf32>,
      %parallel_loop3A_948 = arith.addf %parallel_loop3A_879, %parallel_loop3A_911 : vector<16xf32>
      %parallel_loop3A_949 = arith.constant 4 : i32
      %parallel_loop3A_950 = arith.index_cast %parallel_loop3A_671 : i32 to index
      %parallel_loop3A_951 = arith.index_cast %parallel_loop3A_949 : i32 to index
      %parallel_loop3A_952 = arith.constant 16 : index
      %parallel_loop3A_953 = tpu.vector_load %arg9[%parallel_loop3A_950, %parallel_loop3A_951, %parallel_loop3A_952] {strides = array<i32>} : memref<16x8x128xf32, #tpu.memory_space<vmem>>, vector<16xf32>,
      tpu.vector_store %arg9[%parallel_loop3A_950, %parallel_loop3A_951, %parallel_loop3A_952], %parallel_loop3A_948 {strides = array<i32>} : memref<16x8x128xf32, #tpu.memory_space<vmem>>, vector<16xf32>,
      %parallel_loop3A_954 = arith.addf %parallel_loop3A_883, %parallel_loop3A_915 : vector<16xf32>
      %parallel_loop3A_955 = arith.constant 5 : i32
      %parallel_loop3A_956 = arith.index_cast %parallel_loop3A_671 : i32 to index
      %parallel_loop3A_957 = arith.index_cast %parallel_loop3A_955 : i32 to index
      %parallel_loop3A_958 = arith.constant 16 : index
      %parallel_loop3A_959 = tpu.vector_load %arg9[%parallel_loop3A_956, %parallel_loop3A_957, %parallel_loop3A_958] {strides = array<i32>} : memref<16x8x128xf32, #tpu.memory_space<vmem>>, vector<16xf32>,
      tpu.vector_store %arg9[%parallel_loop3A_956, %parallel_loop3A_957, %parallel_loop3A_958], %parallel_loop3A_954 {strides = array<i32>} : memref<16x8x128xf32, #tpu.memory_space<vmem>>, vector<16xf32>,
      %parallel_loop3A_960 = arith.addf %parallel_loop3A_887, %parallel_loop3A_919 : vector<16xf32>
      %parallel_loop3A_961 = arith.constant 6 : i32
      %parallel_loop3A_962 = arith.index_cast %parallel_loop3A_671 : i32 to index
      %parallel_loop3A_963 = arith.index_cast %parallel_loop3A_961 : i32 to index
      %parallel_loop3A_964 = arith.constant 16 : index
      %parallel_loop3A_965 = tpu.vector_load %arg9[%parallel_loop3A_962, %parallel_loop3A_963, %parallel_loop3A_964] {strides = array<i32>} : memref<16x8x128xf32, #tpu.memory_space<vmem>>, vector<16xf32>,
      tpu.vector_store %arg9[%parallel_loop3A_962, %parallel_loop3A_963, %parallel_loop3A_964], %parallel_loop3A_960 {strides = array<i32>} : memref<16x8x128xf32, #tpu.memory_space<vmem>>, vector<16xf32>,
      %parallel_loop3A_966 = arith.addf %parallel_loop3A_891, %parallel_loop3A_923 : vector<16xf32>
      %parallel_loop3A_967 = arith.constant 7 : i32
      %parallel_loop3A_968 = arith.index_cast %parallel_loop3A_671 : i32 to index
      %parallel_loop3A_969 = arith.index_cast %parallel_loop3A_967 : i32 to index
      %parallel_loop3A_970 = arith.constant 16 : index
      %parallel_loop3A_971 = tpu.vector_load %arg9[%parallel_loop3A_968, %parallel_loop3A_969, %parallel_loop3A_970] {strides = array<i32>} : memref<16x8x128xf32, #tpu.memory_space<vmem>>, vector<16xf32>,
      tpu.vector_store %arg9[%parallel_loop3A_968, %parallel_loop3A_969, %parallel_loop3A_970], %parallel_loop3A_966 {strides = array<i32>} : memref<16x8x128xf32, #tpu.memory_space<vmem>>, vector<16xf32>,
      %parallel_loop3A_972 = arith.constant 32 : i32
      %parallel_loop3A_973 = arith.addi %parallel_loop3A_675, %parallel_loop3A_972 : i32
      %parallel_loop3A_974 = arith.index_cast %parallel_loop3A_973 : i32 to index
      %parallel_loop3A_975 = tpu.vector_load %arg6[%parallel_loop3A_974] {strides = array<i32>} : memref<4096xi32, #tpu.memory_space<vmem>>, vector<16xi32>,
      %parallel_loop3A_976 = arith.constant 1 : i32
      %parallel_loop3A_977 = vector.broadcast %parallel_loop3A_976 : i32 to vector<16xi32>
      %parallel_loop3A_978 = arith.addi %parallel_loop3A_975, %parallel_loop3A_977 : vector<16xi32>
      %parallel_loop3A_979 = arith.constant 128 : i32
      %parallel_loop3A_980 = arith.addi %parallel_loop3A_675, %parallel_loop3A_979 : i32
      %parallel_loop3A_981 = arith.constant 32 : i32
      %parallel_loop3A_982 = arith.addi %parallel_loop3A_980, %parallel_loop3A_981 : i32
      %parallel_loop3A_983 = arith.index_cast %parallel_loop3A_982 : i32 to index
      %parallel_loop3A_984 = tpu.vector_load %arg6[%parallel_loop3A_983] {strides = array<i32>} : memref<4096xi32, #tpu.memory_space<vmem>>, vector<16xi32>,
      %parallel_loop3A_985 = arith.constant 1 : i32
      %parallel_loop3A_986 = vector.broadcast %parallel_loop3A_985 : i32 to vector<16xi32>
      %parallel_loop3A_987 = arith.addi %parallel_loop3A_984, %parallel_loop3A_986 : vector<16xi32>
      %parallel_loop3A_988 = arith.constant 7 : i32
      %parallel_loop3A_989 = vector.broadcast %parallel_loop3A_988 : i32 to vector<16xi32>
      %parallel_loop3A_990 = arith.shrsi %parallel_loop3A_978, %parallel_loop3A_989 : vector<16xi32>
      %parallel_loop3A_991 = arith.constant 10 : i32
      %parallel_loop3A_992 = vector.broadcast %parallel_loop3A_991 : i32 to vector<16xi32>
      %parallel_loop3A_993 = arith.shli %parallel_loop3A_990, %parallel_loop3A_992 : vector<16xi32>
      %parallel_loop3A_994 = arith.constant 127 : i32
      %parallel_loop3A_995 = vector.broadcast %parallel_loop3A_994 : i32 to vector<16xi32>
      %parallel_loop3A_996 = arith.andi %parallel_loop3A_978, %parallel_loop3A_995 : vector<16xi32>
      %parallel_loop3A_997 = arith.addi %parallel_loop3A_993, %parallel_loop3A_996 : vector<16xi32>
      %parallel_loop3A_998 = arith.constant 7 : i32
      %parallel_loop3A_999 = vector.broadcast %parallel_loop3A_998 : i32 to vector<16xi32>
      %parallel_loop3A_1000 = arith.shrsi %parallel_loop3A_987, %parallel_loop3A_999 : vector<16xi32>
      %parallel_loop3A_1001 = arith.constant 10 : i32
      %parallel_loop3A_1002 = vector.broadcast %parallel_loop3A_1001 : i32 to vector<16xi32>
      %parallel_loop3A_1003 = arith.shli %parallel_loop3A_1000, %parallel_loop3A_1002 : vector<16xi32>
      %parallel_loop3A_1004 = arith.constant 127 : i32
      %parallel_loop3A_1005 = vector.broadcast %parallel_loop3A_1004 : i32 to vector<16xi32>
      %parallel_loop3A_1006 = arith.andi %parallel_loop3A_987, %parallel_loop3A_1005 : vector<16xi32>
      %parallel_loop3A_1007 = arith.addi %parallel_loop3A_1003, %parallel_loop3A_1006 : vector<16xi32>
      %parallel_loop3A_1008 = arith.constant 0 : i32
      %parallel_loop3A_1009 = vector.broadcast %parallel_loop3A_1008 : i32 to vector<16xi32>
      %parallel_loop3A_1010 = arith.addi %parallel_loop3A_997, %parallel_loop3A_1009 : vector<16xi32>
      %parallel_loop3A_1011 = tpu.vector_load_idx %arg7[%parallel_loop3A_1010] : memref<8192xf32, #tpu.memory_space<vmem>>[vector<16xi32>], vector<16xf32>,
      %parallel_loop3A_1012 = arith.constant 128 : i32
      %parallel_loop3A_1013 = vector.broadcast %parallel_loop3A_1012 : i32 to vector<16xi32>
      %parallel_loop3A_1014 = arith.addi %parallel_loop3A_997, %parallel_loop3A_1013 : vector<16xi32>
      %parallel_loop3A_1015 = tpu.vector_load_idx %arg7[%parallel_loop3A_1014] : memref<8192xf32, #tpu.memory_space<vmem>>[vector<16xi32>], vector<16xf32>,
      %parallel_loop3A_1016 = arith.constant 256 : i32
      %parallel_loop3A_1017 = vector.broadcast %parallel_loop3A_1016 : i32 to vector<16xi32>
      %parallel_loop3A_1018 = arith.addi %parallel_loop3A_997, %parallel_loop3A_1017 : vector<16xi32>
      %parallel_loop3A_1019 = tpu.vector_load_idx %arg7[%parallel_loop3A_1018] : memref<8192xf32, #tpu.memory_space<vmem>>[vector<16xi32>], vector<16xf32>,
      %parallel_loop3A_1020 = arith.constant 384 : i32
      %parallel_loop3A_1021 = vector.broadcast %parallel_loop3A_1020 : i32 to vector<16xi32>
      %parallel_loop3A_1022 = arith.addi %parallel_loop3A_997, %parallel_loop3A_1021 : vector<16xi32>
      %parallel_loop3A_1023 = tpu.vector_load_idx %arg7[%parallel_loop3A_1022] : memref<8192xf32, #tpu.memory_space<vmem>>[vector<16xi32>], vector<16xf32>,
      %parallel_loop3A_1024 = arith.constant 512 : i32
      %parallel_loop3A_1025 = vector.broadcast %parallel_loop3A_1024 : i32 to vector<16xi32>
      %parallel_loop3A_1026 = arith.addi %parallel_loop3A_997, %parallel_loop3A_1025 : vector<16xi32>
      %parallel_loop3A_1027 = tpu.vector_load_idx %arg7[%parallel_loop3A_1026] : memref<8192xf32, #tpu.memory_space<vmem>>[vector<16xi32>], vector<16xf32>,
      %parallel_loop3A_1028 = arith.constant 640 : i32
      %parallel_loop3A_1029 = vector.broadcast %parallel_loop3A_1028 : i32 to vector<16xi32>
      %parallel_loop3A_1030 = arith.addi %parallel_loop3A_997, %parallel_loop3A_1029 : vector<16xi32>
      %parallel_loop3A_1031 = tpu.vector_load_idx %arg7[%parallel_loop3A_1030] : memref<8192xf32, #tpu.memory_space<vmem>>[vector<16xi32>], vector<16xf32>,
      %parallel_loop3A_1032 = arith.constant 768 : i32
      %parallel_loop3A_1033 = vector.broadcast %parallel_loop3A_1032 : i32 to vector<16xi32>
      %parallel_loop3A_1034 = arith.addi %parallel_loop3A_997, %parallel_loop3A_1033 : vector<16xi32>
      %parallel_loop3A_1035 = tpu.vector_load_idx %arg7[%parallel_loop3A_1034] : memref<8192xf32, #tpu.memory_space<vmem>>[vector<16xi32>], vector<16xf32>,
      %parallel_loop3A_1036 = arith.constant 896 : i32
      %parallel_loop3A_1037 = vector.broadcast %parallel_loop3A_1036 : i32 to vector<16xi32>
      %parallel_loop3A_1038 = arith.addi %parallel_loop3A_997, %parallel_loop3A_1037 : vector<16xi32>
      %parallel_loop3A_1039 = tpu.vector_load_idx %arg7[%parallel_loop3A_1038] : memref<8192xf32, #tpu.memory_space<vmem>>[vector<16xi32>], vector<16xf32>,
      %parallel_loop3A_1040 = arith.constant 0 : i32
      %parallel_loop3A_1041 = vector.broadcast %parallel_loop3A_1040 : i32 to vector<16xi32>
      %parallel_loop3A_1042 = arith.addi %parallel_loop3A_1007, %parallel_loop3A_1041 : vector<16xi32>
      %parallel_loop3A_1043 = tpu.vector_load_idx %arg8[%parallel_loop3A_1042] : memref<8192xf32, #tpu.memory_space<vmem>>[vector<16xi32>], vector<16xf32>,
      %parallel_loop3A_1044 = arith.constant 128 : i32
      %parallel_loop3A_1045 = vector.broadcast %parallel_loop3A_1044 : i32 to vector<16xi32>
      %parallel_loop3A_1046 = arith.addi %parallel_loop3A_1007, %parallel_loop3A_1045 : vector<16xi32>
      %parallel_loop3A_1047 = tpu.vector_load_idx %arg8[%parallel_loop3A_1046] : memref<8192xf32, #tpu.memory_space<vmem>>[vector<16xi32>], vector<16xf32>,
      %parallel_loop3A_1048 = arith.constant 256 : i32
      %parallel_loop3A_1049 = vector.broadcast %parallel_loop3A_1048 : i32 to vector<16xi32>
      %parallel_loop3A_1050 = arith.addi %parallel_loop3A_1007, %parallel_loop3A_1049 : vector<16xi32>
      %parallel_loop3A_1051 = tpu.vector_load_idx %arg8[%parallel_loop3A_1050] : memref<8192xf32, #tpu.memory_space<vmem>>[vector<16xi32>], vector<16xf32>,
      %parallel_loop3A_1052 = arith.constant 384 : i32
      %parallel_loop3A_1053 = vector.broadcast %parallel_loop3A_1052 : i32 to vector<16xi32>
      %parallel_loop3A_1054 = arith.addi %parallel_loop3A_1007, %parallel_loop3A_1053 : vector<16xi32>
      %parallel_loop3A_1055 = tpu.vector_load_idx %arg8[%parallel_loop3A_1054] : memref<8192xf32, #tpu.memory_space<vmem>>[vector<16xi32>], vector<16xf32>,
      %parallel_loop3A_1056 = arith.constant 512 : i32
      %parallel_loop3A_1057 = vector.broadcast %parallel_loop3A_1056 : i32 to vector<16xi32>
      %parallel_loop3A_1058 = arith.addi %parallel_loop3A_1007, %parallel_loop3A_1057 : vector<16xi32>
      %parallel_loop3A_1059 = tpu.vector_load_idx %arg8[%parallel_loop3A_1058] : memref<8192xf32, #tpu.memory_space<vmem>>[vector<16xi32>], vector<16xf32>,
      %parallel_loop3A_1060 = arith.constant 640 : i32
      %parallel_loop3A_1061 = vector.broadcast %parallel_loop3A_1060 : i32 to vector<16xi32>
      %parallel_loop3A_1062 = arith.addi %parallel_loop3A_1007, %parallel_loop3A_1061 : vector<16xi32>
      %parallel_loop3A_1063 = tpu.vector_load_idx %arg8[%parallel_loop3A_1062] : memref<8192xf32, #tpu.memory_space<vmem>>[vector<16xi32>], vector<16xf32>,
      %parallel_loop3A_1064 = arith.constant 768 : i32
      %parallel_loop3A_1065 = vector.broadcast %parallel_loop3A_1064 : i32 to vector<16xi32>
      %parallel_loop3A_1066 = arith.addi %parallel_loop3A_1007, %parallel_loop3A_1065 : vector<16xi32>
      %parallel_loop3A_1067 = tpu.vector_load_idx %arg8[%parallel_loop3A_1066] : memref<8192xf32, #tpu.memory_space<vmem>>[vector<16xi32>], vector<16xf32>,
      %parallel_loop3A_1068 = arith.constant 896 : i32
      %parallel_loop3A_1069 = vector.broadcast %parallel_loop3A_1068 : i32 to vector<16xi32>
      %parallel_loop3A_1070 = arith.addi %parallel_loop3A_1007, %parallel_loop3A_1069 : vector<16xi32>
      %parallel_loop3A_1071 = tpu.vector_load_idx %arg8[%parallel_loop3A_1070] : memref<8192xf32, #tpu.memory_space<vmem>>[vector<16xi32>], vector<16xf32>,
      %parallel_loop3A_1072 = arith.addf %parallel_loop3A_1011, %parallel_loop3A_1043 : vector<16xf32>
      %parallel_loop3A_1073 = arith.constant 0 : i32
      %parallel_loop3A_1074 = arith.index_cast %parallel_loop3A_671 : i32 to index
      %parallel_loop3A_1075 = arith.index_cast %parallel_loop3A_1073 : i32 to index
      %parallel_loop3A_1076 = arith.constant 32 : index
      %parallel_loop3A_1077 = tpu.vector_load %arg9[%parallel_loop3A_1074, %parallel_loop3A_1075, %parallel_loop3A_1076] {strides = array<i32>} : memref<16x8x128xf32, #tpu.memory_space<vmem>>, vector<16xf32>,
      tpu.vector_store %arg9[%parallel_loop3A_1074, %parallel_loop3A_1075, %parallel_loop3A_1076], %parallel_loop3A_1072 {strides = array<i32>} : memref<16x8x128xf32, #tpu.memory_space<vmem>>, vector<16xf32>,
      %parallel_loop3A_1078 = arith.addf %parallel_loop3A_1015, %parallel_loop3A_1047 : vector<16xf32>
      %parallel_loop3A_1079 = arith.constant 1 : i32
      %parallel_loop3A_1080 = arith.index_cast %parallel_loop3A_671 : i32 to index
      %parallel_loop3A_1081 = arith.index_cast %parallel_loop3A_1079 : i32 to index
      %parallel_loop3A_1082 = arith.constant 32 : index
      %parallel_loop3A_1083 = tpu.vector_load %arg9[%parallel_loop3A_1080, %parallel_loop3A_1081, %parallel_loop3A_1082] {strides = array<i32>} : memref<16x8x128xf32, #tpu.memory_space<vmem>>, vector<16xf32>,
      tpu.vector_store %arg9[%parallel_loop3A_1080, %parallel_loop3A_1081, %parallel_loop3A_1082], %parallel_loop3A_1078 {strides = array<i32>} : memref<16x8x128xf32, #tpu.memory_space<vmem>>, vector<16xf32>,
      %parallel_loop3A_1084 = arith.addf %parallel_loop3A_1019, %parallel_loop3A_1051 : vector<16xf32>
      %parallel_loop3A_1085 = arith.constant 2 : i32
      %parallel_loop3A_1086 = arith.index_cast %parallel_loop3A_671 : i32 to index
      %parallel_loop3A_1087 = arith.index_cast %parallel_loop3A_1085 : i32 to index
      %parallel_loop3A_1088 = arith.constant 32 : index
      %parallel_loop3A_1089 = tpu.vector_load %arg9[%parallel_loop3A_1086, %parallel_loop3A_1087, %parallel_loop3A_1088] {strides = array<i32>} : memref<16x8x128xf32, #tpu.memory_space<vmem>>, vector<16xf32>,
      tpu.vector_store %arg9[%parallel_loop3A_1086, %parallel_loop3A_1087, %parallel_loop3A_1088], %parallel_loop3A_1084 {strides = array<i32>} : memref<16x8x128xf32, #tpu.memory_space<vmem>>, vector<16xf32>,
      %parallel_loop3A_1090 = arith.addf %parallel_loop3A_1023, %parallel_loop3A_1055 : vector<16xf32>
      %parallel_loop3A_1091 = arith.constant 3 : i32
      %parallel_loop3A_1092 = arith.index_cast %parallel_loop3A_671 : i32 to index
      %parallel_loop3A_1093 = arith.index_cast %parallel_loop3A_1091 : i32 to index
      %parallel_loop3A_1094 = arith.constant 32 : index
      %parallel_loop3A_1095 = tpu.vector_load %arg9[%parallel_loop3A_1092, %parallel_loop3A_1093, %parallel_loop3A_1094] {strides = array<i32>} : memref<16x8x128xf32, #tpu.memory_space<vmem>>, vector<16xf32>,
      tpu.vector_store %arg9[%parallel_loop3A_1092, %parallel_loop3A_1093, %parallel_loop3A_1094], %parallel_loop3A_1090 {strides = array<i32>} : memref<16x8x128xf32, #tpu.memory_space<vmem>>, vector<16xf32>,
      %parallel_loop3A_1096 = arith.addf %parallel_loop3A_1027, %parallel_loop3A_1059 : vector<16xf32>
      %parallel_loop3A_1097 = arith.constant 4 : i32
      %parallel_loop3A_1098 = arith.index_cast %parallel_loop3A_671 : i32 to index
      %parallel_loop3A_1099 = arith.index_cast %parallel_loop3A_1097 : i32 to index
      %parallel_loop3A_1100 = arith.constant 32 : index
      %parallel_loop3A_1101 = tpu.vector_load %arg9[%parallel_loop3A_1098, %parallel_loop3A_1099, %parallel_loop3A_1100] {strides = array<i32>} : memref<16x8x128xf32, #tpu.memory_space<vmem>>, vector<16xf32>,
      tpu.vector_store %arg9[%parallel_loop3A_1098, %parallel_loop3A_1099, %parallel_loop3A_1100], %parallel_loop3A_1096 {strides = array<i32>} : memref<16x8x128xf32, #tpu.memory_space<vmem>>, vector<16xf32>,
      %parallel_loop3A_1102 = arith.addf %parallel_loop3A_1031, %parallel_loop3A_1063 : vector<16xf32>
      %parallel_loop3A_1103 = arith.constant 5 : i32
      %parallel_loop3A_1104 = arith.index_cast %parallel_loop3A_671 : i32 to index
      %parallel_loop3A_1105 = arith.index_cast %parallel_loop3A_1103 : i32 to index
      %parallel_loop3A_1106 = arith.constant 32 : index
      %parallel_loop3A_1107 = tpu.vector_load %arg9[%parallel_loop3A_1104, %parallel_loop3A_1105, %parallel_loop3A_1106] {strides = array<i32>} : memref<16x8x128xf32, #tpu.memory_space<vmem>>, vector<16xf32>,
      tpu.vector_store %arg9[%parallel_loop3A_1104, %parallel_loop3A_1105, %parallel_loop3A_1106], %parallel_loop3A_1102 {strides = array<i32>} : memref<16x8x128xf32, #tpu.memory_space<vmem>>, vector<16xf32>,
      %parallel_loop3A_1108 = arith.addf %parallel_loop3A_1035, %parallel_loop3A_1067 : vector<16xf32>
      %parallel_loop3A_1109 = arith.constant 6 : i32
      %parallel_loop3A_1110 = arith.index_cast %parallel_loop3A_671 : i32 to index
      %parallel_loop3A_1111 = arith.index_cast %parallel_loop3A_1109 : i32 to index
      %parallel_loop3A_1112 = arith.constant 32 : index
      %parallel_loop3A_1113 = tpu.vector_load %arg9[%parallel_loop3A_1110, %parallel_loop3A_1111, %parallel_loop3A_1112] {strides = array<i32>} : memref<16x8x128xf32, #tpu.memory_space<vmem>>, vector<16xf32>,
      tpu.vector_store %arg9[%parallel_loop3A_1110, %parallel_loop3A_1111, %parallel_loop3A_1112], %parallel_loop3A_1108 {strides = array<i32>} : memref<16x8x128xf32, #tpu.memory_space<vmem>>, vector<16xf32>,
      %parallel_loop3A_1114 = arith.addf %parallel_loop3A_1039, %parallel_loop3A_1071 : vector<16xf32>
      %parallel_loop3A_1115 = arith.constant 7 : i32
      %parallel_loop3A_1116 = arith.index_cast %parallel_loop3A_671 : i32 to index
      %parallel_loop3A_1117 = arith.index_cast %parallel_loop3A_1115 : i32 to index
      %parallel_loop3A_1118 = arith.constant 32 : index
      %parallel_loop3A_1119 = tpu.vector_load %arg9[%parallel_loop3A_1116, %parallel_loop3A_1117, %parallel_loop3A_1118] {strides = array<i32>} : memref<16x8x128xf32, #tpu.memory_space<vmem>>, vector<16xf32>,
      tpu.vector_store %arg9[%parallel_loop3A_1116, %parallel_loop3A_1117, %parallel_loop3A_1118], %parallel_loop3A_1114 {strides = array<i32>} : memref<16x8x128xf32, #tpu.memory_space<vmem>>, vector<16xf32>,
      %parallel_loop3A_1120 = arith.constant 48 : i32
      %parallel_loop3A_1121 = arith.addi %parallel_loop3A_675, %parallel_loop3A_1120 : i32
      %parallel_loop3A_1122 = arith.index_cast %parallel_loop3A_1121 : i32 to index
      %parallel_loop3A_1123 = tpu.vector_load %arg6[%parallel_loop3A_1122] {strides = array<i32>} : memref<4096xi32, #tpu.memory_space<vmem>>, vector<16xi32>,
      %parallel_loop3A_1124 = arith.constant 1 : i32
      %parallel_loop3A_1125 = vector.broadcast %parallel_loop3A_1124 : i32 to vector<16xi32>
      %parallel_loop3A_1126 = arith.addi %parallel_loop3A_1123, %parallel_loop3A_1125 : vector<16xi32>
      %parallel_loop3A_1127 = arith.constant 128 : i32
      %parallel_loop3A_1128 = arith.addi %parallel_loop3A_675, %parallel_loop3A_1127 : i32
      %parallel_loop3A_1129 = arith.constant 48 : i32
      %parallel_loop3A_1130 = arith.addi %parallel_loop3A_1128, %parallel_loop3A_1129 : i32
      %parallel_loop3A_1131 = arith.index_cast %parallel_loop3A_1130 : i32 to index
      %parallel_loop3A_1132 = tpu.vector_load %arg6[%parallel_loop3A_1131] {strides = array<i32>} : memref<4096xi32, #tpu.memory_space<vmem>>, vector<16xi32>,
      %parallel_loop3A_1133 = arith.constant 1 : i32
      %parallel_loop3A_1134 = vector.broadcast %parallel_loop3A_1133 : i32 to vector<16xi32>
      %parallel_loop3A_1135 = arith.addi %parallel_loop3A_1132, %parallel_loop3A_1134 : vector<16xi32>
      %parallel_loop3A_1136 = arith.constant 7 : i32
      %parallel_loop3A_1137 = vector.broadcast %parallel_loop3A_1136 : i32 to vector<16xi32>
      %parallel_loop3A_1138 = arith.shrsi %parallel_loop3A_1126, %parallel_loop3A_1137 : vector<16xi32>
      %parallel_loop3A_1139 = arith.constant 10 : i32
      %parallel_loop3A_1140 = vector.broadcast %parallel_loop3A_1139 : i32 to vector<16xi32>
      %parallel_loop3A_1141 = arith.shli %parallel_loop3A_1138, %parallel_loop3A_1140 : vector<16xi32>
      %parallel_loop3A_1142 = arith.constant 127 : i32
      %parallel_loop3A_1143 = vector.broadcast %parallel_loop3A_1142 : i32 to vector<16xi32>
      %parallel_loop3A_1144 = arith.andi %parallel_loop3A_1126, %parallel_loop3A_1143 : vector<16xi32>
      %parallel_loop3A_1145 = arith.addi %parallel_loop3A_1141, %parallel_loop3A_1144 : vector<16xi32>
      %parallel_loop3A_1146 = arith.constant 7 : i32
      %parallel_loop3A_1147 = vector.broadcast %parallel_loop3A_1146 : i32 to vector<16xi32>
      %parallel_loop3A_1148 = arith.shrsi %parallel_loop3A_1135, %parallel_loop3A_1147 : vector<16xi32>
      %parallel_loop3A_1149 = arith.constant 10 : i32
      %parallel_loop3A_1150 = vector.broadcast %parallel_loop3A_1149 : i32 to vector<16xi32>
      %parallel_loop3A_1151 = arith.shli %parallel_loop3A_1148, %parallel_loop3A_1150 : vector<16xi32>
      %parallel_loop3A_1152 = arith.constant 127 : i32
      %parallel_loop3A_1153 = vector.broadcast %parallel_loop3A_1152 : i32 to vector<16xi32>
      %parallel_loop3A_1154 = arith.andi %parallel_loop3A_1135, %parallel_loop3A_1153 : vector<16xi32>
      %parallel_loop3A_1155 = arith.addi %parallel_loop3A_1151, %parallel_loop3A_1154 : vector<16xi32>
      %parallel_loop3A_1156 = arith.constant 0 : i32
      %parallel_loop3A_1157 = vector.broadcast %parallel_loop3A_1156 : i32 to vector<16xi32>
      %parallel_loop3A_1158 = arith.addi %parallel_loop3A_1145, %parallel_loop3A_1157 : vector<16xi32>
      %parallel_loop3A_1159 = tpu.vector_load_idx %arg7[%parallel_loop3A_1158] : memref<8192xf32, #tpu.memory_space<vmem>>[vector<16xi32>], vector<16xf32>,
      %parallel_loop3A_1160 = arith.constant 128 : i32
      %parallel_loop3A_1161 = vector.broadcast %parallel_loop3A_1160 : i32 to vector<16xi32>
      %parallel_loop3A_1162 = arith.addi %parallel_loop3A_1145, %parallel_loop3A_1161 : vector<16xi32>
      %parallel_loop3A_1163 = tpu.vector_load_idx %arg7[%parallel_loop3A_1162] : memref<8192xf32, #tpu.memory_space<vmem>>[vector<16xi32>], vector<16xf32>,
      %parallel_loop3A_1164 = arith.constant 256 : i32
      %parallel_loop3A_1165 = vector.broadcast %parallel_loop3A_1164 : i32 to vector<16xi32>
      %parallel_loop3A_1166 = arith.addi %parallel_loop3A_1145, %parallel_loop3A_1165 : vector<16xi32>
      %parallel_loop3A_1167 = tpu.vector_load_idx %arg7[%parallel_loop3A_1166] : memref<8192xf32, #tpu.memory_space<vmem>>[vector<16xi32>], vector<16xf32>,
      %parallel_loop3A_1168 = arith.constant 384 : i32
      %parallel_loop3A_1169 = vector.broadcast %parallel_loop3A_1168 : i32 to vector<16xi32>
      %parallel_loop3A_1170 = arith.addi %parallel_loop3A_1145, %parallel_loop3A_1169 : vector<16xi32>
      %parallel_loop3A_1171 = tpu.vector_load_idx %arg7[%parallel_loop3A_1170] : memref<8192xf32, #tpu.memory_space<vmem>>[vector<16xi32>], vector<16xf32>,
      %parallel_loop3A_1172 = arith.constant 512 : i32
      %parallel_loop3A_1173 = vector.broadcast %parallel_loop3A_1172 : i32 to vector<16xi32>
      %parallel_loop3A_1174 = arith.addi %parallel_loop3A_1145, %parallel_loop3A_1173 : vector<16xi32>
      %parallel_loop3A_1175 = tpu.vector_load_idx %arg7[%parallel_loop3A_1174] : memref<8192xf32, #tpu.memory_space<vmem>>[vector<16xi32>], vector<16xf32>,
      %parallel_loop3A_1176 = arith.constant 640 : i32
      %parallel_loop3A_1177 = vector.broadcast %parallel_loop3A_1176 : i32 to vector<16xi32>
      %parallel_loop3A_1178 = arith.addi %parallel_loop3A_1145, %parallel_loop3A_1177 : vector<16xi32>
      %parallel_loop3A_1179 = tpu.vector_load_idx %arg7[%parallel_loop3A_1178] : memref<8192xf32, #tpu.memory_space<vmem>>[vector<16xi32>], vector<16xf32>,
      %parallel_loop3A_1180 = arith.constant 768 : i32
      %parallel_loop3A_1181 = vector.broadcast %parallel_loop3A_1180 : i32 to vector<16xi32>
      %parallel_loop3A_1182 = arith.addi %parallel_loop3A_1145, %parallel_loop3A_1181 : vector<16xi32>
      %parallel_loop3A_1183 = tpu.vector_load_idx %arg7[%parallel_loop3A_1182] : memref<8192xf32, #tpu.memory_space<vmem>>[vector<16xi32>], vector<16xf32>,
      %parallel_loop3A_1184 = arith.constant 896 : i32
      %parallel_loop3A_1185 = vector.broadcast %parallel_loop3A_1184 : i32 to vector<16xi32>
      %parallel_loop3A_1186 = arith.addi %parallel_loop3A_1145, %parallel_loop3A_1185 : vector<16xi32>
      %parallel_loop3A_1187 = tpu.vector_load_idx %arg7[%parallel_loop3A_1186] : memref<8192xf32, #tpu.memory_space<vmem>>[vector<16xi32>], vector<16xf32>,
      %parallel_loop3A_1188 = arith.constant 0 : i32
      %parallel_loop3A_1189 = vector.broadcast %parallel_loop3A_1188 : i32 to vector<16xi32>
      %parallel_loop3A_1190 = arith.addi %parallel_loop3A_1155, %parallel_loop3A_1189 : vector<16xi32>
      %parallel_loop3A_1191 = tpu.vector_load_idx %arg8[%parallel_loop3A_1190] : memref<8192xf32, #tpu.memory_space<vmem>>[vector<16xi32>], vector<16xf32>,
      %parallel_loop3A_1192 = arith.constant 128 : i32
      %parallel_loop3A_1193 = vector.broadcast %parallel_loop3A_1192 : i32 to vector<16xi32>
      %parallel_loop3A_1194 = arith.addi %parallel_loop3A_1155, %parallel_loop3A_1193 : vector<16xi32>
      %parallel_loop3A_1195 = tpu.vector_load_idx %arg8[%parallel_loop3A_1194] : memref<8192xf32, #tpu.memory_space<vmem>>[vector<16xi32>], vector<16xf32>,
      %parallel_loop3A_1196 = arith.constant 256 : i32
      %parallel_loop3A_1197 = vector.broadcast %parallel_loop3A_1196 : i32 to vector<16xi32>
      %parallel_loop3A_1198 = arith.addi %parallel_loop3A_1155, %parallel_loop3A_1197 : vector<16xi32>
      %parallel_loop3A_1199 = tpu.vector_load_idx %arg8[%parallel_loop3A_1198] : memref<8192xf32, #tpu.memory_space<vmem>>[vector<16xi32>], vector<16xf32>,
      %parallel_loop3A_1200 = arith.constant 384 : i32
      %parallel_loop3A_1201 = vector.broadcast %parallel_loop3A_1200 : i32 to vector<16xi32>
      %parallel_loop3A_1202 = arith.addi %parallel_loop3A_1155, %parallel_loop3A_1201 : vector<16xi32>
      %parallel_loop3A_1203 = tpu.vector_load_idx %arg8[%parallel_loop3A_1202] : memref<8192xf32, #tpu.memory_space<vmem>>[vector<16xi32>], vector<16xf32>,
      %parallel_loop3A_1204 = arith.constant 512 : i32
      %parallel_loop3A_1205 = vector.broadcast %parallel_loop3A_1204 : i32 to vector<16xi32>
      %parallel_loop3A_1206 = arith.addi %parallel_loop3A_1155, %parallel_loop3A_1205 : vector<16xi32>
      %parallel_loop3A_1207 = tpu.vector_load_idx %arg8[%parallel_loop3A_1206] : memref<8192xf32, #tpu.memory_space<vmem>>[vector<16xi32>], vector<16xf32>,
      %parallel_loop3A_1208 = arith.constant 640 : i32
      %parallel_loop3A_1209 = vector.broadcast %parallel_loop3A_1208 : i32 to vector<16xi32>
      %parallel_loop3A_1210 = arith.addi %parallel_loop3A_1155, %parallel_loop3A_1209 : vector<16xi32>
      %parallel_loop3A_1211 = tpu.vector_load_idx %arg8[%parallel_loop3A_1210] : memref<8192xf32, #tpu.memory_space<vmem>>[vector<16xi32>], vector<16xf32>,
      %parallel_loop3A_1212 = arith.constant 768 : i32
      %parallel_loop3A_1213 = vector.broadcast %parallel_loop3A_1212 : i32 to vector<16xi32>
      %parallel_loop3A_1214 = arith.addi %parallel_loop3A_1155, %parallel_loop3A_1213 : vector<16xi32>
      %parallel_loop3A_1215 = tpu.vector_load_idx %arg8[%parallel_loop3A_1214] : memref<8192xf32, #tpu.memory_space<vmem>>[vector<16xi32>], vector<16xf32>,
      %parallel_loop3A_1216 = arith.constant 896 : i32
      %parallel_loop3A_1217 = vector.broadcast %parallel_loop3A_1216 : i32 to vector<16xi32>
      %parallel_loop3A_1218 = arith.addi %parallel_loop3A_1155, %parallel_loop3A_1217 : vector<16xi32>
      %parallel_loop3A_1219 = tpu.vector_load_idx %arg8[%parallel_loop3A_1218] : memref<8192xf32, #tpu.memory_space<vmem>>[vector<16xi32>], vector<16xf32>,
      %parallel_loop3A_1220 = arith.addf %parallel_loop3A_1159, %parallel_loop3A_1191 : vector<16xf32>
      %parallel_loop3A_1221 = arith.constant 0 : i32
      %parallel_loop3A_1222 = arith.index_cast %parallel_loop3A_671 : i32 to index
      %parallel_loop3A_1223 = arith.index_cast %parallel_loop3A_1221 : i32 to index
      %parallel_loop3A_1224 = arith.constant 48 : index
      %parallel_loop3A_1225 = tpu.vector_load %arg9[%parallel_loop3A_1222, %parallel_loop3A_1223, %parallel_loop3A_1224] {strides = array<i32>} : memref<16x8x128xf32, #tpu.memory_space<vmem>>, vector<16xf32>,
      tpu.vector_store %arg9[%parallel_loop3A_1222, %parallel_loop3A_1223, %parallel_loop3A_1224], %parallel_loop3A_1220 {strides = array<i32>} : memref<16x8x128xf32, #tpu.memory_space<vmem>>, vector<16xf32>,
      %parallel_loop3A_1226 = arith.addf %parallel_loop3A_1163, %parallel_loop3A_1195 : vector<16xf32>
      %parallel_loop3A_1227 = arith.constant 1 : i32
      %parallel_loop3A_1228 = arith.index_cast %parallel_loop3A_671 : i32 to index
      %parallel_loop3A_1229 = arith.index_cast %parallel_loop3A_1227 : i32 to index
      %parallel_loop3A_1230 = arith.constant 48 : index
      %parallel_loop3A_1231 = tpu.vector_load %arg9[%parallel_loop3A_1228, %parallel_loop3A_1229, %parallel_loop3A_1230] {strides = array<i32>} : memref<16x8x128xf32, #tpu.memory_space<vmem>>, vector<16xf32>,
      tpu.vector_store %arg9[%parallel_loop3A_1228, %parallel_loop3A_1229, %parallel_loop3A_1230], %parallel_loop3A_1226 {strides = array<i32>} : memref<16x8x128xf32, #tpu.memory_space<vmem>>, vector<16xf32>,
      %parallel_loop3A_1232 = arith.addf %parallel_loop3A_1167, %parallel_loop3A_1199 : vector<16xf32>
      %parallel_loop3A_1233 = arith.constant 2 : i32
      %parallel_loop3A_1234 = arith.index_cast %parallel_loop3A_671 : i32 to index
      %parallel_loop3A_1235 = arith.index_cast %parallel_loop3A_1233 : i32 to index
      %parallel_loop3A_1236 = arith.constant 48 : index
      %parallel_loop3A_1237 = tpu.vector_load %arg9[%parallel_loop3A_1234, %parallel_loop3A_1235, %parallel_loop3A_1236] {strides = array<i32>} : memref<16x8x128xf32, #tpu.memory_space<vmem>>, vector<16xf32>,
      tpu.vector_store %arg9[%parallel_loop3A_1234, %parallel_loop3A_1235, %parallel_loop3A_1236], %parallel_loop3A_1232 {strides = array<i32>} : memref<16x8x128xf32, #tpu.memory_space<vmem>>, vector<16xf32>,
      %parallel_loop3A_1238 = arith.addf %parallel_loop3A_1171, %parallel_loop3A_1203 : vector<16xf32>
      %parallel_loop3A_1239 = arith.constant 3 : i32
      %parallel_loop3A_1240 = arith.index_cast %parallel_loop3A_671 : i32 to index
      %parallel_loop3A_1241 = arith.index_cast %parallel_loop3A_1239 : i32 to index
      %parallel_loop3A_1242 = arith.constant 48 : index
      %parallel_loop3A_1243 = tpu.vector_load %arg9[%parallel_loop3A_1240, %parallel_loop3A_1241, %parallel_loop3A_1242] {strides = array<i32>} : memref<16x8x128xf32, #tpu.memory_space<vmem>>, vector<16xf32>,
      tpu.vector_store %arg9[%parallel_loop3A_1240, %parallel_loop3A_1241, %parallel_loop3A_1242], %parallel_loop3A_1238 {strides = array<i32>} : memref<16x8x128xf32, #tpu.memory_space<vmem>>, vector<16xf32>,
      %parallel_loop3A_1244 = arith.addf %parallel_loop3A_1175, %parallel_loop3A_1207 : vector<16xf32>
      %parallel_loop3A_1245 = arith.constant 4 : i32
      %parallel_loop3A_1246 = arith.index_cast %parallel_loop3A_671 : i32 to index
      %parallel_loop3A_1247 = arith.index_cast %parallel_loop3A_1245 : i32 to index
      %parallel_loop3A_1248 = arith.constant 48 : index
      %parallel_loop3A_1249 = tpu.vector_load %arg9[%parallel_loop3A_1246, %parallel_loop3A_1247, %parallel_loop3A_1248] {strides = array<i32>} : memref<16x8x128xf32, #tpu.memory_space<vmem>>, vector<16xf32>,
      tpu.vector_store %arg9[%parallel_loop3A_1246, %parallel_loop3A_1247, %parallel_loop3A_1248], %parallel_loop3A_1244 {strides = array<i32>} : memref<16x8x128xf32, #tpu.memory_space<vmem>>, vector<16xf32>,
      %parallel_loop3A_1250 = arith.addf %parallel_loop3A_1179, %parallel_loop3A_1211 : vector<16xf32>
      %parallel_loop3A_1251 = arith.constant 5 : i32
      %parallel_loop3A_1252 = arith.index_cast %parallel_loop3A_671 : i32 to index
      %parallel_loop3A_1253 = arith.index_cast %parallel_loop3A_1251 : i32 to index
      %parallel_loop3A_1254 = arith.constant 48 : index
      %parallel_loop3A_1255 = tpu.vector_load %arg9[%parallel_loop3A_1252, %parallel_loop3A_1253, %parallel_loop3A_1254] {strides = array<i32>} : memref<16x8x128xf32, #tpu.memory_space<vmem>>, vector<16xf32>,
      tpu.vector_store %arg9[%parallel_loop3A_1252, %parallel_loop3A_1253, %parallel_loop3A_1254], %parallel_loop3A_1250 {strides = array<i32>} : memref<16x8x128xf32, #tpu.memory_space<vmem>>, vector<16xf32>,
      %parallel_loop3A_1256 = arith.addf %parallel_loop3A_1183, %parallel_loop3A_1215 : vector<16xf32>
      %parallel_loop3A_1257 = arith.constant 6 : i32
      %parallel_loop3A_1258 = arith.index_cast %parallel_loop3A_671 : i32 to index
      %parallel_loop3A_1259 = arith.index_cast %parallel_loop3A_1257 : i32 to index
      %parallel_loop3A_1260 = arith.constant 48 : index
      %parallel_loop3A_1261 = tpu.vector_load %arg9[%parallel_loop3A_1258, %parallel_loop3A_1259, %parallel_loop3A_1260] {strides = array<i32>} : memref<16x8x128xf32, #tpu.memory_space<vmem>>, vector<16xf32>,
      tpu.vector_store %arg9[%parallel_loop3A_1258, %parallel_loop3A_1259, %parallel_loop3A_1260], %parallel_loop3A_1256 {strides = array<i32>} : memref<16x8x128xf32, #tpu.memory_space<vmem>>, vector<16xf32>,
      %parallel_loop3A_1262 = arith.addf %parallel_loop3A_1187, %parallel_loop3A_1219 : vector<16xf32>
      %parallel_loop3A_1263 = arith.constant 7 : i32
      %parallel_loop3A_1264 = arith.index_cast %parallel_loop3A_671 : i32 to index
      %parallel_loop3A_1265 = arith.index_cast %parallel_loop3A_1263 : i32 to index
      %parallel_loop3A_1266 = arith.constant 48 : index
      %parallel_loop3A_1267 = tpu.vector_load %arg9[%parallel_loop3A_1264, %parallel_loop3A_1265, %parallel_loop3A_1266] {strides = array<i32>} : memref<16x8x128xf32, #tpu.memory_space<vmem>>, vector<16xf32>,
      tpu.vector_store %arg9[%parallel_loop3A_1264, %parallel_loop3A_1265, %parallel_loop3A_1266], %parallel_loop3A_1262 {strides = array<i32>} : memref<16x8x128xf32, #tpu.memory_space<vmem>>, vector<16xf32>,
      %parallel_loop3A_1268 = arith.constant 64 : i32
      %parallel_loop3A_1269 = arith.addi %parallel_loop3A_675, %parallel_loop3A_1268 : i32
      %parallel_loop3A_1270 = arith.index_cast %parallel_loop3A_1269 : i32 to index
      %parallel_loop3A_1271 = tpu.vector_load %arg6[%parallel_loop3A_1270] {strides = array<i32>} : memref<4096xi32, #tpu.memory_space<vmem>>, vector<16xi32>,
      %parallel_loop3A_1272 = arith.constant 1 : i32
      %parallel_loop3A_1273 = vector.broadcast %parallel_loop3A_1272 : i32 to vector<16xi32>
      %parallel_loop3A_1274 = arith.addi %parallel_loop3A_1271, %parallel_loop3A_1273 : vector<16xi32>
      %parallel_loop3A_1275 = arith.constant 128 : i32
      %parallel_loop3A_1276 = arith.addi %parallel_loop3A_675, %parallel_loop3A_1275 : i32
      %parallel_loop3A_1277 = arith.constant 64 : i32
      %parallel_loop3A_1278 = arith.addi %parallel_loop3A_1276, %parallel_loop3A_1277 : i32
      %parallel_loop3A_1279 = arith.index_cast %parallel_loop3A_1278 : i32 to index
      %parallel_loop3A_1280 = tpu.vector_load %arg6[%parallel_loop3A_1279] {strides = array<i32>} : memref<4096xi32, #tpu.memory_space<vmem>>, vector<16xi32>,
      %parallel_loop3A_1281 = arith.constant 1 : i32
      %parallel_loop3A_1282 = vector.broadcast %parallel_loop3A_1281 : i32 to vector<16xi32>
      %parallel_loop3A_1283 = arith.addi %parallel_loop3A_1280, %parallel_loop3A_1282 : vector<16xi32>
      %parallel_loop3A_1284 = arith.constant 7 : i32
      %parallel_loop3A_1285 = vector.broadcast %parallel_loop3A_1284 : i32 to vector<16xi32>
      %parallel_loop3A_1286 = arith.shrsi %parallel_loop3A_1274, %parallel_loop3A_1285 : vector<16xi32>
      %parallel_loop3A_1287 = arith.constant 10 : i32
      %parallel_loop3A_1288 = vector.broadcast %parallel_loop3A_1287 : i32 to vector<16xi32>
      %parallel_loop3A_1289 = arith.shli %parallel_loop3A_1286, %parallel_loop3A_1288 : vector<16xi32>
      %parallel_loop3A_1290 = arith.constant 127 : i32
      %parallel_loop3A_1291 = vector.broadcast %parallel_loop3A_1290 : i32 to vector<16xi32>
      %parallel_loop3A_1292 = arith.andi %parallel_loop3A_1274, %parallel_loop3A_1291 : vector<16xi32>
      %parallel_loop3A_1293 = arith.addi %parallel_loop3A_1289, %parallel_loop3A_1292 : vector<16xi32>
      %parallel_loop3A_1294 = arith.constant 7 : i32
      %parallel_loop3A_1295 = vector.broadcast %parallel_loop3A_1294 : i32 to vector<16xi32>
      %parallel_loop3A_1296 = arith.shrsi %parallel_loop3A_1283, %parallel_loop3A_1295 : vector<16xi32>
      %parallel_loop3A_1297 = arith.constant 10 : i32
      %parallel_loop3A_1298 = vector.broadcast %parallel_loop3A_1297 : i32 to vector<16xi32>
      %parallel_loop3A_1299 = arith.shli %parallel_loop3A_1296, %parallel_loop3A_1298 : vector<16xi32>
      %parallel_loop3A_1300 = arith.constant 127 : i32
      %parallel_loop3A_1301 = vector.broadcast %parallel_loop3A_1300 : i32 to vector<16xi32>
      %parallel_loop3A_1302 = arith.andi %parallel_loop3A_1283, %parallel_loop3A_1301 : vector<16xi32>
      %parallel_loop3A_1303 = arith.addi %parallel_loop3A_1299, %parallel_loop3A_1302 : vector<16xi32>
      %parallel_loop3A_1304 = arith.constant 0 : i32
      %parallel_loop3A_1305 = vector.broadcast %parallel_loop3A_1304 : i32 to vector<16xi32>
      %parallel_loop3A_1306 = arith.addi %parallel_loop3A_1293, %parallel_loop3A_1305 : vector<16xi32>
      %parallel_loop3A_1307 = tpu.vector_load_idx %arg7[%parallel_loop3A_1306] : memref<8192xf32, #tpu.memory_space<vmem>>[vector<16xi32>], vector<16xf32>,
      %parallel_loop3A_1308 = arith.constant 128 : i32
      %parallel_loop3A_1309 = vector.broadcast %parallel_loop3A_1308 : i32 to vector<16xi32>
      %parallel_loop3A_1310 = arith.addi %parallel_loop3A_1293, %parallel_loop3A_1309 : vector<16xi32>
      %parallel_loop3A_1311 = tpu.vector_load_idx %arg7[%parallel_loop3A_1310] : memref<8192xf32, #tpu.memory_space<vmem>>[vector<16xi32>], vector<16xf32>,
      %parallel_loop3A_1312 = arith.constant 256 : i32
      %parallel_loop3A_1313 = vector.broadcast %parallel_loop3A_1312 : i32 to vector<16xi32>
      %parallel_loop3A_1314 = arith.addi %parallel_loop3A_1293, %parallel_loop3A_1313 : vector<16xi32>
      %parallel_loop3A_1315 = tpu.vector_load_idx %arg7[%parallel_loop3A_1314] : memref<8192xf32, #tpu.memory_space<vmem>>[vector<16xi32>], vector<16xf32>,
      %parallel_loop3A_1316 = arith.constant 384 : i32
      %parallel_loop3A_1317 = vector.broadcast %parallel_loop3A_1316 : i32 to vector<16xi32>
      %parallel_loop3A_1318 = arith.addi %parallel_loop3A_1293, %parallel_loop3A_1317 : vector<16xi32>
      %parallel_loop3A_1319 = tpu.vector_load_idx %arg7[%parallel_loop3A_1318] : memref<8192xf32, #tpu.memory_space<vmem>>[vector<16xi32>], vector<16xf32>,
      %parallel_loop3A_1320 = arith.constant 512 : i32
      %parallel_loop3A_1321 = vector.broadcast %parallel_loop3A_1320 : i32 to vector<16xi32>
      %parallel_loop3A_1322 = arith.addi %parallel_loop3A_1293, %parallel_loop3A_1321 : vector<16xi32>
      %parallel_loop3A_1323 = tpu.vector_load_idx %arg7[%parallel_loop3A_1322] : memref<8192xf32, #tpu.memory_space<vmem>>[vector<16xi32>], vector<16xf32>,
      %parallel_loop3A_1324 = arith.constant 640 : i32
      %parallel_loop3A_1325 = vector.broadcast %parallel_loop3A_1324 : i32 to vector<16xi32>
      %parallel_loop3A_1326 = arith.addi %parallel_loop3A_1293, %parallel_loop3A_1325 : vector<16xi32>
      %parallel_loop3A_1327 = tpu.vector_load_idx %arg7[%parallel_loop3A_1326] : memref<8192xf32, #tpu.memory_space<vmem>>[vector<16xi32>], vector<16xf32>,
      %parallel_loop3A_1328 = arith.constant 768 : i32
      %parallel_loop3A_1329 = vector.broadcast %parallel_loop3A_1328 : i32 to vector<16xi32>
      %parallel_loop3A_1330 = arith.addi %parallel_loop3A_1293, %parallel_loop3A_1329 : vector<16xi32>
      %parallel_loop3A_1331 = tpu.vector_load_idx %arg7[%parallel_loop3A_1330] : memref<8192xf32, #tpu.memory_space<vmem>>[vector<16xi32>], vector<16xf32>,
      %parallel_loop3A_1332 = arith.constant 896 : i32
      %parallel_loop3A_1333 = vector.broadcast %parallel_loop3A_1332 : i32 to vector<16xi32>
      %parallel_loop3A_1334 = arith.addi %parallel_loop3A_1293, %parallel_loop3A_1333 : vector<16xi32>
      %parallel_loop3A_1335 = tpu.vector_load_idx %arg7[%parallel_loop3A_1334] : memref<8192xf32, #tpu.memory_space<vmem>>[vector<16xi32>], vector<16xf32>,
      %parallel_loop3A_1336 = arith.constant 0 : i32
      %parallel_loop3A_1337 = vector.broadcast %parallel_loop3A_1336 : i32 to vector<16xi32>
      %parallel_loop3A_1338 = arith.addi %parallel_loop3A_1303, %parallel_loop3A_1337 : vector<16xi32>
      %parallel_loop3A_1339 = tpu.vector_load_idx %arg8[%parallel_loop3A_1338] : memref<8192xf32, #tpu.memory_space<vmem>>[vector<16xi32>], vector<16xf32>,
      %parallel_loop3A_1340 = arith.constant 128 : i32
      %parallel_loop3A_1341 = vector.broadcast %parallel_loop3A_1340 : i32 to vector<16xi32>
      %parallel_loop3A_1342 = arith.addi %parallel_loop3A_1303, %parallel_loop3A_1341 : vector<16xi32>
      %parallel_loop3A_1343 = tpu.vector_load_idx %arg8[%parallel_loop3A_1342] : memref<8192xf32, #tpu.memory_space<vmem>>[vector<16xi32>], vector<16xf32>,
      %parallel_loop3A_1344 = arith.constant 256 : i32
      %parallel_loop3A_1345 = vector.broadcast %parallel_loop3A_1344 : i32 to vector<16xi32>
      %parallel_loop3A_1346 = arith.addi %parallel_loop3A_1303, %parallel_loop3A_1345 : vector<16xi32>
      %parallel_loop3A_1347 = tpu.vector_load_idx %arg8[%parallel_loop3A_1346] : memref<8192xf32, #tpu.memory_space<vmem>>[vector<16xi32>], vector<16xf32>,
      %parallel_loop3A_1348 = arith.constant 384 : i32
      %parallel_loop3A_1349 = vector.broadcast %parallel_loop3A_1348 : i32 to vector<16xi32>
      %parallel_loop3A_1350 = arith.addi %parallel_loop3A_1303, %parallel_loop3A_1349 : vector<16xi32>
      %parallel_loop3A_1351 = tpu.vector_load_idx %arg8[%parallel_loop3A_1350] : memref<8192xf32, #tpu.memory_space<vmem>>[vector<16xi32>], vector<16xf32>,
      %parallel_loop3A_1352 = arith.constant 512 : i32
      %parallel_loop3A_1353 = vector.broadcast %parallel_loop3A_1352 : i32 to vector<16xi32>
      %parallel_loop3A_1354 = arith.addi %parallel_loop3A_1303, %parallel_loop3A_1353 : vector<16xi32>
      %parallel_loop3A_1355 = tpu.vector_load_idx %arg8[%parallel_loop3A_1354] : memref<8192xf32, #tpu.memory_space<vmem>>[vector<16xi32>], vector<16xf32>,
      %parallel_loop3A_1356 = arith.constant 640 : i32
      %parallel_loop3A_1357 = vector.broadcast %parallel_loop3A_1356 : i32 to vector<16xi32>
      %parallel_loop3A_1358 = arith.addi %parallel_loop3A_1303, %parallel_loop3A_1357 : vector<16xi32>
      %parallel_loop3A_1359 = tpu.vector_load_idx %arg8[%parallel_loop3A_1358] : memref<8192xf32, #tpu.memory_space<vmem>>[vector<16xi32>], vector<16xf32>,
      %parallel_loop3A_1360 = arith.constant 768 : i32
      %parallel_loop3A_1361 = vector.broadcast %parallel_loop3A_1360 : i32 to vector<16xi32>
      %parallel_loop3A_1362 = arith.addi %parallel_loop3A_1303, %parallel_loop3A_1361 : vector<16xi32>
      %parallel_loop3A_1363 = tpu.vector_load_idx %arg8[%parallel_loop3A_1362] : memref<8192xf32, #tpu.memory_space<vmem>>[vector<16xi32>], vector<16xf32>,
      %parallel_loop3A_1364 = arith.constant 896 : i32
      %parallel_loop3A_1365 = vector.broadcast %parallel_loop3A_1364 : i32 to vector<16xi32>
      %parallel_loop3A_1366 = arith.addi %parallel_loop3A_1303, %parallel_loop3A_1365 : vector<16xi32>
      %parallel_loop3A_1367 = tpu.vector_load_idx %arg8[%parallel_loop3A_1366] : memref<8192xf32, #tpu.memory_space<vmem>>[vector<16xi32>], vector<16xf32>,
      %parallel_loop3A_1368 = arith.addf %parallel_loop3A_1307, %parallel_loop3A_1339 : vector<16xf32>
      %parallel_loop3A_1369 = arith.constant 0 : i32
      %parallel_loop3A_1370 = arith.index_cast %parallel_loop3A_671 : i32 to index
      %parallel_loop3A_1371 = arith.index_cast %parallel_loop3A_1369 : i32 to index
      %parallel_loop3A_1372 = arith.constant 64 : index
      %parallel_loop3A_1373 = tpu.vector_load %arg9[%parallel_loop3A_1370, %parallel_loop3A_1371, %parallel_loop3A_1372] {strides = array<i32>} : memref<16x8x128xf32, #tpu.memory_space<vmem>>, vector<16xf32>,
      tpu.vector_store %arg9[%parallel_loop3A_1370, %parallel_loop3A_1371, %parallel_loop3A_1372], %parallel_loop3A_1368 {strides = array<i32>} : memref<16x8x128xf32, #tpu.memory_space<vmem>>, vector<16xf32>,
      %parallel_loop3A_1374 = arith.addf %parallel_loop3A_1311, %parallel_loop3A_1343 : vector<16xf32>
      %parallel_loop3A_1375 = arith.constant 1 : i32
      %parallel_loop3A_1376 = arith.index_cast %parallel_loop3A_671 : i32 to index
      %parallel_loop3A_1377 = arith.index_cast %parallel_loop3A_1375 : i32 to index
      %parallel_loop3A_1378 = arith.constant 64 : index
      %parallel_loop3A_1379 = tpu.vector_load %arg9[%parallel_loop3A_1376, %parallel_loop3A_1377, %parallel_loop3A_1378] {strides = array<i32>} : memref<16x8x128xf32, #tpu.memory_space<vmem>>, vector<16xf32>,
      tpu.vector_store %arg9[%parallel_loop3A_1376, %parallel_loop3A_1377, %parallel_loop3A_1378], %parallel_loop3A_1374 {strides = array<i32>} : memref<16x8x128xf32, #tpu.memory_space<vmem>>, vector<16xf32>,
      %parallel_loop3A_1380 = arith.addf %parallel_loop3A_1315, %parallel_loop3A_1347 : vector<16xf32>
      %parallel_loop3A_1381 = arith.constant 2 : i32
      %parallel_loop3A_1382 = arith.index_cast %parallel_loop3A_671 : i32 to index
      %parallel_loop3A_1383 = arith.index_cast %parallel_loop3A_1381 : i32 to index
      %parallel_loop3A_1384 = arith.constant 64 : index
      %parallel_loop3A_1385 = tpu.vector_load %arg9[%parallel_loop3A_1382, %parallel_loop3A_1383, %parallel_loop3A_1384] {strides = array<i32>} : memref<16x8x128xf32, #tpu.memory_space<vmem>>, vector<16xf32>,
      tpu.vector_store %arg9[%parallel_loop3A_1382, %parallel_loop3A_1383, %parallel_loop3A_1384], %parallel_loop3A_1380 {strides = array<i32>} : memref<16x8x128xf32, #tpu.memory_space<vmem>>, vector<16xf32>,
      %parallel_loop3A_1386 = arith.addf %parallel_loop3A_1319, %parallel_loop3A_1351 : vector<16xf32>
      %parallel_loop3A_1387 = arith.constant 3 : i32
      %parallel_loop3A_1388 = arith.index_cast %parallel_loop3A_671 : i32 to index
      %parallel_loop3A_1389 = arith.index_cast %parallel_loop3A_1387 : i32 to index
      %parallel_loop3A_1390 = arith.constant 64 : index
      %parallel_loop3A_1391 = tpu.vector_load %arg9[%parallel_loop3A_1388, %parallel_loop3A_1389, %parallel_loop3A_1390] {strides = array<i32>} : memref<16x8x128xf32, #tpu.memory_space<vmem>>, vector<16xf32>,
      tpu.vector_store %arg9[%parallel_loop3A_1388, %parallel_loop3A_1389, %parallel_loop3A_1390], %parallel_loop3A_1386 {strides = array<i32>} : memref<16x8x128xf32, #tpu.memory_space<vmem>>, vector<16xf32>,
      %parallel_loop3A_1392 = arith.addf %parallel_loop3A_1323, %parallel_loop3A_1355 : vector<16xf32>
      %parallel_loop3A_1393 = arith.constant 4 : i32
      %parallel_loop3A_1394 = arith.index_cast %parallel_loop3A_671 : i32 to index
      %parallel_loop3A_1395 = arith.index_cast %parallel_loop3A_1393 : i32 to index
      %parallel_loop3A_1396 = arith.constant 64 : index
      %parallel_loop3A_1397 = tpu.vector_load %arg9[%parallel_loop3A_1394, %parallel_loop3A_1395, %parallel_loop3A_1396] {strides = array<i32>} : memref<16x8x128xf32, #tpu.memory_space<vmem>>, vector<16xf32>,
      tpu.vector_store %arg9[%parallel_loop3A_1394, %parallel_loop3A_1395, %parallel_loop3A_1396], %parallel_loop3A_1392 {strides = array<i32>} : memref<16x8x128xf32, #tpu.memory_space<vmem>>, vector<16xf32>,
      %parallel_loop3A_1398 = arith.addf %parallel_loop3A_1327, %parallel_loop3A_1359 : vector<16xf32>
      %parallel_loop3A_1399 = arith.constant 5 : i32
      %parallel_loop3A_1400 = arith.index_cast %parallel_loop3A_671 : i32 to index
      %parallel_loop3A_1401 = arith.index_cast %parallel_loop3A_1399 : i32 to index
      %parallel_loop3A_1402 = arith.constant 64 : index
      %parallel_loop3A_1403 = tpu.vector_load %arg9[%parallel_loop3A_1400, %parallel_loop3A_1401, %parallel_loop3A_1402] {strides = array<i32>} : memref<16x8x128xf32, #tpu.memory_space<vmem>>, vector<16xf32>,
      tpu.vector_store %arg9[%parallel_loop3A_1400, %parallel_loop3A_1401, %parallel_loop3A_1402], %parallel_loop3A_1398 {strides = array<i32>} : memref<16x8x128xf32, #tpu.memory_space<vmem>>, vector<16xf32>,
      %parallel_loop3A_1404 = arith.addf %parallel_loop3A_1331, %parallel_loop3A_1363 : vector<16xf32>
      %parallel_loop3A_1405 = arith.constant 6 : i32
      %parallel_loop3A_1406 = arith.index_cast %parallel_loop3A_671 : i32 to index
      %parallel_loop3A_1407 = arith.index_cast %parallel_loop3A_1405 : i32 to index
      %parallel_loop3A_1408 = arith.constant 64 : index
      %parallel_loop3A_1409 = tpu.vector_load %arg9[%parallel_loop3A_1406, %parallel_loop3A_1407, %parallel_loop3A_1408] {strides = array<i32>} : memref<16x8x128xf32, #tpu.memory_space<vmem>>, vector<16xf32>,
      tpu.vector_store %arg9[%parallel_loop3A_1406, %parallel_loop3A_1407, %parallel_loop3A_1408], %parallel_loop3A_1404 {strides = array<i32>} : memref<16x8x128xf32, #tpu.memory_space<vmem>>, vector<16xf32>,
      %parallel_loop3A_1410 = arith.addf %parallel_loop3A_1335, %parallel_loop3A_1367 : vector<16xf32>
      %parallel_loop3A_1411 = arith.constant 7 : i32
      %parallel_loop3A_1412 = arith.index_cast %parallel_loop3A_671 : i32 to index
      %parallel_loop3A_1413 = arith.index_cast %parallel_loop3A_1411 : i32 to index
      %parallel_loop3A_1414 = arith.constant 64 : index
      %parallel_loop3A_1415 = tpu.vector_load %arg9[%parallel_loop3A_1412, %parallel_loop3A_1413, %parallel_loop3A_1414] {strides = array<i32>} : memref<16x8x128xf32, #tpu.memory_space<vmem>>, vector<16xf32>,
      tpu.vector_store %arg9[%parallel_loop3A_1412, %parallel_loop3A_1413, %parallel_loop3A_1414], %parallel_loop3A_1410 {strides = array<i32>} : memref<16x8x128xf32, #tpu.memory_space<vmem>>, vector<16xf32>,
      %parallel_loop3A_1416 = arith.constant 80 : i32
      %parallel_loop3A_1417 = arith.addi %parallel_loop3A_675, %parallel_loop3A_1416 : i32
      %parallel_loop3A_1418 = arith.index_cast %parallel_loop3A_1417 : i32 to index
      %parallel_loop3A_1419 = tpu.vector_load %arg6[%parallel_loop3A_1418] {strides = array<i32>} : memref<4096xi32, #tpu.memory_space<vmem>>, vector<16xi32>,
      %parallel_loop3A_1420 = arith.constant 1 : i32
      %parallel_loop3A_1421 = vector.broadcast %parallel_loop3A_1420 : i32 to vector<16xi32>
      %parallel_loop3A_1422 = arith.addi %parallel_loop3A_1419, %parallel_loop3A_1421 : vector<16xi32>
      %parallel_loop3A_1423 = arith.constant 128 : i32
      %parallel_loop3A_1424 = arith.addi %parallel_loop3A_675, %parallel_loop3A_1423 : i32
      %parallel_loop3A_1425 = arith.constant 80 : i32
      %parallel_loop3A_1426 = arith.addi %parallel_loop3A_1424, %parallel_loop3A_1425 : i32
      %parallel_loop3A_1427 = arith.index_cast %parallel_loop3A_1426 : i32 to index
      %parallel_loop3A_1428 = tpu.vector_load %arg6[%parallel_loop3A_1427] {strides = array<i32>} : memref<4096xi32, #tpu.memory_space<vmem>>, vector<16xi32>,
      %parallel_loop3A_1429 = arith.constant 1 : i32
      %parallel_loop3A_1430 = vector.broadcast %parallel_loop3A_1429 : i32 to vector<16xi32>
      %parallel_loop3A_1431 = arith.addi %parallel_loop3A_1428, %parallel_loop3A_1430 : vector<16xi32>
      %parallel_loop3A_1432 = arith.constant 7 : i32
      %parallel_loop3A_1433 = vector.broadcast %parallel_loop3A_1432 : i32 to vector<16xi32>
      %parallel_loop3A_1434 = arith.shrsi %parallel_loop3A_1422, %parallel_loop3A_1433 : vector<16xi32>
      %parallel_loop3A_1435 = arith.constant 10 : i32
      %parallel_loop3A_1436 = vector.broadcast %parallel_loop3A_1435 : i32 to vector<16xi32>
      %parallel_loop3A_1437 = arith.shli %parallel_loop3A_1434, %parallel_loop3A_1436 : vector<16xi32>
      %parallel_loop3A_1438 = arith.constant 127 : i32
      %parallel_loop3A_1439 = vector.broadcast %parallel_loop3A_1438 : i32 to vector<16xi32>
      %parallel_loop3A_1440 = arith.andi %parallel_loop3A_1422, %parallel_loop3A_1439 : vector<16xi32>
      %parallel_loop3A_1441 = arith.addi %parallel_loop3A_1437, %parallel_loop3A_1440 : vector<16xi32>
      %parallel_loop3A_1442 = arith.constant 7 : i32
      %parallel_loop3A_1443 = vector.broadcast %parallel_loop3A_1442 : i32 to vector<16xi32>
      %parallel_loop3A_1444 = arith.shrsi %parallel_loop3A_1431, %parallel_loop3A_1443 : vector<16xi32>
      %parallel_loop3A_1445 = arith.constant 10 : i32
      %parallel_loop3A_1446 = vector.broadcast %parallel_loop3A_1445 : i32 to vector<16xi32>
      %parallel_loop3A_1447 = arith.shli %parallel_loop3A_1444, %parallel_loop3A_1446 : vector<16xi32>
      %parallel_loop3A_1448 = arith.constant 127 : i32
      %parallel_loop3A_1449 = vector.broadcast %parallel_loop3A_1448 : i32 to vector<16xi32>
      %parallel_loop3A_1450 = arith.andi %parallel_loop3A_1431, %parallel_loop3A_1449 : vector<16xi32>
      %parallel_loop3A_1451 = arith.addi %parallel_loop3A_1447, %parallel_loop3A_1450 : vector<16xi32>
      %parallel_loop3A_1452 = arith.constant 0 : i32
      %parallel_loop3A_1453 = vector.broadcast %parallel_loop3A_1452 : i32 to vector<16xi32>
      %parallel_loop3A_1454 = arith.addi %parallel_loop3A_1441, %parallel_loop3A_1453 : vector<16xi32>
      %parallel_loop3A_1455 = tpu.vector_load_idx %arg7[%parallel_loop3A_1454] : memref<8192xf32, #tpu.memory_space<vmem>>[vector<16xi32>], vector<16xf32>,
      %parallel_loop3A_1456 = arith.constant 128 : i32
      %parallel_loop3A_1457 = vector.broadcast %parallel_loop3A_1456 : i32 to vector<16xi32>
      %parallel_loop3A_1458 = arith.addi %parallel_loop3A_1441, %parallel_loop3A_1457 : vector<16xi32>
      %parallel_loop3A_1459 = tpu.vector_load_idx %arg7[%parallel_loop3A_1458] : memref<8192xf32, #tpu.memory_space<vmem>>[vector<16xi32>], vector<16xf32>,
      %parallel_loop3A_1460 = arith.constant 256 : i32
      %parallel_loop3A_1461 = vector.broadcast %parallel_loop3A_1460 : i32 to vector<16xi32>
      %parallel_loop3A_1462 = arith.addi %parallel_loop3A_1441, %parallel_loop3A_1461 : vector<16xi32>
      %parallel_loop3A_1463 = tpu.vector_load_idx %arg7[%parallel_loop3A_1462] : memref<8192xf32, #tpu.memory_space<vmem>>[vector<16xi32>], vector<16xf32>,
      %parallel_loop3A_1464 = arith.constant 384 : i32
      %parallel_loop3A_1465 = vector.broadcast %parallel_loop3A_1464 : i32 to vector<16xi32>
      %parallel_loop3A_1466 = arith.addi %parallel_loop3A_1441, %parallel_loop3A_1465 : vector<16xi32>
      %parallel_loop3A_1467 = tpu.vector_load_idx %arg7[%parallel_loop3A_1466] : memref<8192xf32, #tpu.memory_space<vmem>>[vector<16xi32>], vector<16xf32>,
      %parallel_loop3A_1468 = arith.constant 512 : i32
      %parallel_loop3A_1469 = vector.broadcast %parallel_loop3A_1468 : i32 to vector<16xi32>
      %parallel_loop3A_1470 = arith.addi %parallel_loop3A_1441, %parallel_loop3A_1469 : vector<16xi32>
      %parallel_loop3A_1471 = tpu.vector_load_idx %arg7[%parallel_loop3A_1470] : memref<8192xf32, #tpu.memory_space<vmem>>[vector<16xi32>], vector<16xf32>,
      %parallel_loop3A_1472 = arith.constant 640 : i32
      %parallel_loop3A_1473 = vector.broadcast %parallel_loop3A_1472 : i32 to vector<16xi32>
      %parallel_loop3A_1474 = arith.addi %parallel_loop3A_1441, %parallel_loop3A_1473 : vector<16xi32>
      %parallel_loop3A_1475 = tpu.vector_load_idx %arg7[%parallel_loop3A_1474] : memref<8192xf32, #tpu.memory_space<vmem>>[vector<16xi32>], vector<16xf32>,
      %parallel_loop3A_1476 = arith.constant 768 : i32
      %parallel_loop3A_1477 = vector.broadcast %parallel_loop3A_1476 : i32 to vector<16xi32>
      %parallel_loop3A_1478 = arith.addi %parallel_loop3A_1441, %parallel_loop3A_1477 : vector<16xi32>
      %parallel_loop3A_1479 = tpu.vector_load_idx %arg7[%parallel_loop3A_1478] : memref<8192xf32, #tpu.memory_space<vmem>>[vector<16xi32>], vector<16xf32>,
      %parallel_loop3A_1480 = arith.constant 896 : i32
      %parallel_loop3A_1481 = vector.broadcast %parallel_loop3A_1480 : i32 to vector<16xi32>
      %parallel_loop3A_1482 = arith.addi %parallel_loop3A_1441, %parallel_loop3A_1481 : vector<16xi32>
      %parallel_loop3A_1483 = tpu.vector_load_idx %arg7[%parallel_loop3A_1482] : memref<8192xf32, #tpu.memory_space<vmem>>[vector<16xi32>], vector<16xf32>,
      %parallel_loop3A_1484 = arith.constant 0 : i32
      %parallel_loop3A_1485 = vector.broadcast %parallel_loop3A_1484 : i32 to vector<16xi32>
      %parallel_loop3A_1486 = arith.addi %parallel_loop3A_1451, %parallel_loop3A_1485 : vector<16xi32>
      %parallel_loop3A_1487 = tpu.vector_load_idx %arg8[%parallel_loop3A_1486] : memref<8192xf32, #tpu.memory_space<vmem>>[vector<16xi32>], vector<16xf32>,
      %parallel_loop3A_1488 = arith.constant 128 : i32
      %parallel_loop3A_1489 = vector.broadcast %parallel_loop3A_1488 : i32 to vector<16xi32>
      %parallel_loop3A_1490 = arith.addi %parallel_loop3A_1451, %parallel_loop3A_1489 : vector<16xi32>
      %parallel_loop3A_1491 = tpu.vector_load_idx %arg8[%parallel_loop3A_1490] : memref<8192xf32, #tpu.memory_space<vmem>>[vector<16xi32>], vector<16xf32>,
      %parallel_loop3A_1492 = arith.constant 256 : i32
      %parallel_loop3A_1493 = vector.broadcast %parallel_loop3A_1492 : i32 to vector<16xi32>
      %parallel_loop3A_1494 = arith.addi %parallel_loop3A_1451, %parallel_loop3A_1493 : vector<16xi32>
      %parallel_loop3A_1495 = tpu.vector_load_idx %arg8[%parallel_loop3A_1494] : memref<8192xf32, #tpu.memory_space<vmem>>[vector<16xi32>], vector<16xf32>,
      %parallel_loop3A_1496 = arith.constant 384 : i32
      %parallel_loop3A_1497 = vector.broadcast %parallel_loop3A_1496 : i32 to vector<16xi32>
      %parallel_loop3A_1498 = arith.addi %parallel_loop3A_1451, %parallel_loop3A_1497 : vector<16xi32>
      %parallel_loop3A_1499 = tpu.vector_load_idx %arg8[%parallel_loop3A_1498] : memref<8192xf32, #tpu.memory_space<vmem>>[vector<16xi32>], vector<16xf32>,
      %parallel_loop3A_1500 = arith.constant 512 : i32
      %parallel_loop3A_1501 = vector.broadcast %parallel_loop3A_1500 : i32 to vector<16xi32>
      %parallel_loop3A_1502 = arith.addi %parallel_loop3A_1451, %parallel_loop3A_1501 : vector<16xi32>
      %parallel_loop3A_1503 = tpu.vector_load_idx %arg8[%parallel_loop3A_1502] : memref<8192xf32, #tpu.memory_space<vmem>>[vector<16xi32>], vector<16xf32>,
      %parallel_loop3A_1504 = arith.constant 640 : i32
      %parallel_loop3A_1505 = vector.broadcast %parallel_loop3A_1504 : i32 to vector<16xi32>
      %parallel_loop3A_1506 = arith.addi %parallel_loop3A_1451, %parallel_loop3A_1505 : vector<16xi32>
      %parallel_loop3A_1507 = tpu.vector_load_idx %arg8[%parallel_loop3A_1506] : memref<8192xf32, #tpu.memory_space<vmem>>[vector<16xi32>], vector<16xf32>,
      %parallel_loop3A_1508 = arith.constant 768 : i32
      %parallel_loop3A_1509 = vector.broadcast %parallel_loop3A_1508 : i32 to vector<16xi32>
      %parallel_loop3A_1510 = arith.addi %parallel_loop3A_1451, %parallel_loop3A_1509 : vector<16xi32>
      %parallel_loop3A_1511 = tpu.vector_load_idx %arg8[%parallel_loop3A_1510] : memref<8192xf32, #tpu.memory_space<vmem>>[vector<16xi32>], vector<16xf32>,
      %parallel_loop3A_1512 = arith.constant 896 : i32
      %parallel_loop3A_1513 = vector.broadcast %parallel_loop3A_1512 : i32 to vector<16xi32>
      %parallel_loop3A_1514 = arith.addi %parallel_loop3A_1451, %parallel_loop3A_1513 : vector<16xi32>
      %parallel_loop3A_1515 = tpu.vector_load_idx %arg8[%parallel_loop3A_1514] : memref<8192xf32, #tpu.memory_space<vmem>>[vector<16xi32>], vector<16xf32>,
      %parallel_loop3A_1516 = arith.addf %parallel_loop3A_1455, %parallel_loop3A_1487 : vector<16xf32>
      %parallel_loop3A_1517 = arith.constant 0 : i32
      %parallel_loop3A_1518 = arith.index_cast %parallel_loop3A_671 : i32 to index
      %parallel_loop3A_1519 = arith.index_cast %parallel_loop3A_1517 : i32 to index
      %parallel_loop3A_1520 = arith.constant 80 : index
      %parallel_loop3A_1521 = tpu.vector_load %arg9[%parallel_loop3A_1518, %parallel_loop3A_1519, %parallel_loop3A_1520] {strides = array<i32>} : memref<16x8x128xf32, #tpu.memory_space<vmem>>, vector<16xf32>,
      tpu.vector_store %arg9[%parallel_loop3A_1518, %parallel_loop3A_1519, %parallel_loop3A_1520], %parallel_loop3A_1516 {strides = array<i32>} : memref<16x8x128xf32, #tpu.memory_space<vmem>>, vector<16xf32>,
      %parallel_loop3A_1522 = arith.addf %parallel_loop3A_1459, %parallel_loop3A_1491 : vector<16xf32>
      %parallel_loop3A_1523 = arith.constant 1 : i32
      %parallel_loop3A_1524 = arith.index_cast %parallel_loop3A_671 : i32 to index
      %parallel_loop3A_1525 = arith.index_cast %parallel_loop3A_1523 : i32 to index
      %parallel_loop3A_1526 = arith.constant 80 : index
      %parallel_loop3A_1527 = tpu.vector_load %arg9[%parallel_loop3A_1524, %parallel_loop3A_1525, %parallel_loop3A_1526] {strides = array<i32>} : memref<16x8x128xf32, #tpu.memory_space<vmem>>, vector<16xf32>,
      tpu.vector_store %arg9[%parallel_loop3A_1524, %parallel_loop3A_1525, %parallel_loop3A_1526], %parallel_loop3A_1522 {strides = array<i32>} : memref<16x8x128xf32, #tpu.memory_space<vmem>>, vector<16xf32>,
      %parallel_loop3A_1528 = arith.addf %parallel_loop3A_1463, %parallel_loop3A_1495 : vector<16xf32>
      %parallel_loop3A_1529 = arith.constant 2 : i32
      %parallel_loop3A_1530 = arith.index_cast %parallel_loop3A_671 : i32 to index
      %parallel_loop3A_1531 = arith.index_cast %parallel_loop3A_1529 : i32 to index
      %parallel_loop3A_1532 = arith.constant 80 : index
      %parallel_loop3A_1533 = tpu.vector_load %arg9[%parallel_loop3A_1530, %parallel_loop3A_1531, %parallel_loop3A_1532] {strides = array<i32>} : memref<16x8x128xf32, #tpu.memory_space<vmem>>, vector<16xf32>,
      tpu.vector_store %arg9[%parallel_loop3A_1530, %parallel_loop3A_1531, %parallel_loop3A_1532], %parallel_loop3A_1528 {strides = array<i32>} : memref<16x8x128xf32, #tpu.memory_space<vmem>>, vector<16xf32>,
      %parallel_loop3A_1534 = arith.addf %parallel_loop3A_1467, %parallel_loop3A_1499 : vector<16xf32>
      %parallel_loop3A_1535 = arith.constant 3 : i32
      %parallel_loop3A_1536 = arith.index_cast %parallel_loop3A_671 : i32 to index
      %parallel_loop3A_1537 = arith.index_cast %parallel_loop3A_1535 : i32 to index
      %parallel_loop3A_1538 = arith.constant 80 : index
      %parallel_loop3A_1539 = tpu.vector_load %arg9[%parallel_loop3A_1536, %parallel_loop3A_1537, %parallel_loop3A_1538] {strides = array<i32>} : memref<16x8x128xf32, #tpu.memory_space<vmem>>, vector<16xf32>,
      tpu.vector_store %arg9[%parallel_loop3A_1536, %parallel_loop3A_1537, %parallel_loop3A_1538], %parallel_loop3A_1534 {strides = array<i32>} : memref<16x8x128xf32, #tpu.memory_space<vmem>>, vector<16xf32>,
      %parallel_loop3A_1540 = arith.addf %parallel_loop3A_1471, %parallel_loop3A_1503 : vector<16xf32>
      %parallel_loop3A_1541 = arith.constant 4 : i32
      %parallel_loop3A_1542 = arith.index_cast %parallel_loop3A_671 : i32 to index
      %parallel_loop3A_1543 = arith.index_cast %parallel_loop3A_1541 : i32 to index
      %parallel_loop3A_1544 = arith.constant 80 : index
      %parallel_loop3A_1545 = tpu.vector_load %arg9[%parallel_loop3A_1542, %parallel_loop3A_1543, %parallel_loop3A_1544] {strides = array<i32>} : memref<16x8x128xf32, #tpu.memory_space<vmem>>, vector<16xf32>,
      tpu.vector_store %arg9[%parallel_loop3A_1542, %parallel_loop3A_1543, %parallel_loop3A_1544], %parallel_loop3A_1540 {strides = array<i32>} : memref<16x8x128xf32, #tpu.memory_space<vmem>>, vector<16xf32>,
      %parallel_loop3A_1546 = arith.addf %parallel_loop3A_1475, %parallel_loop3A_1507 : vector<16xf32>
      %parallel_loop3A_1547 = arith.constant 5 : i32
      %parallel_loop3A_1548 = arith.index_cast %parallel_loop3A_671 : i32 to index
      %parallel_loop3A_1549 = arith.index_cast %parallel_loop3A_1547 : i32 to index
      %parallel_loop3A_1550 = arith.constant 80 : index
      %parallel_loop3A_1551 = tpu.vector_load %arg9[%parallel_loop3A_1548, %parallel_loop3A_1549, %parallel_loop3A_1550] {strides = array<i32>} : memref<16x8x128xf32, #tpu.memory_space<vmem>>, vector<16xf32>,
      tpu.vector_store %arg9[%parallel_loop3A_1548, %parallel_loop3A_1549, %parallel_loop3A_1550], %parallel_loop3A_1546 {strides = array<i32>} : memref<16x8x128xf32, #tpu.memory_space<vmem>>, vector<16xf32>,
      %parallel_loop3A_1552 = arith.addf %parallel_loop3A_1479, %parallel_loop3A_1511 : vector<16xf32>
      %parallel_loop3A_1553 = arith.constant 6 : i32
      %parallel_loop3A_1554 = arith.index_cast %parallel_loop3A_671 : i32 to index
      %parallel_loop3A_1555 = arith.index_cast %parallel_loop3A_1553 : i32 to index
      %parallel_loop3A_1556 = arith.constant 80 : index
      %parallel_loop3A_1557 = tpu.vector_load %arg9[%parallel_loop3A_1554, %parallel_loop3A_1555, %parallel_loop3A_1556] {strides = array<i32>} : memref<16x8x128xf32, #tpu.memory_space<vmem>>, vector<16xf32>,
      tpu.vector_store %arg9[%parallel_loop3A_1554, %parallel_loop3A_1555, %parallel_loop3A_1556], %parallel_loop3A_1552 {strides = array<i32>} : memref<16x8x128xf32, #tpu.memory_space<vmem>>, vector<16xf32>,
      %parallel_loop3A_1558 = arith.addf %parallel_loop3A_1483, %parallel_loop3A_1515 : vector<16xf32>
      %parallel_loop3A_1559 = arith.constant 7 : i32
      %parallel_loop3A_1560 = arith.index_cast %parallel_loop3A_671 : i32 to index
      %parallel_loop3A_1561 = arith.index_cast %parallel_loop3A_1559 : i32 to index
      %parallel_loop3A_1562 = arith.constant 80 : index
      %parallel_loop3A_1563 = tpu.vector_load %arg9[%parallel_loop3A_1560, %parallel_loop3A_1561, %parallel_loop3A_1562] {strides = array<i32>} : memref<16x8x128xf32, #tpu.memory_space<vmem>>, vector<16xf32>,
      tpu.vector_store %arg9[%parallel_loop3A_1560, %parallel_loop3A_1561, %parallel_loop3A_1562], %parallel_loop3A_1558 {strides = array<i32>} : memref<16x8x128xf32, #tpu.memory_space<vmem>>, vector<16xf32>,
      %parallel_loop3A_1564 = arith.constant 96 : i32
      %parallel_loop3A_1565 = arith.addi %parallel_loop3A_675, %parallel_loop3A_1564 : i32
      %parallel_loop3A_1566 = arith.index_cast %parallel_loop3A_1565 : i32 to index
      %parallel_loop3A_1567 = tpu.vector_load %arg6[%parallel_loop3A_1566] {strides = array<i32>} : memref<4096xi32, #tpu.memory_space<vmem>>, vector<16xi32>,
      %parallel_loop3A_1568 = arith.constant 1 : i32
      %parallel_loop3A_1569 = vector.broadcast %parallel_loop3A_1568 : i32 to vector<16xi32>
      %parallel_loop3A_1570 = arith.addi %parallel_loop3A_1567, %parallel_loop3A_1569 : vector<16xi32>
      %parallel_loop3A_1571 = arith.constant 128 : i32
      %parallel_loop3A_1572 = arith.addi %parallel_loop3A_675, %parallel_loop3A_1571 : i32
      %parallel_loop3A_1573 = arith.constant 96 : i32
      %parallel_loop3A_1574 = arith.addi %parallel_loop3A_1572, %parallel_loop3A_1573 : i32
      %parallel_loop3A_1575 = arith.index_cast %parallel_loop3A_1574 : i32 to index
      %parallel_loop3A_1576 = tpu.vector_load %arg6[%parallel_loop3A_1575] {strides = array<i32>} : memref<4096xi32, #tpu.memory_space<vmem>>, vector<16xi32>,
      %parallel_loop3A_1577 = arith.constant 1 : i32
      %parallel_loop3A_1578 = vector.broadcast %parallel_loop3A_1577 : i32 to vector<16xi32>
      %parallel_loop3A_1579 = arith.addi %parallel_loop3A_1576, %parallel_loop3A_1578 : vector<16xi32>
      %parallel_loop3A_1580 = arith.constant 7 : i32
      %parallel_loop3A_1581 = vector.broadcast %parallel_loop3A_1580 : i32 to vector<16xi32>
      %parallel_loop3A_1582 = arith.shrsi %parallel_loop3A_1570, %parallel_loop3A_1581 : vector<16xi32>
      %parallel_loop3A_1583 = arith.constant 10 : i32
      %parallel_loop3A_1584 = vector.broadcast %parallel_loop3A_1583 : i32 to vector<16xi32>
      %parallel_loop3A_1585 = arith.shli %parallel_loop3A_1582, %parallel_loop3A_1584 : vector<16xi32>
      %parallel_loop3A_1586 = arith.constant 127 : i32
      %parallel_loop3A_1587 = vector.broadcast %parallel_loop3A_1586 : i32 to vector<16xi32>
      %parallel_loop3A_1588 = arith.andi %parallel_loop3A_1570, %parallel_loop3A_1587 : vector<16xi32>
      %parallel_loop3A_1589 = arith.addi %parallel_loop3A_1585, %parallel_loop3A_1588 : vector<16xi32>
      %parallel_loop3A_1590 = arith.constant 7 : i32
      %parallel_loop3A_1591 = vector.broadcast %parallel_loop3A_1590 : i32 to vector<16xi32>
      %parallel_loop3A_1592 = arith.shrsi %parallel_loop3A_1579, %parallel_loop3A_1591 : vector<16xi32>
      %parallel_loop3A_1593 = arith.constant 10 : i32
      %parallel_loop3A_1594 = vector.broadcast %parallel_loop3A_1593 : i32 to vector<16xi32>
      %parallel_loop3A_1595 = arith.shli %parallel_loop3A_1592, %parallel_loop3A_1594 : vector<16xi32>
      %parallel_loop3A_1596 = arith.constant 127 : i32
      %parallel_loop3A_1597 = vector.broadcast %parallel_loop3A_1596 : i32 to vector<16xi32>
      %parallel_loop3A_1598 = arith.andi %parallel_loop3A_1579, %parallel_loop3A_1597 : vector<16xi32>
      %parallel_loop3A_1599 = arith.addi %parallel_loop3A_1595, %parallel_loop3A_1598 : vector<16xi32>
      %parallel_loop3A_1600 = arith.constant 0 : i32
      %parallel_loop3A_1601 = vector.broadcast %parallel_loop3A_1600 : i32 to vector<16xi32>
      %parallel_loop3A_1602 = arith.addi %parallel_loop3A_1589, %parallel_loop3A_1601 : vector<16xi32>
      %parallel_loop3A_1603 = tpu.vector_load_idx %arg7[%parallel_loop3A_1602] : memref<8192xf32, #tpu.memory_space<vmem>>[vector<16xi32>], vector<16xf32>,
      %parallel_loop3A_1604 = arith.constant 128 : i32
      %parallel_loop3A_1605 = vector.broadcast %parallel_loop3A_1604 : i32 to vector<16xi32>
      %parallel_loop3A_1606 = arith.addi %parallel_loop3A_1589, %parallel_loop3A_1605 : vector<16xi32>
      %parallel_loop3A_1607 = tpu.vector_load_idx %arg7[%parallel_loop3A_1606] : memref<8192xf32, #tpu.memory_space<vmem>>[vector<16xi32>], vector<16xf32>,
      %parallel_loop3A_1608 = arith.constant 256 : i32
      %parallel_loop3A_1609 = vector.broadcast %parallel_loop3A_1608 : i32 to vector<16xi32>
      %parallel_loop3A_1610 = arith.addi %parallel_loop3A_1589, %parallel_loop3A_1609 : vector<16xi32>
      %parallel_loop3A_1611 = tpu.vector_load_idx %arg7[%parallel_loop3A_1610] : memref<8192xf32, #tpu.memory_space<vmem>>[vector<16xi32>], vector<16xf32>,
      %parallel_loop3A_1612 = arith.constant 384 : i32
      %parallel_loop3A_1613 = vector.broadcast %parallel_loop3A_1612 : i32 to vector<16xi32>
      %parallel_loop3A_1614 = arith.addi %parallel_loop3A_1589, %parallel_loop3A_1613 : vector<16xi32>
      %parallel_loop3A_1615 = tpu.vector_load_idx %arg7[%parallel_loop3A_1614] : memref<8192xf32, #tpu.memory_space<vmem>>[vector<16xi32>], vector<16xf32>,
      %parallel_loop3A_1616 = arith.constant 512 : i32
      %parallel_loop3A_1617 = vector.broadcast %parallel_loop3A_1616 : i32 to vector<16xi32>
      %parallel_loop3A_1618 = arith.addi %parallel_loop3A_1589, %parallel_loop3A_1617 : vector<16xi32>
      %parallel_loop3A_1619 = tpu.vector_load_idx %arg7[%parallel_loop3A_1618] : memref<8192xf32, #tpu.memory_space<vmem>>[vector<16xi32>], vector<16xf32>,
      %parallel_loop3A_1620 = arith.constant 640 : i32
      %parallel_loop3A_1621 = vector.broadcast %parallel_loop3A_1620 : i32 to vector<16xi32>
      %parallel_loop3A_1622 = arith.addi %parallel_loop3A_1589, %parallel_loop3A_1621 : vector<16xi32>
      %parallel_loop3A_1623 = tpu.vector_load_idx %arg7[%parallel_loop3A_1622] : memref<8192xf32, #tpu.memory_space<vmem>>[vector<16xi32>], vector<16xf32>,
      %parallel_loop3A_1624 = arith.constant 768 : i32
      %parallel_loop3A_1625 = vector.broadcast %parallel_loop3A_1624 : i32 to vector<16xi32>
      %parallel_loop3A_1626 = arith.addi %parallel_loop3A_1589, %parallel_loop3A_1625 : vector<16xi32>
      %parallel_loop3A_1627 = tpu.vector_load_idx %arg7[%parallel_loop3A_1626] : memref<8192xf32, #tpu.memory_space<vmem>>[vector<16xi32>], vector<16xf32>,
      %parallel_loop3A_1628 = arith.constant 896 : i32
      %parallel_loop3A_1629 = vector.broadcast %parallel_loop3A_1628 : i32 to vector<16xi32>
      %parallel_loop3A_1630 = arith.addi %parallel_loop3A_1589, %parallel_loop3A_1629 : vector<16xi32>
      %parallel_loop3A_1631 = tpu.vector_load_idx %arg7[%parallel_loop3A_1630] : memref<8192xf32, #tpu.memory_space<vmem>>[vector<16xi32>], vector<16xf32>,
      %parallel_loop3A_1632 = arith.constant 0 : i32
      %parallel_loop3A_1633 = vector.broadcast %parallel_loop3A_1632 : i32 to vector<16xi32>
      %parallel_loop3A_1634 = arith.addi %parallel_loop3A_1599, %parallel_loop3A_1633 : vector<16xi32>
      %parallel_loop3A_1635 = tpu.vector_load_idx %arg8[%parallel_loop3A_1634] : memref<8192xf32, #tpu.memory_space<vmem>>[vector<16xi32>], vector<16xf32>,
      %parallel_loop3A_1636 = arith.constant 128 : i32
      %parallel_loop3A_1637 = vector.broadcast %parallel_loop3A_1636 : i32 to vector<16xi32>
      %parallel_loop3A_1638 = arith.addi %parallel_loop3A_1599, %parallel_loop3A_1637 : vector<16xi32>
      %parallel_loop3A_1639 = tpu.vector_load_idx %arg8[%parallel_loop3A_1638] : memref<8192xf32, #tpu.memory_space<vmem>>[vector<16xi32>], vector<16xf32>,
      %parallel_loop3A_1640 = arith.constant 256 : i32
      %parallel_loop3A_1641 = vector.broadcast %parallel_loop3A_1640 : i32 to vector<16xi32>
      %parallel_loop3A_1642 = arith.addi %parallel_loop3A_1599, %parallel_loop3A_1641 : vector<16xi32>
      %parallel_loop3A_1643 = tpu.vector_load_idx %arg8[%parallel_loop3A_1642] : memref<8192xf32, #tpu.memory_space<vmem>>[vector<16xi32>], vector<16xf32>,
      %parallel_loop3A_1644 = arith.constant 384 : i32
      %parallel_loop3A_1645 = vector.broadcast %parallel_loop3A_1644 : i32 to vector<16xi32>
      %parallel_loop3A_1646 = arith.addi %parallel_loop3A_1599, %parallel_loop3A_1645 : vector<16xi32>
      %parallel_loop3A_1647 = tpu.vector_load_idx %arg8[%parallel_loop3A_1646] : memref<8192xf32, #tpu.memory_space<vmem>>[vector<16xi32>], vector<16xf32>,
      %parallel_loop3A_1648 = arith.constant 512 : i32
      %parallel_loop3A_1649 = vector.broadcast %parallel_loop3A_1648 : i32 to vector<16xi32>
      %parallel_loop3A_1650 = arith.addi %parallel_loop3A_1599, %parallel_loop3A_1649 : vector<16xi32>
      %parallel_loop3A_1651 = tpu.vector_load_idx %arg8[%parallel_loop3A_1650] : memref<8192xf32, #tpu.memory_space<vmem>>[vector<16xi32>], vector<16xf32>,
      %parallel_loop3A_1652 = arith.constant 640 : i32
      %parallel_loop3A_1653 = vector.broadcast %parallel_loop3A_1652 : i32 to vector<16xi32>
      %parallel_loop3A_1654 = arith.addi %parallel_loop3A_1599, %parallel_loop3A_1653 : vector<16xi32>
      %parallel_loop3A_1655 = tpu.vector_load_idx %arg8[%parallel_loop3A_1654] : memref<8192xf32, #tpu.memory_space<vmem>>[vector<16xi32>], vector<16xf32>,
      %parallel_loop3A_1656 = arith.constant 768 : i32
      %parallel_loop3A_1657 = vector.broadcast %parallel_loop3A_1656 : i32 to vector<16xi32>
      %parallel_loop3A_1658 = arith.addi %parallel_loop3A_1599, %parallel_loop3A_1657 : vector<16xi32>
      %parallel_loop3A_1659 = tpu.vector_load_idx %arg8[%parallel_loop3A_1658] : memref<8192xf32, #tpu.memory_space<vmem>>[vector<16xi32>], vector<16xf32>,
      %parallel_loop3A_1660 = arith.constant 896 : i32
      %parallel_loop3A_1661 = vector.broadcast %parallel_loop3A_1660 : i32 to vector<16xi32>
      %parallel_loop3A_1662 = arith.addi %parallel_loop3A_1599, %parallel_loop3A_1661 : vector<16xi32>
      %parallel_loop3A_1663 = tpu.vector_load_idx %arg8[%parallel_loop3A_1662] : memref<8192xf32, #tpu.memory_space<vmem>>[vector<16xi32>], vector<16xf32>,
      %parallel_loop3A_1664 = arith.addf %parallel_loop3A_1603, %parallel_loop3A_1635 : vector<16xf32>
      %parallel_loop3A_1665 = arith.constant 0 : i32
      %parallel_loop3A_1666 = arith.index_cast %parallel_loop3A_671 : i32 to index
      %parallel_loop3A_1667 = arith.index_cast %parallel_loop3A_1665 : i32 to index
      %parallel_loop3A_1668 = arith.constant 96 : index
      %parallel_loop3A_1669 = tpu.vector_load %arg9[%parallel_loop3A_1666, %parallel_loop3A_1667, %parallel_loop3A_1668] {strides = array<i32>} : memref<16x8x128xf32, #tpu.memory_space<vmem>>, vector<16xf32>,
      tpu.vector_store %arg9[%parallel_loop3A_1666, %parallel_loop3A_1667, %parallel_loop3A_1668], %parallel_loop3A_1664 {strides = array<i32>} : memref<16x8x128xf32, #tpu.memory_space<vmem>>, vector<16xf32>,
      %parallel_loop3A_1670 = arith.addf %parallel_loop3A_1607, %parallel_loop3A_1639 : vector<16xf32>
      %parallel_loop3A_1671 = arith.constant 1 : i32
      %parallel_loop3A_1672 = arith.index_cast %parallel_loop3A_671 : i32 to index
      %parallel_loop3A_1673 = arith.index_cast %parallel_loop3A_1671 : i32 to index
      %parallel_loop3A_1674 = arith.constant 96 : index
      %parallel_loop3A_1675 = tpu.vector_load %arg9[%parallel_loop3A_1672, %parallel_loop3A_1673, %parallel_loop3A_1674] {strides = array<i32>} : memref<16x8x128xf32, #tpu.memory_space<vmem>>, vector<16xf32>,
      tpu.vector_store %arg9[%parallel_loop3A_1672, %parallel_loop3A_1673, %parallel_loop3A_1674], %parallel_loop3A_1670 {strides = array<i32>} : memref<16x8x128xf32, #tpu.memory_space<vmem>>, vector<16xf32>,
      %parallel_loop3A_1676 = arith.addf %parallel_loop3A_1611, %parallel_loop3A_1643 : vector<16xf32>
      %parallel_loop3A_1677 = arith.constant 2 : i32
      %parallel_loop3A_1678 = arith.index_cast %parallel_loop3A_671 : i32 to index
      %parallel_loop3A_1679 = arith.index_cast %parallel_loop3A_1677 : i32 to index
      %parallel_loop3A_1680 = arith.constant 96 : index
      %parallel_loop3A_1681 = tpu.vector_load %arg9[%parallel_loop3A_1678, %parallel_loop3A_1679, %parallel_loop3A_1680] {strides = array<i32>} : memref<16x8x128xf32, #tpu.memory_space<vmem>>, vector<16xf32>,
      tpu.vector_store %arg9[%parallel_loop3A_1678, %parallel_loop3A_1679, %parallel_loop3A_1680], %parallel_loop3A_1676 {strides = array<i32>} : memref<16x8x128xf32, #tpu.memory_space<vmem>>, vector<16xf32>,
      %parallel_loop3A_1682 = arith.addf %parallel_loop3A_1615, %parallel_loop3A_1647 : vector<16xf32>
      %parallel_loop3A_1683 = arith.constant 3 : i32
      %parallel_loop3A_1684 = arith.index_cast %parallel_loop3A_671 : i32 to index
      %parallel_loop3A_1685 = arith.index_cast %parallel_loop3A_1683 : i32 to index
      %parallel_loop3A_1686 = arith.constant 96 : index
      %parallel_loop3A_1687 = tpu.vector_load %arg9[%parallel_loop3A_1684, %parallel_loop3A_1685, %parallel_loop3A_1686] {strides = array<i32>} : memref<16x8x128xf32, #tpu.memory_space<vmem>>, vector<16xf32>,
      tpu.vector_store %arg9[%parallel_loop3A_1684, %parallel_loop3A_1685, %parallel_loop3A_1686], %parallel_loop3A_1682 {strides = array<i32>} : memref<16x8x128xf32, #tpu.memory_space<vmem>>, vector<16xf32>,
      %parallel_loop3A_1688 = arith.addf %parallel_loop3A_1619, %parallel_loop3A_1651 : vector<16xf32>
      %parallel_loop3A_1689 = arith.constant 4 : i32
      %parallel_loop3A_1690 = arith.index_cast %parallel_loop3A_671 : i32 to index
      %parallel_loop3A_1691 = arith.index_cast %parallel_loop3A_1689 : i32 to index
      %parallel_loop3A_1692 = arith.constant 96 : index
      %parallel_loop3A_1693 = tpu.vector_load %arg9[%parallel_loop3A_1690, %parallel_loop3A_1691, %parallel_loop3A_1692] {strides = array<i32>} : memref<16x8x128xf32, #tpu.memory_space<vmem>>, vector<16xf32>,
      tpu.vector_store %arg9[%parallel_loop3A_1690, %parallel_loop3A_1691, %parallel_loop3A_1692], %parallel_loop3A_1688 {strides = array<i32>} : memref<16x8x128xf32, #tpu.memory_space<vmem>>, vector<16xf32>,
      %parallel_loop3A_1694 = arith.addf %parallel_loop3A_1623, %parallel_loop3A_1655 : vector<16xf32>
      %parallel_loop3A_1695 = arith.constant 5 : i32
      %parallel_loop3A_1696 = arith.index_cast %parallel_loop3A_671 : i32 to index
      %parallel_loop3A_1697 = arith.index_cast %parallel_loop3A_1695 : i32 to index
      %parallel_loop3A_1698 = arith.constant 96 : index
      %parallel_loop3A_1699 = tpu.vector_load %arg9[%parallel_loop3A_1696, %parallel_loop3A_1697, %parallel_loop3A_1698] {strides = array<i32>} : memref<16x8x128xf32, #tpu.memory_space<vmem>>, vector<16xf32>,
      tpu.vector_store %arg9[%parallel_loop3A_1696, %parallel_loop3A_1697, %parallel_loop3A_1698], %parallel_loop3A_1694 {strides = array<i32>} : memref<16x8x128xf32, #tpu.memory_space<vmem>>, vector<16xf32>,
      %parallel_loop3A_1700 = arith.addf %parallel_loop3A_1627, %parallel_loop3A_1659 : vector<16xf32>
      %parallel_loop3A_1701 = arith.constant 6 : i32
      %parallel_loop3A_1702 = arith.index_cast %parallel_loop3A_671 : i32 to index
      %parallel_loop3A_1703 = arith.index_cast %parallel_loop3A_1701 : i32 to index
      %parallel_loop3A_1704 = arith.constant 96 : index
      %parallel_loop3A_1705 = tpu.vector_load %arg9[%parallel_loop3A_1702, %parallel_loop3A_1703, %parallel_loop3A_1704] {strides = array<i32>} : memref<16x8x128xf32, #tpu.memory_space<vmem>>, vector<16xf32>,
      tpu.vector_store %arg9[%parallel_loop3A_1702, %parallel_loop3A_1703, %parallel_loop3A_1704], %parallel_loop3A_1700 {strides = array<i32>} : memref<16x8x128xf32, #tpu.memory_space<vmem>>, vector<16xf32>,
      %parallel_loop3A_1706 = arith.addf %parallel_loop3A_1631, %parallel_loop3A_1663 : vector<16xf32>
      %parallel_loop3A_1707 = arith.constant 7 : i32
      %parallel_loop3A_1708 = arith.index_cast %parallel_loop3A_671 : i32 to index
      %parallel_loop3A_1709 = arith.index_cast %parallel_loop3A_1707 : i32 to index
      %parallel_loop3A_1710 = arith.constant 96 : index
      %parallel_loop3A_1711 = tpu.vector_load %arg9[%parallel_loop3A_1708, %parallel_loop3A_1709, %parallel_loop3A_1710] {strides = array<i32>} : memref<16x8x128xf32, #tpu.memory_space<vmem>>, vector<16xf32>,
      tpu.vector_store %arg9[%parallel_loop3A_1708, %parallel_loop3A_1709, %parallel_loop3A_1710], %parallel_loop3A_1706 {strides = array<i32>} : memref<16x8x128xf32, #tpu.memory_space<vmem>>, vector<16xf32>,
      %parallel_loop3A_1712 = arith.constant 112 : i32
      %parallel_loop3A_1713 = arith.addi %parallel_loop3A_675, %parallel_loop3A_1712 : i32
      %parallel_loop3A_1714 = arith.index_cast %parallel_loop3A_1713 : i32 to index
      %parallel_loop3A_1715 = tpu.vector_load %arg6[%parallel_loop3A_1714] {strides = array<i32>} : memref<4096xi32, #tpu.memory_space<vmem>>, vector<16xi32>,
      %parallel_loop3A_1716 = arith.constant 1 : i32
      %parallel_loop3A_1717 = vector.broadcast %parallel_loop3A_1716 : i32 to vector<16xi32>
      %parallel_loop3A_1718 = arith.addi %parallel_loop3A_1715, %parallel_loop3A_1717 : vector<16xi32>
      %parallel_loop3A_1719 = arith.constant 128 : i32
      %parallel_loop3A_1720 = arith.addi %parallel_loop3A_675, %parallel_loop3A_1719 : i32
      %parallel_loop3A_1721 = arith.constant 112 : i32
      %parallel_loop3A_1722 = arith.addi %parallel_loop3A_1720, %parallel_loop3A_1721 : i32
      %parallel_loop3A_1723 = arith.index_cast %parallel_loop3A_1722 : i32 to index
      %parallel_loop3A_1724 = tpu.vector_load %arg6[%parallel_loop3A_1723] {strides = array<i32>} : memref<4096xi32, #tpu.memory_space<vmem>>, vector<16xi32>,
      %parallel_loop3A_1725 = arith.constant 1 : i32
      %parallel_loop3A_1726 = vector.broadcast %parallel_loop3A_1725 : i32 to vector<16xi32>
      %parallel_loop3A_1727 = arith.addi %parallel_loop3A_1724, %parallel_loop3A_1726 : vector<16xi32>
      %parallel_loop3A_1728 = arith.constant 7 : i32
      %parallel_loop3A_1729 = vector.broadcast %parallel_loop3A_1728 : i32 to vector<16xi32>
      %parallel_loop3A_1730 = arith.shrsi %parallel_loop3A_1718, %parallel_loop3A_1729 : vector<16xi32>
      %parallel_loop3A_1731 = arith.constant 10 : i32
      %parallel_loop3A_1732 = vector.broadcast %parallel_loop3A_1731 : i32 to vector<16xi32>
      %parallel_loop3A_1733 = arith.shli %parallel_loop3A_1730, %parallel_loop3A_1732 : vector<16xi32>
      %parallel_loop3A_1734 = arith.constant 127 : i32
      %parallel_loop3A_1735 = vector.broadcast %parallel_loop3A_1734 : i32 to vector<16xi32>
      %parallel_loop3A_1736 = arith.andi %parallel_loop3A_1718, %parallel_loop3A_1735 : vector<16xi32>
      %parallel_loop3A_1737 = arith.addi %parallel_loop3A_1733, %parallel_loop3A_1736 : vector<16xi32>
      %parallel_loop3A_1738 = arith.constant 7 : i32
      %parallel_loop3A_1739 = vector.broadcast %parallel_loop3A_1738 : i32 to vector<16xi32>
      %parallel_loop3A_1740 = arith.shrsi %parallel_loop3A_1727, %parallel_loop3A_1739 : vector<16xi32>
      %parallel_loop3A_1741 = arith.constant 10 : i32
      %parallel_loop3A_1742 = vector.broadcast %parallel_loop3A_1741 : i32 to vector<16xi32>
      %parallel_loop3A_1743 = arith.shli %parallel_loop3A_1740, %parallel_loop3A_1742 : vector<16xi32>
      %parallel_loop3A_1744 = arith.constant 127 : i32
      %parallel_loop3A_1745 = vector.broadcast %parallel_loop3A_1744 : i32 to vector<16xi32>
      %parallel_loop3A_1746 = arith.andi %parallel_loop3A_1727, %parallel_loop3A_1745 : vector<16xi32>
      %parallel_loop3A_1747 = arith.addi %parallel_loop3A_1743, %parallel_loop3A_1746 : vector<16xi32>
      %parallel_loop3A_1748 = arith.constant 0 : i32
      %parallel_loop3A_1749 = vector.broadcast %parallel_loop3A_1748 : i32 to vector<16xi32>
      %parallel_loop3A_1750 = arith.addi %parallel_loop3A_1737, %parallel_loop3A_1749 : vector<16xi32>
      %parallel_loop3A_1751 = tpu.vector_load_idx %arg7[%parallel_loop3A_1750] : memref<8192xf32, #tpu.memory_space<vmem>>[vector<16xi32>], vector<16xf32>,
      %parallel_loop3A_1752 = arith.constant 128 : i32
      %parallel_loop3A_1753 = vector.broadcast %parallel_loop3A_1752 : i32 to vector<16xi32>
      %parallel_loop3A_1754 = arith.addi %parallel_loop3A_1737, %parallel_loop3A_1753 : vector<16xi32>
      %parallel_loop3A_1755 = tpu.vector_load_idx %arg7[%parallel_loop3A_1754] : memref<8192xf32, #tpu.memory_space<vmem>>[vector<16xi32>], vector<16xf32>,
      %parallel_loop3A_1756 = arith.constant 256 : i32
      %parallel_loop3A_1757 = vector.broadcast %parallel_loop3A_1756 : i32 to vector<16xi32>
      %parallel_loop3A_1758 = arith.addi %parallel_loop3A_1737, %parallel_loop3A_1757 : vector<16xi32>
      %parallel_loop3A_1759 = tpu.vector_load_idx %arg7[%parallel_loop3A_1758] : memref<8192xf32, #tpu.memory_space<vmem>>[vector<16xi32>], vector<16xf32>,
      %parallel_loop3A_1760 = arith.constant 384 : i32
      %parallel_loop3A_1761 = vector.broadcast %parallel_loop3A_1760 : i32 to vector<16xi32>
      %parallel_loop3A_1762 = arith.addi %parallel_loop3A_1737, %parallel_loop3A_1761 : vector<16xi32>
      %parallel_loop3A_1763 = tpu.vector_load_idx %arg7[%parallel_loop3A_1762] : memref<8192xf32, #tpu.memory_space<vmem>>[vector<16xi32>], vector<16xf32>,
      %parallel_loop3A_1764 = arith.constant 512 : i32
      %parallel_loop3A_1765 = vector.broadcast %parallel_loop3A_1764 : i32 to vector<16xi32>
      %parallel_loop3A_1766 = arith.addi %parallel_loop3A_1737, %parallel_loop3A_1765 : vector<16xi32>
      %parallel_loop3A_1767 = tpu.vector_load_idx %arg7[%parallel_loop3A_1766] : memref<8192xf32, #tpu.memory_space<vmem>>[vector<16xi32>], vector<16xf32>,
      %parallel_loop3A_1768 = arith.constant 640 : i32
      %parallel_loop3A_1769 = vector.broadcast %parallel_loop3A_1768 : i32 to vector<16xi32>
      %parallel_loop3A_1770 = arith.addi %parallel_loop3A_1737, %parallel_loop3A_1769 : vector<16xi32>
      %parallel_loop3A_1771 = tpu.vector_load_idx %arg7[%parallel_loop3A_1770] : memref<8192xf32, #tpu.memory_space<vmem>>[vector<16xi32>], vector<16xf32>,
      %parallel_loop3A_1772 = arith.constant 768 : i32
      %parallel_loop3A_1773 = vector.broadcast %parallel_loop3A_1772 : i32 to vector<16xi32>
      %parallel_loop3A_1774 = arith.addi %parallel_loop3A_1737, %parallel_loop3A_1773 : vector<16xi32>
      %parallel_loop3A_1775 = tpu.vector_load_idx %arg7[%parallel_loop3A_1774] : memref<8192xf32, #tpu.memory_space<vmem>>[vector<16xi32>], vector<16xf32>,
      %parallel_loop3A_1776 = arith.constant 896 : i32
      %parallel_loop3A_1777 = vector.broadcast %parallel_loop3A_1776 : i32 to vector<16xi32>
      %parallel_loop3A_1778 = arith.addi %parallel_loop3A_1737, %parallel_loop3A_1777 : vector<16xi32>
      %parallel_loop3A_1779 = tpu.vector_load_idx %arg7[%parallel_loop3A_1778] : memref<8192xf32, #tpu.memory_space<vmem>>[vector<16xi32>], vector<16xf32>,
      %parallel_loop3A_1780 = arith.constant 0 : i32
      %parallel_loop3A_1781 = vector.broadcast %parallel_loop3A_1780 : i32 to vector<16xi32>
      %parallel_loop3A_1782 = arith.addi %parallel_loop3A_1747, %parallel_loop3A_1781 : vector<16xi32>
      %parallel_loop3A_1783 = tpu.vector_load_idx %arg8[%parallel_loop3A_1782] : memref<8192xf32, #tpu.memory_space<vmem>>[vector<16xi32>], vector<16xf32>,
      %parallel_loop3A_1784 = arith.constant 128 : i32
      %parallel_loop3A_1785 = vector.broadcast %parallel_loop3A_1784 : i32 to vector<16xi32>
      %parallel_loop3A_1786 = arith.addi %parallel_loop3A_1747, %parallel_loop3A_1785 : vector<16xi32>
      %parallel_loop3A_1787 = tpu.vector_load_idx %arg8[%parallel_loop3A_1786] : memref<8192xf32, #tpu.memory_space<vmem>>[vector<16xi32>], vector<16xf32>,
      %parallel_loop3A_1788 = arith.constant 256 : i32
      %parallel_loop3A_1789 = vector.broadcast %parallel_loop3A_1788 : i32 to vector<16xi32>
      %parallel_loop3A_1790 = arith.addi %parallel_loop3A_1747, %parallel_loop3A_1789 : vector<16xi32>
      %parallel_loop3A_1791 = tpu.vector_load_idx %arg8[%parallel_loop3A_1790] : memref<8192xf32, #tpu.memory_space<vmem>>[vector<16xi32>], vector<16xf32>,
      %parallel_loop3A_1792 = arith.constant 384 : i32
      %parallel_loop3A_1793 = vector.broadcast %parallel_loop3A_1792 : i32 to vector<16xi32>
      %parallel_loop3A_1794 = arith.addi %parallel_loop3A_1747, %parallel_loop3A_1793 : vector<16xi32>
      %parallel_loop3A_1795 = tpu.vector_load_idx %arg8[%parallel_loop3A_1794] : memref<8192xf32, #tpu.memory_space<vmem>>[vector<16xi32>], vector<16xf32>,
      %parallel_loop3A_1796 = arith.constant 512 : i32
      %parallel_loop3A_1797 = vector.broadcast %parallel_loop3A_1796 : i32 to vector<16xi32>
      %parallel_loop3A_1798 = arith.addi %parallel_loop3A_1747, %parallel_loop3A_1797 : vector<16xi32>
      %parallel_loop3A_1799 = tpu.vector_load_idx %arg8[%parallel_loop3A_1798] : memref<8192xf32, #tpu.memory_space<vmem>>[vector<16xi32>], vector<16xf32>,
      %parallel_loop3A_1800 = arith.constant 640 : i32
      %parallel_loop3A_1801 = vector.broadcast %parallel_loop3A_1800 : i32 to vector<16xi32>
      %parallel_loop3A_1802 = arith.addi %parallel_loop3A_1747, %parallel_loop3A_1801 : vector<16xi32>
      %parallel_loop3A_1803 = tpu.vector_load_idx %arg8[%parallel_loop3A_1802] : memref<8192xf32, #tpu.memory_space<vmem>>[vector<16xi32>], vector<16xf32>,
      %parallel_loop3A_1804 = arith.constant 768 : i32
      %parallel_loop3A_1805 = vector.broadcast %parallel_loop3A_1804 : i32 to vector<16xi32>
      %parallel_loop3A_1806 = arith.addi %parallel_loop3A_1747, %parallel_loop3A_1805 : vector<16xi32>
      %parallel_loop3A_1807 = tpu.vector_load_idx %arg8[%parallel_loop3A_1806] : memref<8192xf32, #tpu.memory_space<vmem>>[vector<16xi32>], vector<16xf32>,
      %parallel_loop3A_1808 = arith.constant 896 : i32
      %parallel_loop3A_1809 = vector.broadcast %parallel_loop3A_1808 : i32 to vector<16xi32>
      %parallel_loop3A_1810 = arith.addi %parallel_loop3A_1747, %parallel_loop3A_1809 : vector<16xi32>
      %parallel_loop3A_1811 = tpu.vector_load_idx %arg8[%parallel_loop3A_1810] : memref<8192xf32, #tpu.memory_space<vmem>>[vector<16xi32>], vector<16xf32>,
      %parallel_loop3A_1812 = arith.addf %parallel_loop3A_1751, %parallel_loop3A_1783 : vector<16xf32>
      %parallel_loop3A_1813 = arith.constant 0 : i32
      %parallel_loop3A_1814 = arith.index_cast %parallel_loop3A_671 : i32 to index
      %parallel_loop3A_1815 = arith.index_cast %parallel_loop3A_1813 : i32 to index
      %parallel_loop3A_1816 = arith.constant 112 : index
      %parallel_loop3A_1817 = tpu.vector_load %arg9[%parallel_loop3A_1814, %parallel_loop3A_1815, %parallel_loop3A_1816] {strides = array<i32>} : memref<16x8x128xf32, #tpu.memory_space<vmem>>, vector<16xf32>,
      tpu.vector_store %arg9[%parallel_loop3A_1814, %parallel_loop3A_1815, %parallel_loop3A_1816], %parallel_loop3A_1812 {strides = array<i32>} : memref<16x8x128xf32, #tpu.memory_space<vmem>>, vector<16xf32>,
      %parallel_loop3A_1818 = arith.addf %parallel_loop3A_1755, %parallel_loop3A_1787 : vector<16xf32>
      %parallel_loop3A_1819 = arith.constant 1 : i32
      %parallel_loop3A_1820 = arith.index_cast %parallel_loop3A_671 : i32 to index
      %parallel_loop3A_1821 = arith.index_cast %parallel_loop3A_1819 : i32 to index
      %parallel_loop3A_1822 = arith.constant 112 : index
      %parallel_loop3A_1823 = tpu.vector_load %arg9[%parallel_loop3A_1820, %parallel_loop3A_1821, %parallel_loop3A_1822] {strides = array<i32>} : memref<16x8x128xf32, #tpu.memory_space<vmem>>, vector<16xf32>,
      tpu.vector_store %arg9[%parallel_loop3A_1820, %parallel_loop3A_1821, %parallel_loop3A_1822], %parallel_loop3A_1818 {strides = array<i32>} : memref<16x8x128xf32, #tpu.memory_space<vmem>>, vector<16xf32>,
      %parallel_loop3A_1824 = arith.addf %parallel_loop3A_1759, %parallel_loop3A_1791 : vector<16xf32>
      %parallel_loop3A_1825 = arith.constant 2 : i32
      %parallel_loop3A_1826 = arith.index_cast %parallel_loop3A_671 : i32 to index
      %parallel_loop3A_1827 = arith.index_cast %parallel_loop3A_1825 : i32 to index
      %parallel_loop3A_1828 = arith.constant 112 : index
      %parallel_loop3A_1829 = tpu.vector_load %arg9[%parallel_loop3A_1826, %parallel_loop3A_1827, %parallel_loop3A_1828] {strides = array<i32>} : memref<16x8x128xf32, #tpu.memory_space<vmem>>, vector<16xf32>,
      tpu.vector_store %arg9[%parallel_loop3A_1826, %parallel_loop3A_1827, %parallel_loop3A_1828], %parallel_loop3A_1824 {strides = array<i32>} : memref<16x8x128xf32, #tpu.memory_space<vmem>>, vector<16xf32>,
      %parallel_loop3A_1830 = arith.addf %parallel_loop3A_1763, %parallel_loop3A_1795 : vector<16xf32>
      %parallel_loop3A_1831 = arith.constant 3 : i32
      %parallel_loop3A_1832 = arith.index_cast %parallel_loop3A_671 : i32 to index
      %parallel_loop3A_1833 = arith.index_cast %parallel_loop3A_1831 : i32 to index
      %parallel_loop3A_1834 = arith.constant 112 : index
      %parallel_loop3A_1835 = tpu.vector_load %arg9[%parallel_loop3A_1832, %parallel_loop3A_1833, %parallel_loop3A_1834] {strides = array<i32>} : memref<16x8x128xf32, #tpu.memory_space<vmem>>, vector<16xf32>,
      tpu.vector_store %arg9[%parallel_loop3A_1832, %parallel_loop3A_1833, %parallel_loop3A_1834], %parallel_loop3A_1830 {strides = array<i32>} : memref<16x8x128xf32, #tpu.memory_space<vmem>>, vector<16xf32>,
      %parallel_loop3A_1836 = arith.addf %parallel_loop3A_1767, %parallel_loop3A_1799 : vector<16xf32>
      %parallel_loop3A_1837 = arith.constant 4 : i32
      %parallel_loop3A_1838 = arith.index_cast %parallel_loop3A_671 : i32 to index
      %parallel_loop3A_1839 = arith.index_cast %parallel_loop3A_1837 : i32 to index
      %parallel_loop3A_1840 = arith.constant 112 : index
      %parallel_loop3A_1841 = tpu.vector_load %arg9[%parallel_loop3A_1838, %parallel_loop3A_1839, %parallel_loop3A_1840] {strides = array<i32>} : memref<16x8x128xf32, #tpu.memory_space<vmem>>, vector<16xf32>,
      tpu.vector_store %arg9[%parallel_loop3A_1838, %parallel_loop3A_1839, %parallel_loop3A_1840], %parallel_loop3A_1836 {strides = array<i32>} : memref<16x8x128xf32, #tpu.memory_space<vmem>>, vector<16xf32>,
      %parallel_loop3A_1842 = arith.addf %parallel_loop3A_1771, %parallel_loop3A_1803 : vector<16xf32>
      %parallel_loop3A_1843 = arith.constant 5 : i32
      %parallel_loop3A_1844 = arith.index_cast %parallel_loop3A_671 : i32 to index
      %parallel_loop3A_1845 = arith.index_cast %parallel_loop3A_1843 : i32 to index
      %parallel_loop3A_1846 = arith.constant 112 : index
      %parallel_loop3A_1847 = tpu.vector_load %arg9[%parallel_loop3A_1844, %parallel_loop3A_1845, %parallel_loop3A_1846] {strides = array<i32>} : memref<16x8x128xf32, #tpu.memory_space<vmem>>, vector<16xf32>,
      tpu.vector_store %arg9[%parallel_loop3A_1844, %parallel_loop3A_1845, %parallel_loop3A_1846], %parallel_loop3A_1842 {strides = array<i32>} : memref<16x8x128xf32, #tpu.memory_space<vmem>>, vector<16xf32>,
      %parallel_loop3A_1848 = arith.addf %parallel_loop3A_1775, %parallel_loop3A_1807 : vector<16xf32>
      %parallel_loop3A_1849 = arith.constant 6 : i32
      %parallel_loop3A_1850 = arith.index_cast %parallel_loop3A_671 : i32 to index
      %parallel_loop3A_1851 = arith.index_cast %parallel_loop3A_1849 : i32 to index
      %parallel_loop3A_1852 = arith.constant 112 : index
      %parallel_loop3A_1853 = tpu.vector_load %arg9[%parallel_loop3A_1850, %parallel_loop3A_1851, %parallel_loop3A_1852] {strides = array<i32>} : memref<16x8x128xf32, #tpu.memory_space<vmem>>, vector<16xf32>,
      tpu.vector_store %arg9[%parallel_loop3A_1850, %parallel_loop3A_1851, %parallel_loop3A_1852], %parallel_loop3A_1848 {strides = array<i32>} : memref<16x8x128xf32, #tpu.memory_space<vmem>>, vector<16xf32>,
      %parallel_loop3A_1854 = arith.addf %parallel_loop3A_1779, %parallel_loop3A_1811 : vector<16xf32>
      %parallel_loop3A_1855 = arith.constant 7 : i32
      %parallel_loop3A_1856 = arith.index_cast %parallel_loop3A_671 : i32 to index
      %parallel_loop3A_1857 = arith.index_cast %parallel_loop3A_1855 : i32 to index
      %parallel_loop3A_1858 = arith.constant 112 : index
      %parallel_loop3A_1859 = tpu.vector_load %arg9[%parallel_loop3A_1856, %parallel_loop3A_1857, %parallel_loop3A_1858] {strides = array<i32>} : memref<16x8x128xf32, #tpu.memory_space<vmem>>, vector<16xf32>,
      tpu.vector_store %arg9[%parallel_loop3A_1856, %parallel_loop3A_1857, %parallel_loop3A_1858], %parallel_loop3A_1854 {strides = array<i32>} : memref<16x8x128xf32, #tpu.memory_space<vmem>>, vector<16xf32>,
    } {sc.loop_unroll_factor = 1 : i64, sc.parallel_access}
    %mul3A_63 = arith.constant 16 : i32
    %mul3A_64 = arith.muli %select_n3A_9, %mul3A_63 : i32
    %add3A_65 = arith.constant 0 : i32
    %add3A_66 = arith.addi %mul3A_64, %add3A_65 : i32
    %dma_start3A_67 = arith.constant 0 : i32
    %dma_start3A_68 = arith.constant 0 : i32
    %dma_start3A_69 = arith.constant 0 : i32
    %dma_start3A_70 = tpu.memref_slice %arg9[%dma_start3A_67, %dma_start3A_68, %dma_start3A_69] : memref<16x8x128xf32, #tpu.memory_space<vmem>> -> memref<1x8x128xf32, #tpu.memory_space<vmem>>
    %dma_start3A_71 = tpu.memref_squeeze %dma_start3A_70 : memref<1x8x128xf32, #tpu.memory_space<vmem>> -> memref<8x128xf32, #tpu.memory_space<vmem>>
    %dma_start3A_72 = arith.constant 0 : i32
    %dma_start3A_73 = arith.constant 0 : i32
    %dma_start3A_74 = tpu.memref_slice %arg5[%select_n3A_30, %add3A_66, %dma_start3A_72, %dma_start3A_73] : memref<4x128x8x128xf32, #tpu.memory_space<hbm>> -> memref<1x1x8x128xf32, #tpu.memory_space<hbm>>
    %dma_start3A_75 = tpu.memref_squeeze %dma_start3A_74 : memref<1x1x8x128xf32, #tpu.memory_space<hbm>> -> memref<8x128xf32, #tpu.memory_space<hbm>>
    %dma_start3A_76 = arith.constant 0 : i32
    %dma_start3A_77 = arith.constant 0 : i32
    %dma_start3A_78 = tpu.memref_slice %arg5[%select_n3A_30, %add3A_66, %dma_start3A_76, %dma_start3A_77] : memref<4x128x8x128xf32, #tpu.memory_space<hbm>> -> memref<1x1x8x128xf32, #tpu.memory_space<hbm>>
    %dma_start3A_79 = tpu.memref_squeeze %dma_start3A_78 : memref<1x1x8x128xf32, #tpu.memory_space<hbm>> -> memref<8x128xf32, #tpu.memory_space<hbm>>
    %dma_start3A_80 = arith.constant 0 : i32
    %dma_start3A_81 = arith.constant 0 : i32
    %dma_start3A_82 = tpu.memref_slice %arg9[%dma_start3A_67, %dma_start3A_80, %dma_start3A_81] : memref<16x8x128xf32, #tpu.memory_space<vmem>> -> memref<1x8x128xf32, #tpu.memory_space<vmem>>
    %dma_start3A_83 = tpu.memref_squeeze %dma_start3A_82 : memref<1x8x128xf32, #tpu.memory_space<vmem>> -> memref<8x128xf32, #tpu.memory_space<vmem>>
    tpu.enqueue_dma source(%dma_start3A_83 : memref<8x128xf32, #tpu.memory_space<vmem>>) target(%dma_start3A_79 : memref<8x128xf32, #tpu.memory_space<hbm>>) target_semaphore(%arg11 : memref<!tpu.dma_semaphore, #tpu.memory_space<semaphore_mem>>)
    %mul3A_84 = arith.constant 16 : i32
    %mul3A_85 = arith.muli %select_n3A_9, %mul3A_84 : i32
    %add3A_86 = arith.constant 1 : i32
    %add3A_87 = arith.addi %mul3A_85, %add3A_86 : i32
    %dma_start3A_88 = arith.constant 1 : i32
    %dma_start3A_89 = arith.constant 0 : i32
    %dma_start3A_90 = arith.constant 0 : i32
    %dma_start3A_91 = tpu.memref_slice %arg9[%dma_start3A_88, %dma_start3A_89, %dma_start3A_90] : memref<16x8x128xf32, #tpu.memory_space<vmem>> -> memref<1x8x128xf32, #tpu.memory_space<vmem>>
    %dma_start3A_92 = tpu.memref_squeeze %dma_start3A_91 : memref<1x8x128xf32, #tpu.memory_space<vmem>> -> memref<8x128xf32, #tpu.memory_space<vmem>>
    %dma_start3A_93 = arith.constant 0 : i32
    %dma_start3A_94 = arith.constant 0 : i32
    %dma_start3A_95 = tpu.memref_slice %arg5[%select_n3A_30, %add3A_87, %dma_start3A_93, %dma_start3A_94] : memref<4x128x8x128xf32, #tpu.memory_space<hbm>> -> memref<1x1x8x128xf32, #tpu.memory_space<hbm>>
    %dma_start3A_96 = tpu.memref_squeeze %dma_start3A_95 : memref<1x1x8x128xf32, #tpu.memory_space<hbm>> -> memref<8x128xf32, #tpu.memory_space<hbm>>
    %dma_start3A_97 = arith.constant 0 : i32
    %dma_start3A_98 = arith.constant 0 : i32
    %dma_start3A_99 = tpu.memref_slice %arg5[%select_n3A_30, %add3A_87, %dma_start3A_97, %dma_start3A_98] : memref<4x128x8x128xf32, #tpu.memory_space<hbm>> -> memref<1x1x8x128xf32, #tpu.memory_space<hbm>>
    %dma_start3A_100 = tpu.memref_squeeze %dma_start3A_99 : memref<1x1x8x128xf32, #tpu.memory_space<hbm>> -> memref<8x128xf32, #tpu.memory_space<hbm>>
    %dma_start3A_101 = arith.constant 0 : i32
    %dma_start3A_102 = arith.constant 0 : i32
    %dma_start3A_103 = tpu.memref_slice %arg9[%dma_start3A_88, %dma_start3A_101, %dma_start3A_102] : memref<16x8x128xf32, #tpu.memory_space<vmem>> -> memref<1x8x128xf32, #tpu.memory_space<vmem>>
    %dma_start3A_104 = tpu.memref_squeeze %dma_start3A_103 : memref<1x8x128xf32, #tpu.memory_space<vmem>> -> memref<8x128xf32, #tpu.memory_space<vmem>>
    tpu.enqueue_dma source(%dma_start3A_104 : memref<8x128xf32, #tpu.memory_space<vmem>>) target(%dma_start3A_100 : memref<8x128xf32, #tpu.memory_space<hbm>>) target_semaphore(%arg11 : memref<!tpu.dma_semaphore, #tpu.memory_space<semaphore_mem>>)
    %mul3A_105 = arith.constant 16 : i32
    %mul3A_106 = arith.muli %select_n3A_9, %mul3A_105 : i32
    %add3A_107 = arith.constant 2 : i32
    %add3A_108 = arith.addi %mul3A_106, %add3A_107 : i32
    %dma_start3A_109 = arith.constant 2 : i32
    %dma_start3A_110 = arith.constant 0 : i32
    %dma_start3A_111 = arith.constant 0 : i32
    %dma_start3A_112 = tpu.memref_slice %arg9[%dma_start3A_109, %dma_start3A_110, %dma_start3A_111] : memref<16x8x128xf32, #tpu.memory_space<vmem>> -> memref<1x8x128xf32, #tpu.memory_space<vmem>>
    %dma_start3A_113 = tpu.memref_squeeze %dma_start3A_112 : memref<1x8x128xf32, #tpu.memory_space<vmem>> -> memref<8x128xf32, #tpu.memory_space<vmem>>
    %dma_start3A_114 = arith.constant 0 : i32
    %dma_start3A_115 = arith.constant 0 : i32
    %dma_start3A_116 = tpu.memref_slice %arg5[%select_n3A_30, %add3A_108, %dma_start3A_114, %dma_start3A_115] : memref<4x128x8x128xf32, #tpu.memory_space<hbm>> -> memref<1x1x8x128xf32, #tpu.memory_space<hbm>>
    %dma_start3A_117 = tpu.memref_squeeze %dma_start3A_116 : memref<1x1x8x128xf32, #tpu.memory_space<hbm>> -> memref<8x128xf32, #tpu.memory_space<hbm>>
    %dma_start3A_118 = arith.constant 0 : i32
    %dma_start3A_119 = arith.constant 0 : i32
    %dma_start3A_120 = tpu.memref_slice %arg5[%select_n3A_30, %add3A_108, %dma_start3A_118, %dma_start3A_119] : memref<4x128x8x128xf32, #tpu.memory_space<hbm>> -> memref<1x1x8x128xf32, #tpu.memory_space<hbm>>
    %dma_start3A_121 = tpu.memref_squeeze %dma_start3A_120 : memref<1x1x8x128xf32, #tpu.memory_space<hbm>> -> memref<8x128xf32, #tpu.memory_space<hbm>>
    %dma_start3A_122 = arith.constant 0 : i32
    %dma_start3A_123 = arith.constant 0 : i32
    %dma_start3A_124 = tpu.memref_slice %arg9[%dma_start3A_109, %dma_start3A_122, %dma_start3A_123] : memref<16x8x128xf32, #tpu.memory_space<vmem>> -> memref<1x8x128xf32, #tpu.memory_space<vmem>>
    %dma_start3A_125 = tpu.memref_squeeze %dma_start3A_124 : memref<1x8x128xf32, #tpu.memory_space<vmem>> -> memref<8x128xf32, #tpu.memory_space<vmem>>
    tpu.enqueue_dma source(%dma_start3A_125 : memref<8x128xf32, #tpu.memory_space<vmem>>) target(%dma_start3A_121 : memref<8x128xf32, #tpu.memory_space<hbm>>) target_semaphore(%arg11 : memref<!tpu.dma_semaphore, #tpu.memory_space<semaphore_mem>>)
    %mul3A_126 = arith.constant 16 : i32
    %mul3A_127 = arith.muli %select_n3A_9, %mul3A_126 : i32
    %add3A_128 = arith.constant 3 : i32
    %add3A_129 = arith.addi %mul3A_127, %add3A_128 : i32
    %dma_start3A_130 = arith.constant 3 : i32
    %dma_start3A_131 = arith.constant 0 : i32
    %dma_start3A_132 = arith.constant 0 : i32
    %dma_start3A_133 = tpu.memref_slice %arg9[%dma_start3A_130, %dma_start3A_131, %dma_start3A_132] : memref<16x8x128xf32, #tpu.memory_space<vmem>> -> memref<1x8x128xf32, #tpu.memory_space<vmem>>
    %dma_start3A_134 = tpu.memref_squeeze %dma_start3A_133 : memref<1x8x128xf32, #tpu.memory_space<vmem>> -> memref<8x128xf32, #tpu.memory_space<vmem>>
    %dma_start3A_135 = arith.constant 0 : i32
    %dma_start3A_136 = arith.constant 0 : i32
    %dma_start3A_137 = tpu.memref_slice %arg5[%select_n3A_30, %add3A_129, %dma_start3A_135, %dma_start3A_136] : memref<4x128x8x128xf32, #tpu.memory_space<hbm>> -> memref<1x1x8x128xf32, #tpu.memory_space<hbm>>
    %dma_start3A_138 = tpu.memref_squeeze %dma_start3A_137 : memref<1x1x8x128xf32, #tpu.memory_space<hbm>> -> memref<8x128xf32, #tpu.memory_space<hbm>>
    %dma_start3A_139 = arith.constant 0 : i32
    %dma_start3A_140 = arith.constant 0 : i32
    %dma_start3A_141 = tpu.memref_slice %arg5[%select_n3A_30, %add3A_129, %dma_start3A_139, %dma_start3A_140] : memref<4x128x8x128xf32, #tpu.memory_space<hbm>> -> memref<1x1x8x128xf32, #tpu.memory_space<hbm>>
    %dma_start3A_142 = tpu.memref_squeeze %dma_start3A_141 : memref<1x1x8x128xf32, #tpu.memory_space<hbm>> -> memref<8x128xf32, #tpu.memory_space<hbm>>
    %dma_start3A_143 = arith.constant 0 : i32
    %dma_start3A_144 = arith.constant 0 : i32
    %dma_start3A_145 = tpu.memref_slice %arg9[%dma_start3A_130, %dma_start3A_143, %dma_start3A_144] : memref<16x8x128xf32, #tpu.memory_space<vmem>> -> memref<1x8x128xf32, #tpu.memory_space<vmem>>
    %dma_start3A_146 = tpu.memref_squeeze %dma_start3A_145 : memref<1x8x128xf32, #tpu.memory_space<vmem>> -> memref<8x128xf32, #tpu.memory_space<vmem>>
    tpu.enqueue_dma source(%dma_start3A_146 : memref<8x128xf32, #tpu.memory_space<vmem>>) target(%dma_start3A_142 : memref<8x128xf32, #tpu.memory_space<hbm>>) target_semaphore(%arg11 : memref<!tpu.dma_semaphore, #tpu.memory_space<semaphore_mem>>)
    %mul3A_147 = arith.constant 16 : i32
    %mul3A_148 = arith.muli %select_n3A_9, %mul3A_147 : i32
    %add3A_149 = arith.constant 4 : i32
    %add3A_150 = arith.addi %mul3A_148, %add3A_149 : i32
    %dma_start3A_151 = arith.constant 4 : i32
    %dma_start3A_152 = arith.constant 0 : i32
    %dma_start3A_153 = arith.constant 0 : i32
    %dma_start3A_154 = tpu.memref_slice %arg9[%dma_start3A_151, %dma_start3A_152, %dma_start3A_153] : memref<16x8x128xf32, #tpu.memory_space<vmem>> -> memref<1x8x128xf32, #tpu.memory_space<vmem>>
    %dma_start3A_155 = tpu.memref_squeeze %dma_start3A_154 : memref<1x8x128xf32, #tpu.memory_space<vmem>> -> memref<8x128xf32, #tpu.memory_space<vmem>>
    %dma_start3A_156 = arith.constant 0 : i32
    %dma_start3A_157 = arith.constant 0 : i32
    %dma_start3A_158 = tpu.memref_slice %arg5[%select_n3A_30, %add3A_150, %dma_start3A_156, %dma_start3A_157] : memref<4x128x8x128xf32, #tpu.memory_space<hbm>> -> memref<1x1x8x128xf32, #tpu.memory_space<hbm>>
    %dma_start3A_159 = tpu.memref_squeeze %dma_start3A_158 : memref<1x1x8x128xf32, #tpu.memory_space<hbm>> -> memref<8x128xf32, #tpu.memory_space<hbm>>
    %dma_start3A_160 = arith.constant 0 : i32
    %dma_start3A_161 = arith.constant 0 : i32
    %dma_start3A_162 = tpu.memref_slice %arg5[%select_n3A_30, %add3A_150, %dma_start3A_160, %dma_start3A_161] : memref<4x128x8x128xf32, #tpu.memory_space<hbm>> -> memref<1x1x8x128xf32, #tpu.memory_space<hbm>>
    %dma_start3A_163 = tpu.memref_squeeze %dma_start3A_162 : memref<1x1x8x128xf32, #tpu.memory_space<hbm>> -> memref<8x128xf32, #tpu.memory_space<hbm>>
    %dma_start3A_164 = arith.constant 0 : i32
    %dma_start3A_165 = arith.constant 0 : i32
    %dma_start3A_166 = tpu.memref_slice %arg9[%dma_start3A_151, %dma_start3A_164, %dma_start3A_165] : memref<16x8x128xf32, #tpu.memory_space<vmem>> -> memref<1x8x128xf32, #tpu.memory_space<vmem>>
    %dma_start3A_167 = tpu.memref_squeeze %dma_start3A_166 : memref<1x8x128xf32, #tpu.memory_space<vmem>> -> memref<8x128xf32, #tpu.memory_space<vmem>>
    tpu.enqueue_dma source(%dma_start3A_167 : memref<8x128xf32, #tpu.memory_space<vmem>>) target(%dma_start3A_163 : memref<8x128xf32, #tpu.memory_space<hbm>>) target_semaphore(%arg11 : memref<!tpu.dma_semaphore, #tpu.memory_space<semaphore_mem>>)
    %mul3A_168 = arith.constant 16 : i32
    %mul3A_169 = arith.muli %select_n3A_9, %mul3A_168 : i32
    %add3A_170 = arith.constant 5 : i32
    %add3A_171 = arith.addi %mul3A_169, %add3A_170 : i32
    %dma_start3A_172 = arith.constant 5 : i32
    %dma_start3A_173 = arith.constant 0 : i32
    %dma_start3A_174 = arith.constant 0 : i32
    %dma_start3A_175 = tpu.memref_slice %arg9[%dma_start3A_172, %dma_start3A_173, %dma_start3A_174] : memref<16x8x128xf32, #tpu.memory_space<vmem>> -> memref<1x8x128xf32, #tpu.memory_space<vmem>>
    %dma_start3A_176 = tpu.memref_squeeze %dma_start3A_175 : memref<1x8x128xf32, #tpu.memory_space<vmem>> -> memref<8x128xf32, #tpu.memory_space<vmem>>
    %dma_start3A_177 = arith.constant 0 : i32
    %dma_start3A_178 = arith.constant 0 : i32
    %dma_start3A_179 = tpu.memref_slice %arg5[%select_n3A_30, %add3A_171, %dma_start3A_177, %dma_start3A_178] : memref<4x128x8x128xf32, #tpu.memory_space<hbm>> -> memref<1x1x8x128xf32, #tpu.memory_space<hbm>>
    %dma_start3A_180 = tpu.memref_squeeze %dma_start3A_179 : memref<1x1x8x128xf32, #tpu.memory_space<hbm>> -> memref<8x128xf32, #tpu.memory_space<hbm>>
    %dma_start3A_181 = arith.constant 0 : i32
    %dma_start3A_182 = arith.constant 0 : i32
    %dma_start3A_183 = tpu.memref_slice %arg5[%select_n3A_30, %add3A_171, %dma_start3A_181, %dma_start3A_182] : memref<4x128x8x128xf32, #tpu.memory_space<hbm>> -> memref<1x1x8x128xf32, #tpu.memory_space<hbm>>
    %dma_start3A_184 = tpu.memref_squeeze %dma_start3A_183 : memref<1x1x8x128xf32, #tpu.memory_space<hbm>> -> memref<8x128xf32, #tpu.memory_space<hbm>>
    %dma_start3A_185 = arith.constant 0 : i32
    %dma_start3A_186 = arith.constant 0 : i32
    %dma_start3A_187 = tpu.memref_slice %arg9[%dma_start3A_172, %dma_start3A_185, %dma_start3A_186] : memref<16x8x128xf32, #tpu.memory_space<vmem>> -> memref<1x8x128xf32, #tpu.memory_space<vmem>>
    %dma_start3A_188 = tpu.memref_squeeze %dma_start3A_187 : memref<1x8x128xf32, #tpu.memory_space<vmem>> -> memref<8x128xf32, #tpu.memory_space<vmem>>
    tpu.enqueue_dma source(%dma_start3A_188 : memref<8x128xf32, #tpu.memory_space<vmem>>) target(%dma_start3A_184 : memref<8x128xf32, #tpu.memory_space<hbm>>) target_semaphore(%arg11 : memref<!tpu.dma_semaphore, #tpu.memory_space<semaphore_mem>>)
    %mul3A_189 = arith.constant 16 : i32
    %mul3A_190 = arith.muli %select_n3A_9, %mul3A_189 : i32
    %add3A_191 = arith.constant 6 : i32
    %add3A_192 = arith.addi %mul3A_190, %add3A_191 : i32
    %dma_start3A_193 = arith.constant 6 : i32
    %dma_start3A_194 = arith.constant 0 : i32
    %dma_start3A_195 = arith.constant 0 : i32
    %dma_start3A_196 = tpu.memref_slice %arg9[%dma_start3A_193, %dma_start3A_194, %dma_start3A_195] : memref<16x8x128xf32, #tpu.memory_space<vmem>> -> memref<1x8x128xf32, #tpu.memory_space<vmem>>
    %dma_start3A_197 = tpu.memref_squeeze %dma_start3A_196 : memref<1x8x128xf32, #tpu.memory_space<vmem>> -> memref<8x128xf32, #tpu.memory_space<vmem>>
    %dma_start3A_198 = arith.constant 0 : i32
    %dma_start3A_199 = arith.constant 0 : i32
    %dma_start3A_200 = tpu.memref_slice %arg5[%select_n3A_30, %add3A_192, %dma_start3A_198, %dma_start3A_199] : memref<4x128x8x128xf32, #tpu.memory_space<hbm>> -> memref<1x1x8x128xf32, #tpu.memory_space<hbm>>
    %dma_start3A_201 = tpu.memref_squeeze %dma_start3A_200 : memref<1x1x8x128xf32, #tpu.memory_space<hbm>> -> memref<8x128xf32, #tpu.memory_space<hbm>>
    %dma_start3A_202 = arith.constant 0 : i32
    %dma_start3A_203 = arith.constant 0 : i32
    %dma_start3A_204 = tpu.memref_slice %arg5[%select_n3A_30, %add3A_192, %dma_start3A_202, %dma_start3A_203] : memref<4x128x8x128xf32, #tpu.memory_space<hbm>> -> memref<1x1x8x128xf32, #tpu.memory_space<hbm>>
    %dma_start3A_205 = tpu.memref_squeeze %dma_start3A_204 : memref<1x1x8x128xf32, #tpu.memory_space<hbm>> -> memref<8x128xf32, #tpu.memory_space<hbm>>
    %dma_start3A_206 = arith.constant 0 : i32
    %dma_start3A_207 = arith.constant 0 : i32
    %dma_start3A_208 = tpu.memref_slice %arg9[%dma_start3A_193, %dma_start3A_206, %dma_start3A_207] : memref<16x8x128xf32, #tpu.memory_space<vmem>> -> memref<1x8x128xf32, #tpu.memory_space<vmem>>
    %dma_start3A_209 = tpu.memref_squeeze %dma_start3A_208 : memref<1x8x128xf32, #tpu.memory_space<vmem>> -> memref<8x128xf32, #tpu.memory_space<vmem>>
    tpu.enqueue_dma source(%dma_start3A_209 : memref<8x128xf32, #tpu.memory_space<vmem>>) target(%dma_start3A_205 : memref<8x128xf32, #tpu.memory_space<hbm>>) target_semaphore(%arg11 : memref<!tpu.dma_semaphore, #tpu.memory_space<semaphore_mem>>)
    %mul3A_210 = arith.constant 16 : i32
    %mul3A_211 = arith.muli %select_n3A_9, %mul3A_210 : i32
    %add3A_212 = arith.constant 7 : i32
    %add3A_213 = arith.addi %mul3A_211, %add3A_212 : i32
    %dma_start3A_214 = arith.constant 7 : i32
    %dma_start3A_215 = arith.constant 0 : i32
    %dma_start3A_216 = arith.constant 0 : i32
    %dma_start3A_217 = tpu.memref_slice %arg9[%dma_start3A_214, %dma_start3A_215, %dma_start3A_216] : memref<16x8x128xf32, #tpu.memory_space<vmem>> -> memref<1x8x128xf32, #tpu.memory_space<vmem>>
    %dma_start3A_218 = tpu.memref_squeeze %dma_start3A_217 : memref<1x8x128xf32, #tpu.memory_space<vmem>> -> memref<8x128xf32, #tpu.memory_space<vmem>>
    %dma_start3A_219 = arith.constant 0 : i32
    %dma_start3A_220 = arith.constant 0 : i32
    %dma_start3A_221 = tpu.memref_slice %arg5[%select_n3A_30, %add3A_213, %dma_start3A_219, %dma_start3A_220] : memref<4x128x8x128xf32, #tpu.memory_space<hbm>> -> memref<1x1x8x128xf32, #tpu.memory_space<hbm>>
    %dma_start3A_222 = tpu.memref_squeeze %dma_start3A_221 : memref<1x1x8x128xf32, #tpu.memory_space<hbm>> -> memref<8x128xf32, #tpu.memory_space<hbm>>
    %dma_start3A_223 = arith.constant 0 : i32
    %dma_start3A_224 = arith.constant 0 : i32
    %dma_start3A_225 = tpu.memref_slice %arg5[%select_n3A_30, %add3A_213, %dma_start3A_223, %dma_start3A_224] : memref<4x128x8x128xf32, #tpu.memory_space<hbm>> -> memref<1x1x8x128xf32, #tpu.memory_space<hbm>>
    %dma_start3A_226 = tpu.memref_squeeze %dma_start3A_225 : memref<1x1x8x128xf32, #tpu.memory_space<hbm>> -> memref<8x128xf32, #tpu.memory_space<hbm>>
    %dma_start3A_227 = arith.constant 0 : i32
    %dma_start3A_228 = arith.constant 0 : i32
    %dma_start3A_229 = tpu.memref_slice %arg9[%dma_start3A_214, %dma_start3A_227, %dma_start3A_228] : memref<16x8x128xf32, #tpu.memory_space<vmem>> -> memref<1x8x128xf32, #tpu.memory_space<vmem>>
    %dma_start3A_230 = tpu.memref_squeeze %dma_start3A_229 : memref<1x8x128xf32, #tpu.memory_space<vmem>> -> memref<8x128xf32, #tpu.memory_space<vmem>>
    tpu.enqueue_dma source(%dma_start3A_230 : memref<8x128xf32, #tpu.memory_space<vmem>>) target(%dma_start3A_226 : memref<8x128xf32, #tpu.memory_space<hbm>>) target_semaphore(%arg11 : memref<!tpu.dma_semaphore, #tpu.memory_space<semaphore_mem>>)
    %mul3A_231 = arith.constant 16 : i32
    %mul3A_232 = arith.muli %select_n3A_9, %mul3A_231 : i32
    %add3A_233 = arith.constant 8 : i32
    %add3A_234 = arith.addi %mul3A_232, %add3A_233 : i32
    %dma_start3A_235 = arith.constant 8 : i32
    %dma_start3A_236 = arith.constant 0 : i32
    %dma_start3A_237 = arith.constant 0 : i32
    %dma_start3A_238 = tpu.memref_slice %arg9[%dma_start3A_235, %dma_start3A_236, %dma_start3A_237] : memref<16x8x128xf32, #tpu.memory_space<vmem>> -> memref<1x8x128xf32, #tpu.memory_space<vmem>>
    %dma_start3A_239 = tpu.memref_squeeze %dma_start3A_238 : memref<1x8x128xf32, #tpu.memory_space<vmem>> -> memref<8x128xf32, #tpu.memory_space<vmem>>
    %dma_start3A_240 = arith.constant 0 : i32
    %dma_start3A_241 = arith.constant 0 : i32
    %dma_start3A_242 = tpu.memref_slice %arg5[%select_n3A_30, %add3A_234, %dma_start3A_240, %dma_start3A_241] : memref<4x128x8x128xf32, #tpu.memory_space<hbm>> -> memref<1x1x8x128xf32, #tpu.memory_space<hbm>>
    %dma_start3A_243 = tpu.memref_squeeze %dma_start3A_242 : memref<1x1x8x128xf32, #tpu.memory_space<hbm>> -> memref<8x128xf32, #tpu.memory_space<hbm>>
    %dma_start3A_244 = arith.constant 0 : i32
    %dma_start3A_245 = arith.constant 0 : i32
    %dma_start3A_246 = tpu.memref_slice %arg5[%select_n3A_30, %add3A_234, %dma_start3A_244, %dma_start3A_245] : memref<4x128x8x128xf32, #tpu.memory_space<hbm>> -> memref<1x1x8x128xf32, #tpu.memory_space<hbm>>
    %dma_start3A_247 = tpu.memref_squeeze %dma_start3A_246 : memref<1x1x8x128xf32, #tpu.memory_space<hbm>> -> memref<8x128xf32, #tpu.memory_space<hbm>>
    %dma_start3A_248 = arith.constant 0 : i32
    %dma_start3A_249 = arith.constant 0 : i32
    %dma_start3A_250 = tpu.memref_slice %arg9[%dma_start3A_235, %dma_start3A_248, %dma_start3A_249] : memref<16x8x128xf32, #tpu.memory_space<vmem>> -> memref<1x8x128xf32, #tpu.memory_space<vmem>>
    %dma_start3A_251 = tpu.memref_squeeze %dma_start3A_250 : memref<1x8x128xf32, #tpu.memory_space<vmem>> -> memref<8x128xf32, #tpu.memory_space<vmem>>
    tpu.enqueue_dma source(%dma_start3A_251 : memref<8x128xf32, #tpu.memory_space<vmem>>) target(%dma_start3A_247 : memref<8x128xf32, #tpu.memory_space<hbm>>) target_semaphore(%arg11 : memref<!tpu.dma_semaphore, #tpu.memory_space<semaphore_mem>>)
    %mul3A_252 = arith.constant 16 : i32
    %mul3A_253 = arith.muli %select_n3A_9, %mul3A_252 : i32
    %add3A_254 = arith.constant 9 : i32
    %add3A_255 = arith.addi %mul3A_253, %add3A_254 : i32
    %dma_start3A_256 = arith.constant 9 : i32
    %dma_start3A_257 = arith.constant 0 : i32
    %dma_start3A_258 = arith.constant 0 : i32
    %dma_start3A_259 = tpu.memref_slice %arg9[%dma_start3A_256, %dma_start3A_257, %dma_start3A_258] : memref<16x8x128xf32, #tpu.memory_space<vmem>> -> memref<1x8x128xf32, #tpu.memory_space<vmem>>
    %dma_start3A_260 = tpu.memref_squeeze %dma_start3A_259 : memref<1x8x128xf32, #tpu.memory_space<vmem>> -> memref<8x128xf32, #tpu.memory_space<vmem>>
    %dma_start3A_261 = arith.constant 0 : i32
    %dma_start3A_262 = arith.constant 0 : i32
    %dma_start3A_263 = tpu.memref_slice %arg5[%select_n3A_30, %add3A_255, %dma_start3A_261, %dma_start3A_262] : memref<4x128x8x128xf32, #tpu.memory_space<hbm>> -> memref<1x1x8x128xf32, #tpu.memory_space<hbm>>
    %dma_start3A_264 = tpu.memref_squeeze %dma_start3A_263 : memref<1x1x8x128xf32, #tpu.memory_space<hbm>> -> memref<8x128xf32, #tpu.memory_space<hbm>>
    %dma_start3A_265 = arith.constant 0 : i32
    %dma_start3A_266 = arith.constant 0 : i32
    %dma_start3A_267 = tpu.memref_slice %arg5[%select_n3A_30, %add3A_255, %dma_start3A_265, %dma_start3A_266] : memref<4x128x8x128xf32, #tpu.memory_space<hbm>> -> memref<1x1x8x128xf32, #tpu.memory_space<hbm>>
    %dma_start3A_268 = tpu.memref_squeeze %dma_start3A_267 : memref<1x1x8x128xf32, #tpu.memory_space<hbm>> -> memref<8x128xf32, #tpu.memory_space<hbm>>
    %dma_start3A_269 = arith.constant 0 : i32
    %dma_start3A_270 = arith.constant 0 : i32
    %dma_start3A_271 = tpu.memref_slice %arg9[%dma_start3A_256, %dma_start3A_269, %dma_start3A_270] : memref<16x8x128xf32, #tpu.memory_space<vmem>> -> memref<1x8x128xf32, #tpu.memory_space<vmem>>
    %dma_start3A_272 = tpu.memref_squeeze %dma_start3A_271 : memref<1x8x128xf32, #tpu.memory_space<vmem>> -> memref<8x128xf32, #tpu.memory_space<vmem>>
    tpu.enqueue_dma source(%dma_start3A_272 : memref<8x128xf32, #tpu.memory_space<vmem>>) target(%dma_start3A_268 : memref<8x128xf32, #tpu.memory_space<hbm>>) target_semaphore(%arg11 : memref<!tpu.dma_semaphore, #tpu.memory_space<semaphore_mem>>)
    %mul3A_273 = arith.constant 16 : i32
    %mul3A_274 = arith.muli %select_n3A_9, %mul3A_273 : i32
    %add3A_275 = arith.constant 10 : i32
    %add3A_276 = arith.addi %mul3A_274, %add3A_275 : i32
    %dma_start3A_277 = arith.constant 10 : i32
    %dma_start3A_278 = arith.constant 0 : i32
    %dma_start3A_279 = arith.constant 0 : i32
    %dma_start3A_280 = tpu.memref_slice %arg9[%dma_start3A_277, %dma_start3A_278, %dma_start3A_279] : memref<16x8x128xf32, #tpu.memory_space<vmem>> -> memref<1x8x128xf32, #tpu.memory_space<vmem>>
    %dma_start3A_281 = tpu.memref_squeeze %dma_start3A_280 : memref<1x8x128xf32, #tpu.memory_space<vmem>> -> memref<8x128xf32, #tpu.memory_space<vmem>>
    %dma_start3A_282 = arith.constant 0 : i32
    %dma_start3A_283 = arith.constant 0 : i32
    %dma_start3A_284 = tpu.memref_slice %arg5[%select_n3A_30, %add3A_276, %dma_start3A_282, %dma_start3A_283] : memref<4x128x8x128xf32, #tpu.memory_space<hbm>> -> memref<1x1x8x128xf32, #tpu.memory_space<hbm>>
    %dma_start3A_285 = tpu.memref_squeeze %dma_start3A_284 : memref<1x1x8x128xf32, #tpu.memory_space<hbm>> -> memref<8x128xf32, #tpu.memory_space<hbm>>
    %dma_start3A_286 = arith.constant 0 : i32
    %dma_start3A_287 = arith.constant 0 : i32
    %dma_start3A_288 = tpu.memref_slice %arg5[%select_n3A_30, %add3A_276, %dma_start3A_286, %dma_start3A_287] : memref<4x128x8x128xf32, #tpu.memory_space<hbm>> -> memref<1x1x8x128xf32, #tpu.memory_space<hbm>>
    %dma_start3A_289 = tpu.memref_squeeze %dma_start3A_288 : memref<1x1x8x128xf32, #tpu.memory_space<hbm>> -> memref<8x128xf32, #tpu.memory_space<hbm>>
    %dma_start3A_290 = arith.constant 0 : i32
    %dma_start3A_291 = arith.constant 0 : i32
    %dma_start3A_292 = tpu.memref_slice %arg9[%dma_start3A_277, %dma_start3A_290, %dma_start3A_291] : memref<16x8x128xf32, #tpu.memory_space<vmem>> -> memref<1x8x128xf32, #tpu.memory_space<vmem>>
    %dma_start3A_293 = tpu.memref_squeeze %dma_start3A_292 : memref<1x8x128xf32, #tpu.memory_space<vmem>> -> memref<8x128xf32, #tpu.memory_space<vmem>>
    tpu.enqueue_dma source(%dma_start3A_293 : memref<8x128xf32, #tpu.memory_space<vmem>>) target(%dma_start3A_289 : memref<8x128xf32, #tpu.memory_space<hbm>>) target_semaphore(%arg11 : memref<!tpu.dma_semaphore, #tpu.memory_space<semaphore_mem>>)
    %mul3A_294 = arith.constant 16 : i32
    %mul3A_295 = arith.muli %select_n3A_9, %mul3A_294 : i32
    %add3A_296 = arith.constant 11 : i32
    %add3A_297 = arith.addi %mul3A_295, %add3A_296 : i32
    %dma_start3A_298 = arith.constant 11 : i32
    %dma_start3A_299 = arith.constant 0 : i32
    %dma_start3A_300 = arith.constant 0 : i32
    %dma_start3A_301 = tpu.memref_slice %arg9[%dma_start3A_298, %dma_start3A_299, %dma_start3A_300] : memref<16x8x128xf32, #tpu.memory_space<vmem>> -> memref<1x8x128xf32, #tpu.memory_space<vmem>>
    %dma_start3A_302 = tpu.memref_squeeze %dma_start3A_301 : memref<1x8x128xf32, #tpu.memory_space<vmem>> -> memref<8x128xf32, #tpu.memory_space<vmem>>
    %dma_start3A_303 = arith.constant 0 : i32
    %dma_start3A_304 = arith.constant 0 : i32
    %dma_start3A_305 = tpu.memref_slice %arg5[%select_n3A_30, %add3A_297, %dma_start3A_303, %dma_start3A_304] : memref<4x128x8x128xf32, #tpu.memory_space<hbm>> -> memref<1x1x8x128xf32, #tpu.memory_space<hbm>>
    %dma_start3A_306 = tpu.memref_squeeze %dma_start3A_305 : memref<1x1x8x128xf32, #tpu.memory_space<hbm>> -> memref<8x128xf32, #tpu.memory_space<hbm>>
    %dma_start3A_307 = arith.constant 0 : i32
    %dma_start3A_308 = arith.constant 0 : i32
    %dma_start3A_309 = tpu.memref_slice %arg5[%select_n3A_30, %add3A_297, %dma_start3A_307, %dma_start3A_308] : memref<4x128x8x128xf32, #tpu.memory_space<hbm>> -> memref<1x1x8x128xf32, #tpu.memory_space<hbm>>
    %dma_start3A_310 = tpu.memref_squeeze %dma_start3A_309 : memref<1x1x8x128xf32, #tpu.memory_space<hbm>> -> memref<8x128xf32, #tpu.memory_space<hbm>>
    %dma_start3A_311 = arith.constant 0 : i32
    %dma_start3A_312 = arith.constant 0 : i32
    %dma_start3A_313 = tpu.memref_slice %arg9[%dma_start3A_298, %dma_start3A_311, %dma_start3A_312] : memref<16x8x128xf32, #tpu.memory_space<vmem>> -> memref<1x8x128xf32, #tpu.memory_space<vmem>>
    %dma_start3A_314 = tpu.memref_squeeze %dma_start3A_313 : memref<1x8x128xf32, #tpu.memory_space<vmem>> -> memref<8x128xf32, #tpu.memory_space<vmem>>
    tpu.enqueue_dma source(%dma_start3A_314 : memref<8x128xf32, #tpu.memory_space<vmem>>) target(%dma_start3A_310 : memref<8x128xf32, #tpu.memory_space<hbm>>) target_semaphore(%arg11 : memref<!tpu.dma_semaphore, #tpu.memory_space<semaphore_mem>>)
    %mul3A_315 = arith.constant 16 : i32
    %mul3A_316 = arith.muli %select_n3A_9, %mul3A_315 : i32
    %add3A_317 = arith.constant 12 : i32
    %add3A_318 = arith.addi %mul3A_316, %add3A_317 : i32
    %dma_start3A_319 = arith.constant 12 : i32
    %dma_start3A_320 = arith.constant 0 : i32
    %dma_start3A_321 = arith.constant 0 : i32
    %dma_start3A_322 = tpu.memref_slice %arg9[%dma_start3A_319, %dma_start3A_320, %dma_start3A_321] : memref<16x8x128xf32, #tpu.memory_space<vmem>> -> memref<1x8x128xf32, #tpu.memory_space<vmem>>
    %dma_start3A_323 = tpu.memref_squeeze %dma_start3A_322 : memref<1x8x128xf32, #tpu.memory_space<vmem>> -> memref<8x128xf32, #tpu.memory_space<vmem>>
    %dma_start3A_324 = arith.constant 0 : i32
    %dma_start3A_325 = arith.constant 0 : i32
    %dma_start3A_326 = tpu.memref_slice %arg5[%select_n3A_30, %add3A_318, %dma_start3A_324, %dma_start3A_325] : memref<4x128x8x128xf32, #tpu.memory_space<hbm>> -> memref<1x1x8x128xf32, #tpu.memory_space<hbm>>
    %dma_start3A_327 = tpu.memref_squeeze %dma_start3A_326 : memref<1x1x8x128xf32, #tpu.memory_space<hbm>> -> memref<8x128xf32, #tpu.memory_space<hbm>>
    %dma_start3A_328 = arith.constant 0 : i32
    %dma_start3A_329 = arith.constant 0 : i32
    %dma_start3A_330 = tpu.memref_slice %arg5[%select_n3A_30, %add3A_318, %dma_start3A_328, %dma_start3A_329] : memref<4x128x8x128xf32, #tpu.memory_space<hbm>> -> memref<1x1x8x128xf32, #tpu.memory_space<hbm>>
    %dma_start3A_331 = tpu.memref_squeeze %dma_start3A_330 : memref<1x1x8x128xf32, #tpu.memory_space<hbm>> -> memref<8x128xf32, #tpu.memory_space<hbm>>
    %dma_start3A_332 = arith.constant 0 : i32
    %dma_start3A_333 = arith.constant 0 : i32
    %dma_start3A_334 = tpu.memref_slice %arg9[%dma_start3A_319, %dma_start3A_332, %dma_start3A_333] : memref<16x8x128xf32, #tpu.memory_space<vmem>> -> memref<1x8x128xf32, #tpu.memory_space<vmem>>
    %dma_start3A_335 = tpu.memref_squeeze %dma_start3A_334 : memref<1x8x128xf32, #tpu.memory_space<vmem>> -> memref<8x128xf32, #tpu.memory_space<vmem>>
    tpu.enqueue_dma source(%dma_start3A_335 : memref<8x128xf32, #tpu.memory_space<vmem>>) target(%dma_start3A_331 : memref<8x128xf32, #tpu.memory_space<hbm>>) target_semaphore(%arg11 : memref<!tpu.dma_semaphore, #tpu.memory_space<semaphore_mem>>)
    %mul3A_336 = arith.constant 16 : i32
    %mul3A_337 = arith.muli %select_n3A_9, %mul3A_336 : i32
    %add3A_338 = arith.constant 13 : i32
    %add3A_339 = arith.addi %mul3A_337, %add3A_338 : i32
    %dma_start3A_340 = arith.constant 13 : i32
    %dma_start3A_341 = arith.constant 0 : i32
    %dma_start3A_342 = arith.constant 0 : i32
    %dma_start3A_343 = tpu.memref_slice %arg9[%dma_start3A_340, %dma_start3A_341, %dma_start3A_342] : memref<16x8x128xf32, #tpu.memory_space<vmem>> -> memref<1x8x128xf32, #tpu.memory_space<vmem>>
    %dma_start3A_344 = tpu.memref_squeeze %dma_start3A_343 : memref<1x8x128xf32, #tpu.memory_space<vmem>> -> memref<8x128xf32, #tpu.memory_space<vmem>>
    %dma_start3A_345 = arith.constant 0 : i32
    %dma_start3A_346 = arith.constant 0 : i32
    %dma_start3A_347 = tpu.memref_slice %arg5[%select_n3A_30, %add3A_339, %dma_start3A_345, %dma_start3A_346] : memref<4x128x8x128xf32, #tpu.memory_space<hbm>> -> memref<1x1x8x128xf32, #tpu.memory_space<hbm>>
    %dma_start3A_348 = tpu.memref_squeeze %dma_start3A_347 : memref<1x1x8x128xf32, #tpu.memory_space<hbm>> -> memref<8x128xf32, #tpu.memory_space<hbm>>
    %dma_start3A_349 = arith.constant 0 : i32
    %dma_start3A_350 = arith.constant 0 : i32
    %dma_start3A_351 = tpu.memref_slice %arg5[%select_n3A_30, %add3A_339, %dma_start3A_349, %dma_start3A_350] : memref<4x128x8x128xf32, #tpu.memory_space<hbm>> -> memref<1x1x8x128xf32, #tpu.memory_space<hbm>>
    %dma_start3A_352 = tpu.memref_squeeze %dma_start3A_351 : memref<1x1x8x128xf32, #tpu.memory_space<hbm>> -> memref<8x128xf32, #tpu.memory_space<hbm>>
    %dma_start3A_353 = arith.constant 0 : i32
    %dma_start3A_354 = arith.constant 0 : i32
    %dma_start3A_355 = tpu.memref_slice %arg9[%dma_start3A_340, %dma_start3A_353, %dma_start3A_354] : memref<16x8x128xf32, #tpu.memory_space<vmem>> -> memref<1x8x128xf32, #tpu.memory_space<vmem>>
    %dma_start3A_356 = tpu.memref_squeeze %dma_start3A_355 : memref<1x8x128xf32, #tpu.memory_space<vmem>> -> memref<8x128xf32, #tpu.memory_space<vmem>>
    tpu.enqueue_dma source(%dma_start3A_356 : memref<8x128xf32, #tpu.memory_space<vmem>>) target(%dma_start3A_352 : memref<8x128xf32, #tpu.memory_space<hbm>>) target_semaphore(%arg11 : memref<!tpu.dma_semaphore, #tpu.memory_space<semaphore_mem>>)
    %mul3A_357 = arith.constant 16 : i32
    %mul3A_358 = arith.muli %select_n3A_9, %mul3A_357 : i32
    %add3A_359 = arith.constant 14 : i32
    %add3A_360 = arith.addi %mul3A_358, %add3A_359 : i32
    %dma_start3A_361 = arith.constant 14 : i32
    %dma_start3A_362 = arith.constant 0 : i32
    %dma_start3A_363 = arith.constant 0 : i32
    %dma_start3A_364 = tpu.memref_slice %arg9[%dma_start3A_361, %dma_start3A_362, %dma_start3A_363] : memref<16x8x128xf32, #tpu.memory_space<vmem>> -> memref<1x8x128xf32, #tpu.memory_space<vmem>>
    %dma_start3A_365 = tpu.memref_squeeze %dma_start3A_364 : memref<1x8x128xf32, #tpu.memory_space<vmem>> -> memref<8x128xf32, #tpu.memory_space<vmem>>
    %dma_start3A_366 = arith.constant 0 : i32
    %dma_start3A_367 = arith.constant 0 : i32
    %dma_start3A_368 = tpu.memref_slice %arg5[%select_n3A_30, %add3A_360, %dma_start3A_366, %dma_start3A_367] : memref<4x128x8x128xf32, #tpu.memory_space<hbm>> -> memref<1x1x8x128xf32, #tpu.memory_space<hbm>>
    %dma_start3A_369 = tpu.memref_squeeze %dma_start3A_368 : memref<1x1x8x128xf32, #tpu.memory_space<hbm>> -> memref<8x128xf32, #tpu.memory_space<hbm>>
    %dma_start3A_370 = arith.constant 0 : i32
    %dma_start3A_371 = arith.constant 0 : i32
    %dma_start3A_372 = tpu.memref_slice %arg5[%select_n3A_30, %add3A_360, %dma_start3A_370, %dma_start3A_371] : memref<4x128x8x128xf32, #tpu.memory_space<hbm>> -> memref<1x1x8x128xf32, #tpu.memory_space<hbm>>
    %dma_start3A_373 = tpu.memref_squeeze %dma_start3A_372 : memref<1x1x8x128xf32, #tpu.memory_space<hbm>> -> memref<8x128xf32, #tpu.memory_space<hbm>>
    %dma_start3A_374 = arith.constant 0 : i32
    %dma_start3A_375 = arith.constant 0 : i32
    %dma_start3A_376 = tpu.memref_slice %arg9[%dma_start3A_361, %dma_start3A_374, %dma_start3A_375] : memref<16x8x128xf32, #tpu.memory_space<vmem>> -> memref<1x8x128xf32, #tpu.memory_space<vmem>>
    %dma_start3A_377 = tpu.memref_squeeze %dma_start3A_376 : memref<1x8x128xf32, #tpu.memory_space<vmem>> -> memref<8x128xf32, #tpu.memory_space<vmem>>
    tpu.enqueue_dma source(%dma_start3A_377 : memref<8x128xf32, #tpu.memory_space<vmem>>) target(%dma_start3A_373 : memref<8x128xf32, #tpu.memory_space<hbm>>) target_semaphore(%arg11 : memref<!tpu.dma_semaphore, #tpu.memory_space<semaphore_mem>>)
    %mul3A_378 = arith.constant 16 : i32
    %mul3A_379 = arith.muli %select_n3A_9, %mul3A_378 : i32
    %add3A_380 = arith.constant 15 : i32
    %add3A_381 = arith.addi %mul3A_379, %add3A_380 : i32
    %dma_start3A_382 = arith.constant 15 : i32
    %dma_start3A_383 = arith.constant 0 : i32
    %dma_start3A_384 = arith.constant 0 : i32
    %dma_start3A_385 = tpu.memref_slice %arg9[%dma_start3A_382, %dma_start3A_383, %dma_start3A_384] : memref<16x8x128xf32, #tpu.memory_space<vmem>> -> memref<1x8x128xf32, #tpu.memory_space<vmem>>
    %dma_start3A_386 = tpu.memref_squeeze %dma_start3A_385 : memref<1x8x128xf32, #tpu.memory_space<vmem>> -> memref<8x128xf32, #tpu.memory_space<vmem>>
    %dma_start3A_387 = arith.constant 0 : i32
    %dma_start3A_388 = arith.constant 0 : i32
    %dma_start3A_389 = tpu.memref_slice %arg5[%select_n3A_30, %add3A_381, %dma_start3A_387, %dma_start3A_388] : memref<4x128x8x128xf32, #tpu.memory_space<hbm>> -> memref<1x1x8x128xf32, #tpu.memory_space<hbm>>
    %dma_start3A_390 = tpu.memref_squeeze %dma_start3A_389 : memref<1x1x8x128xf32, #tpu.memory_space<hbm>> -> memref<8x128xf32, #tpu.memory_space<hbm>>
    %dma_start3A_391 = arith.constant 0 : i32
    %dma_start3A_392 = arith.constant 0 : i32
    %dma_start3A_393 = tpu.memref_slice %arg5[%select_n3A_30, %add3A_381, %dma_start3A_391, %dma_start3A_392] : memref<4x128x8x128xf32, #tpu.memory_space<hbm>> -> memref<1x1x8x128xf32, #tpu.memory_space<hbm>>
    %dma_start3A_394 = tpu.memref_squeeze %dma_start3A_393 : memref<1x1x8x128xf32, #tpu.memory_space<hbm>> -> memref<8x128xf32, #tpu.memory_space<hbm>>
    %dma_start3A_395 = arith.constant 0 : i32
    %dma_start3A_396 = arith.constant 0 : i32
    %dma_start3A_397 = tpu.memref_slice %arg9[%dma_start3A_382, %dma_start3A_395, %dma_start3A_396] : memref<16x8x128xf32, #tpu.memory_space<vmem>> -> memref<1x8x128xf32, #tpu.memory_space<vmem>>
    %dma_start3A_398 = tpu.memref_squeeze %dma_start3A_397 : memref<1x8x128xf32, #tpu.memory_space<vmem>> -> memref<8x128xf32, #tpu.memory_space<vmem>>
    tpu.enqueue_dma source(%dma_start3A_398 : memref<8x128xf32, #tpu.memory_space<vmem>>) target(%dma_start3A_394 : memref<8x128xf32, #tpu.memory_space<hbm>>) target_semaphore(%arg11 : memref<!tpu.dma_semaphore, #tpu.memory_space<semaphore_mem>>)
    %dma_wait3A_399 = arith.constant 0 : i32
    %dma_wait3A_400 = arith.constant 0 : i32
    %dma_wait3A_401 = arith.constant 0 : i32
    %dma_wait3A_402 = tpu.memref_slice %arg9[%dma_wait3A_399, %dma_wait3A_400, %dma_wait3A_401] : memref<16x8x128xf32, #tpu.memory_space<vmem>> -> memref<1x8x128xf32, #tpu.memory_space<vmem>>
    %dma_wait3A_403 = tpu.memref_squeeze %dma_wait3A_402 : memref<1x8x128xf32, #tpu.memory_space<vmem>> -> memref<8x128xf32, #tpu.memory_space<vmem>>
    %dma_wait3A_404 = arith.constant 0 : i32
    %dma_wait3A_405 = arith.constant 0 : i32
    %dma_wait3A_406 = tpu.memref_slice %arg5[%select_n3A_30, %add3A_66, %dma_wait3A_404, %dma_wait3A_405] : memref<4x128x8x128xf32, #tpu.memory_space<hbm>> -> memref<1x1x8x128xf32, #tpu.memory_space<hbm>>
    %dma_wait3A_407 = tpu.memref_squeeze %dma_wait3A_406 : memref<1x1x8x128xf32, #tpu.memory_space<hbm>> -> memref<8x128xf32, #tpu.memory_space<hbm>>
    %dma_wait3A_408 = arith.constant 0 : i32
    %dma_wait3A_409 = arith.constant 0 : i32
    %dma_wait3A_410 = tpu.memref_slice %arg5[%select_n3A_30, %add3A_66, %dma_wait3A_408, %dma_wait3A_409] : memref<4x128x8x128xf32, #tpu.memory_space<hbm>> -> memref<1x1x8x128xf32, #tpu.memory_space<hbm>>
    %dma_wait3A_411 = tpu.memref_squeeze %dma_wait3A_410 : memref<1x1x8x128xf32, #tpu.memory_space<hbm>> -> memref<8x128xf32, #tpu.memory_space<hbm>>
    %dma_wait3A_412 = arith.constant 0 : i32
    %dma_wait3A_413 = arith.constant 0 : i32
    %dma_wait3A_414 = tpu.memref_slice %arg9[%dma_wait3A_399, %dma_wait3A_412, %dma_wait3A_413] : memref<16x8x128xf32, #tpu.memory_space<vmem>> -> memref<1x8x128xf32, #tpu.memory_space<vmem>>
    %dma_wait3A_415 = tpu.memref_squeeze %dma_wait3A_414 : memref<1x8x128xf32, #tpu.memory_space<vmem>> -> memref<8x128xf32, #tpu.memory_space<vmem>>
    tpu.wait_dma2 semaphore(%arg11 : memref<!tpu.dma_semaphore, #tpu.memory_space<semaphore_mem>>) src(%dma_wait3A_415 : memref<8x128xf32, #tpu.memory_space<vmem>>) dst(%dma_wait3A_411 : memref<8x128xf32, #tpu.memory_space<hbm>>)
    %dma_wait3A_416 = arith.constant 1 : i32
    %dma_wait3A_417 = arith.constant 0 : i32
    %dma_wait3A_418 = arith.constant 0 : i32
    %dma_wait3A_419 = tpu.memref_slice %arg9[%dma_wait3A_416, %dma_wait3A_417, %dma_wait3A_418] : memref<16x8x128xf32, #tpu.memory_space<vmem>> -> memref<1x8x128xf32, #tpu.memory_space<vmem>>
    %dma_wait3A_420 = tpu.memref_squeeze %dma_wait3A_419 : memref<1x8x128xf32, #tpu.memory_space<vmem>> -> memref<8x128xf32, #tpu.memory_space<vmem>>
    %dma_wait3A_421 = arith.constant 0 : i32
    %dma_wait3A_422 = arith.constant 0 : i32
    %dma_wait3A_423 = tpu.memref_slice %arg5[%select_n3A_30, %add3A_87, %dma_wait3A_421, %dma_wait3A_422] : memref<4x128x8x128xf32, #tpu.memory_space<hbm>> -> memref<1x1x8x128xf32, #tpu.memory_space<hbm>>
    %dma_wait3A_424 = tpu.memref_squeeze %dma_wait3A_423 : memref<1x1x8x128xf32, #tpu.memory_space<hbm>> -> memref<8x128xf32, #tpu.memory_space<hbm>>
    %dma_wait3A_425 = arith.constant 0 : i32
    %dma_wait3A_426 = arith.constant 0 : i32
    %dma_wait3A_427 = tpu.memref_slice %arg5[%select_n3A_30, %add3A_87, %dma_wait3A_425, %dma_wait3A_426] : memref<4x128x8x128xf32, #tpu.memory_space<hbm>> -> memref<1x1x8x128xf32, #tpu.memory_space<hbm>>
    %dma_wait3A_428 = tpu.memref_squeeze %dma_wait3A_427 : memref<1x1x8x128xf32, #tpu.memory_space<hbm>> -> memref<8x128xf32, #tpu.memory_space<hbm>>
    %dma_wait3A_429 = arith.constant 0 : i32
    %dma_wait3A_430 = arith.constant 0 : i32
    %dma_wait3A_431 = tpu.memref_slice %arg9[%dma_wait3A_416, %dma_wait3A_429, %dma_wait3A_430] : memref<16x8x128xf32, #tpu.memory_space<vmem>> -> memref<1x8x128xf32, #tpu.memory_space<vmem>>
    %dma_wait3A_432 = tpu.memref_squeeze %dma_wait3A_431 : memref<1x8x128xf32, #tpu.memory_space<vmem>> -> memref<8x128xf32, #tpu.memory_space<vmem>>
    tpu.wait_dma2 semaphore(%arg11 : memref<!tpu.dma_semaphore, #tpu.memory_space<semaphore_mem>>) src(%dma_wait3A_432 : memref<8x128xf32, #tpu.memory_space<vmem>>) dst(%dma_wait3A_428 : memref<8x128xf32, #tpu.memory_space<hbm>>)
    %dma_wait3A_433 = arith.constant 2 : i32
    %dma_wait3A_434 = arith.constant 0 : i32
    %dma_wait3A_435 = arith.constant 0 : i32
    %dma_wait3A_436 = tpu.memref_slice %arg9[%dma_wait3A_433, %dma_wait3A_434, %dma_wait3A_435] : memref<16x8x128xf32, #tpu.memory_space<vmem>> -> memref<1x8x128xf32, #tpu.memory_space<vmem>>
    %dma_wait3A_437 = tpu.memref_squeeze %dma_wait3A_436 : memref<1x8x128xf32, #tpu.memory_space<vmem>> -> memref<8x128xf32, #tpu.memory_space<vmem>>
    %dma_wait3A_438 = arith.constant 0 : i32
    %dma_wait3A_439 = arith.constant 0 : i32
    %dma_wait3A_440 = tpu.memref_slice %arg5[%select_n3A_30, %add3A_108, %dma_wait3A_438, %dma_wait3A_439] : memref<4x128x8x128xf32, #tpu.memory_space<hbm>> -> memref<1x1x8x128xf32, #tpu.memory_space<hbm>>
    %dma_wait3A_441 = tpu.memref_squeeze %dma_wait3A_440 : memref<1x1x8x128xf32, #tpu.memory_space<hbm>> -> memref<8x128xf32, #tpu.memory_space<hbm>>
    %dma_wait3A_442 = arith.constant 0 : i32
    %dma_wait3A_443 = arith.constant 0 : i32
    %dma_wait3A_444 = tpu.memref_slice %arg5[%select_n3A_30, %add3A_108, %dma_wait3A_442, %dma_wait3A_443] : memref<4x128x8x128xf32, #tpu.memory_space<hbm>> -> memref<1x1x8x128xf32, #tpu.memory_space<hbm>>
    %dma_wait3A_445 = tpu.memref_squeeze %dma_wait3A_444 : memref<1x1x8x128xf32, #tpu.memory_space<hbm>> -> memref<8x128xf32, #tpu.memory_space<hbm>>
    %dma_wait3A_446 = arith.constant 0 : i32
    %dma_wait3A_447 = arith.constant 0 : i32
    %dma_wait3A_448 = tpu.memref_slice %arg9[%dma_wait3A_433, %dma_wait3A_446, %dma_wait3A_447] : memref<16x8x128xf32, #tpu.memory_space<vmem>> -> memref<1x8x128xf32, #tpu.memory_space<vmem>>
    %dma_wait3A_449 = tpu.memref_squeeze %dma_wait3A_448 : memref<1x8x128xf32, #tpu.memory_space<vmem>> -> memref<8x128xf32, #tpu.memory_space<vmem>>
    tpu.wait_dma2 semaphore(%arg11 : memref<!tpu.dma_semaphore, #tpu.memory_space<semaphore_mem>>) src(%dma_wait3A_449 : memref<8x128xf32, #tpu.memory_space<vmem>>) dst(%dma_wait3A_445 : memref<8x128xf32, #tpu.memory_space<hbm>>)
    %dma_wait3A_450 = arith.constant 3 : i32
    %dma_wait3A_451 = arith.constant 0 : i32
    %dma_wait3A_452 = arith.constant 0 : i32
    %dma_wait3A_453 = tpu.memref_slice %arg9[%dma_wait3A_450, %dma_wait3A_451, %dma_wait3A_452] : memref<16x8x128xf32, #tpu.memory_space<vmem>> -> memref<1x8x128xf32, #tpu.memory_space<vmem>>
    %dma_wait3A_454 = tpu.memref_squeeze %dma_wait3A_453 : memref<1x8x128xf32, #tpu.memory_space<vmem>> -> memref<8x128xf32, #tpu.memory_space<vmem>>
    %dma_wait3A_455 = arith.constant 0 : i32
    %dma_wait3A_456 = arith.constant 0 : i32
    %dma_wait3A_457 = tpu.memref_slice %arg5[%select_n3A_30, %add3A_129, %dma_wait3A_455, %dma_wait3A_456] : memref<4x128x8x128xf32, #tpu.memory_space<hbm>> -> memref<1x1x8x128xf32, #tpu.memory_space<hbm>>
    %dma_wait3A_458 = tpu.memref_squeeze %dma_wait3A_457 : memref<1x1x8x128xf32, #tpu.memory_space<hbm>> -> memref<8x128xf32, #tpu.memory_space<hbm>>
    %dma_wait3A_459 = arith.constant 0 : i32
    %dma_wait3A_460 = arith.constant 0 : i32
    %dma_wait3A_461 = tpu.memref_slice %arg5[%select_n3A_30, %add3A_129, %dma_wait3A_459, %dma_wait3A_460] : memref<4x128x8x128xf32, #tpu.memory_space<hbm>> -> memref<1x1x8x128xf32, #tpu.memory_space<hbm>>
    %dma_wait3A_462 = tpu.memref_squeeze %dma_wait3A_461 : memref<1x1x8x128xf32, #tpu.memory_space<hbm>> -> memref<8x128xf32, #tpu.memory_space<hbm>>
    %dma_wait3A_463 = arith.constant 0 : i32
    %dma_wait3A_464 = arith.constant 0 : i32
    %dma_wait3A_465 = tpu.memref_slice %arg9[%dma_wait3A_450, %dma_wait3A_463, %dma_wait3A_464] : memref<16x8x128xf32, #tpu.memory_space<vmem>> -> memref<1x8x128xf32, #tpu.memory_space<vmem>>
    %dma_wait3A_466 = tpu.memref_squeeze %dma_wait3A_465 : memref<1x8x128xf32, #tpu.memory_space<vmem>> -> memref<8x128xf32, #tpu.memory_space<vmem>>
    tpu.wait_dma2 semaphore(%arg11 : memref<!tpu.dma_semaphore, #tpu.memory_space<semaphore_mem>>) src(%dma_wait3A_466 : memref<8x128xf32, #tpu.memory_space<vmem>>) dst(%dma_wait3A_462 : memref<8x128xf32, #tpu.memory_space<hbm>>)
    %dma_wait3A_467 = arith.constant 4 : i32
    %dma_wait3A_468 = arith.constant 0 : i32
    %dma_wait3A_469 = arith.constant 0 : i32
    %dma_wait3A_470 = tpu.memref_slice %arg9[%dma_wait3A_467, %dma_wait3A_468, %dma_wait3A_469] : memref<16x8x128xf32, #tpu.memory_space<vmem>> -> memref<1x8x128xf32, #tpu.memory_space<vmem>>
    %dma_wait3A_471 = tpu.memref_squeeze %dma_wait3A_470 : memref<1x8x128xf32, #tpu.memory_space<vmem>> -> memref<8x128xf32, #tpu.memory_space<vmem>>
    %dma_wait3A_472 = arith.constant 0 : i32
    %dma_wait3A_473 = arith.constant 0 : i32
    %dma_wait3A_474 = tpu.memref_slice %arg5[%select_n3A_30, %add3A_150, %dma_wait3A_472, %dma_wait3A_473] : memref<4x128x8x128xf32, #tpu.memory_space<hbm>> -> memref<1x1x8x128xf32, #tpu.memory_space<hbm>>
    %dma_wait3A_475 = tpu.memref_squeeze %dma_wait3A_474 : memref<1x1x8x128xf32, #tpu.memory_space<hbm>> -> memref<8x128xf32, #tpu.memory_space<hbm>>
    %dma_wait3A_476 = arith.constant 0 : i32
    %dma_wait3A_477 = arith.constant 0 : i32
    %dma_wait3A_478 = tpu.memref_slice %arg5[%select_n3A_30, %add3A_150, %dma_wait3A_476, %dma_wait3A_477] : memref<4x128x8x128xf32, #tpu.memory_space<hbm>> -> memref<1x1x8x128xf32, #tpu.memory_space<hbm>>
    %dma_wait3A_479 = tpu.memref_squeeze %dma_wait3A_478 : memref<1x1x8x128xf32, #tpu.memory_space<hbm>> -> memref<8x128xf32, #tpu.memory_space<hbm>>
    %dma_wait3A_480 = arith.constant 0 : i32
    %dma_wait3A_481 = arith.constant 0 : i32
    %dma_wait3A_482 = tpu.memref_slice %arg9[%dma_wait3A_467, %dma_wait3A_480, %dma_wait3A_481] : memref<16x8x128xf32, #tpu.memory_space<vmem>> -> memref<1x8x128xf32, #tpu.memory_space<vmem>>
    %dma_wait3A_483 = tpu.memref_squeeze %dma_wait3A_482 : memref<1x8x128xf32, #tpu.memory_space<vmem>> -> memref<8x128xf32, #tpu.memory_space<vmem>>
    tpu.wait_dma2 semaphore(%arg11 : memref<!tpu.dma_semaphore, #tpu.memory_space<semaphore_mem>>) src(%dma_wait3A_483 : memref<8x128xf32, #tpu.memory_space<vmem>>) dst(%dma_wait3A_479 : memref<8x128xf32, #tpu.memory_space<hbm>>)
    %dma_wait3A_484 = arith.constant 5 : i32
    %dma_wait3A_485 = arith.constant 0 : i32
    %dma_wait3A_486 = arith.constant 0 : i32
    %dma_wait3A_487 = tpu.memref_slice %arg9[%dma_wait3A_484, %dma_wait3A_485, %dma_wait3A_486] : memref<16x8x128xf32, #tpu.memory_space<vmem>> -> memref<1x8x128xf32, #tpu.memory_space<vmem>>
    %dma_wait3A_488 = tpu.memref_squeeze %dma_wait3A_487 : memref<1x8x128xf32, #tpu.memory_space<vmem>> -> memref<8x128xf32, #tpu.memory_space<vmem>>
    %dma_wait3A_489 = arith.constant 0 : i32
    %dma_wait3A_490 = arith.constant 0 : i32
    %dma_wait3A_491 = tpu.memref_slice %arg5[%select_n3A_30, %add3A_171, %dma_wait3A_489, %dma_wait3A_490] : memref<4x128x8x128xf32, #tpu.memory_space<hbm>> -> memref<1x1x8x128xf32, #tpu.memory_space<hbm>>
    %dma_wait3A_492 = tpu.memref_squeeze %dma_wait3A_491 : memref<1x1x8x128xf32, #tpu.memory_space<hbm>> -> memref<8x128xf32, #tpu.memory_space<hbm>>
    %dma_wait3A_493 = arith.constant 0 : i32
    %dma_wait3A_494 = arith.constant 0 : i32
    %dma_wait3A_495 = tpu.memref_slice %arg5[%select_n3A_30, %add3A_171, %dma_wait3A_493, %dma_wait3A_494] : memref<4x128x8x128xf32, #tpu.memory_space<hbm>> -> memref<1x1x8x128xf32, #tpu.memory_space<hbm>>
    %dma_wait3A_496 = tpu.memref_squeeze %dma_wait3A_495 : memref<1x1x8x128xf32, #tpu.memory_space<hbm>> -> memref<8x128xf32, #tpu.memory_space<hbm>>
    %dma_wait3A_497 = arith.constant 0 : i32
    %dma_wait3A_498 = arith.constant 0 : i32
    %dma_wait3A_499 = tpu.memref_slice %arg9[%dma_wait3A_484, %dma_wait3A_497, %dma_wait3A_498] : memref<16x8x128xf32, #tpu.memory_space<vmem>> -> memref<1x8x128xf32, #tpu.memory_space<vmem>>
    %dma_wait3A_500 = tpu.memref_squeeze %dma_wait3A_499 : memref<1x8x128xf32, #tpu.memory_space<vmem>> -> memref<8x128xf32, #tpu.memory_space<vmem>>
    tpu.wait_dma2 semaphore(%arg11 : memref<!tpu.dma_semaphore, #tpu.memory_space<semaphore_mem>>) src(%dma_wait3A_500 : memref<8x128xf32, #tpu.memory_space<vmem>>) dst(%dma_wait3A_496 : memref<8x128xf32, #tpu.memory_space<hbm>>)
    %dma_wait3A_501 = arith.constant 6 : i32
    %dma_wait3A_502 = arith.constant 0 : i32
    %dma_wait3A_503 = arith.constant 0 : i32
    %dma_wait3A_504 = tpu.memref_slice %arg9[%dma_wait3A_501, %dma_wait3A_502, %dma_wait3A_503] : memref<16x8x128xf32, #tpu.memory_space<vmem>> -> memref<1x8x128xf32, #tpu.memory_space<vmem>>
    %dma_wait3A_505 = tpu.memref_squeeze %dma_wait3A_504 : memref<1x8x128xf32, #tpu.memory_space<vmem>> -> memref<8x128xf32, #tpu.memory_space<vmem>>
    %dma_wait3A_506 = arith.constant 0 : i32
    %dma_wait3A_507 = arith.constant 0 : i32
    %dma_wait3A_508 = tpu.memref_slice %arg5[%select_n3A_30, %add3A_192, %dma_wait3A_506, %dma_wait3A_507] : memref<4x128x8x128xf32, #tpu.memory_space<hbm>> -> memref<1x1x8x128xf32, #tpu.memory_space<hbm>>
    %dma_wait3A_509 = tpu.memref_squeeze %dma_wait3A_508 : memref<1x1x8x128xf32, #tpu.memory_space<hbm>> -> memref<8x128xf32, #tpu.memory_space<hbm>>
    %dma_wait3A_510 = arith.constant 0 : i32
    %dma_wait3A_511 = arith.constant 0 : i32
    %dma_wait3A_512 = tpu.memref_slice %arg5[%select_n3A_30, %add3A_192, %dma_wait3A_510, %dma_wait3A_511] : memref<4x128x8x128xf32, #tpu.memory_space<hbm>> -> memref<1x1x8x128xf32, #tpu.memory_space<hbm>>
    %dma_wait3A_513 = tpu.memref_squeeze %dma_wait3A_512 : memref<1x1x8x128xf32, #tpu.memory_space<hbm>> -> memref<8x128xf32, #tpu.memory_space<hbm>>
    %dma_wait3A_514 = arith.constant 0 : i32
    %dma_wait3A_515 = arith.constant 0 : i32
    %dma_wait3A_516 = tpu.memref_slice %arg9[%dma_wait3A_501, %dma_wait3A_514, %dma_wait3A_515] : memref<16x8x128xf32, #tpu.memory_space<vmem>> -> memref<1x8x128xf32, #tpu.memory_space<vmem>>
    %dma_wait3A_517 = tpu.memref_squeeze %dma_wait3A_516 : memref<1x8x128xf32, #tpu.memory_space<vmem>> -> memref<8x128xf32, #tpu.memory_space<vmem>>
    tpu.wait_dma2 semaphore(%arg11 : memref<!tpu.dma_semaphore, #tpu.memory_space<semaphore_mem>>) src(%dma_wait3A_517 : memref<8x128xf32, #tpu.memory_space<vmem>>) dst(%dma_wait3A_513 : memref<8x128xf32, #tpu.memory_space<hbm>>)
    %dma_wait3A_518 = arith.constant 7 : i32
    %dma_wait3A_519 = arith.constant 0 : i32
    %dma_wait3A_520 = arith.constant 0 : i32
    %dma_wait3A_521 = tpu.memref_slice %arg9[%dma_wait3A_518, %dma_wait3A_519, %dma_wait3A_520] : memref<16x8x128xf32, #tpu.memory_space<vmem>> -> memref<1x8x128xf32, #tpu.memory_space<vmem>>
    %dma_wait3A_522 = tpu.memref_squeeze %dma_wait3A_521 : memref<1x8x128xf32, #tpu.memory_space<vmem>> -> memref<8x128xf32, #tpu.memory_space<vmem>>
    %dma_wait3A_523 = arith.constant 0 : i32
    %dma_wait3A_524 = arith.constant 0 : i32
    %dma_wait3A_525 = tpu.memref_slice %arg5[%select_n3A_30, %add3A_213, %dma_wait3A_523, %dma_wait3A_524] : memref<4x128x8x128xf32, #tpu.memory_space<hbm>> -> memref<1x1x8x128xf32, #tpu.memory_space<hbm>>
    %dma_wait3A_526 = tpu.memref_squeeze %dma_wait3A_525 : memref<1x1x8x128xf32, #tpu.memory_space<hbm>> -> memref<8x128xf32, #tpu.memory_space<hbm>>
    %dma_wait3A_527 = arith.constant 0 : i32
    %dma_wait3A_528 = arith.constant 0 : i32
    %dma_wait3A_529 = tpu.memref_slice %arg5[%select_n3A_30, %add3A_213, %dma_wait3A_527, %dma_wait3A_528] : memref<4x128x8x128xf32, #tpu.memory_space<hbm>> -> memref<1x1x8x128xf32, #tpu.memory_space<hbm>>
    %dma_wait3A_530 = tpu.memref_squeeze %dma_wait3A_529 : memref<1x1x8x128xf32, #tpu.memory_space<hbm>> -> memref<8x128xf32, #tpu.memory_space<hbm>>
    %dma_wait3A_531 = arith.constant 0 : i32
    %dma_wait3A_532 = arith.constant 0 : i32
    %dma_wait3A_533 = tpu.memref_slice %arg9[%dma_wait3A_518, %dma_wait3A_531, %dma_wait3A_532] : memref<16x8x128xf32, #tpu.memory_space<vmem>> -> memref<1x8x128xf32, #tpu.memory_space<vmem>>
    %dma_wait3A_534 = tpu.memref_squeeze %dma_wait3A_533 : memref<1x8x128xf32, #tpu.memory_space<vmem>> -> memref<8x128xf32, #tpu.memory_space<vmem>>
    tpu.wait_dma2 semaphore(%arg11 : memref<!tpu.dma_semaphore, #tpu.memory_space<semaphore_mem>>) src(%dma_wait3A_534 : memref<8x128xf32, #tpu.memory_space<vmem>>) dst(%dma_wait3A_530 : memref<8x128xf32, #tpu.memory_space<hbm>>)
    %dma_wait3A_535 = arith.constant 8 : i32
    %dma_wait3A_536 = arith.constant 0 : i32
    %dma_wait3A_537 = arith.constant 0 : i32
    %dma_wait3A_538 = tpu.memref_slice %arg9[%dma_wait3A_535, %dma_wait3A_536, %dma_wait3A_537] : memref<16x8x128xf32, #tpu.memory_space<vmem>> -> memref<1x8x128xf32, #tpu.memory_space<vmem>>
    %dma_wait3A_539 = tpu.memref_squeeze %dma_wait3A_538 : memref<1x8x128xf32, #tpu.memory_space<vmem>> -> memref<8x128xf32, #tpu.memory_space<vmem>>
    %dma_wait3A_540 = arith.constant 0 : i32
    %dma_wait3A_541 = arith.constant 0 : i32
    %dma_wait3A_542 = tpu.memref_slice %arg5[%select_n3A_30, %add3A_234, %dma_wait3A_540, %dma_wait3A_541] : memref<4x128x8x128xf32, #tpu.memory_space<hbm>> -> memref<1x1x8x128xf32, #tpu.memory_space<hbm>>
    %dma_wait3A_543 = tpu.memref_squeeze %dma_wait3A_542 : memref<1x1x8x128xf32, #tpu.memory_space<hbm>> -> memref<8x128xf32, #tpu.memory_space<hbm>>
    %dma_wait3A_544 = arith.constant 0 : i32
    %dma_wait3A_545 = arith.constant 0 : i32
    %dma_wait3A_546 = tpu.memref_slice %arg5[%select_n3A_30, %add3A_234, %dma_wait3A_544, %dma_wait3A_545] : memref<4x128x8x128xf32, #tpu.memory_space<hbm>> -> memref<1x1x8x128xf32, #tpu.memory_space<hbm>>
    %dma_wait3A_547 = tpu.memref_squeeze %dma_wait3A_546 : memref<1x1x8x128xf32, #tpu.memory_space<hbm>> -> memref<8x128xf32, #tpu.memory_space<hbm>>
    %dma_wait3A_548 = arith.constant 0 : i32
    %dma_wait3A_549 = arith.constant 0 : i32
    %dma_wait3A_550 = tpu.memref_slice %arg9[%dma_wait3A_535, %dma_wait3A_548, %dma_wait3A_549] : memref<16x8x128xf32, #tpu.memory_space<vmem>> -> memref<1x8x128xf32, #tpu.memory_space<vmem>>
    %dma_wait3A_551 = tpu.memref_squeeze %dma_wait3A_550 : memref<1x8x128xf32, #tpu.memory_space<vmem>> -> memref<8x128xf32, #tpu.memory_space<vmem>>
    tpu.wait_dma2 semaphore(%arg11 : memref<!tpu.dma_semaphore, #tpu.memory_space<semaphore_mem>>) src(%dma_wait3A_551 : memref<8x128xf32, #tpu.memory_space<vmem>>) dst(%dma_wait3A_547 : memref<8x128xf32, #tpu.memory_space<hbm>>)
    %dma_wait3A_552 = arith.constant 9 : i32
    %dma_wait3A_553 = arith.constant 0 : i32
    %dma_wait3A_554 = arith.constant 0 : i32
    %dma_wait3A_555 = tpu.memref_slice %arg9[%dma_wait3A_552, %dma_wait3A_553, %dma_wait3A_554] : memref<16x8x128xf32, #tpu.memory_space<vmem>> -> memref<1x8x128xf32, #tpu.memory_space<vmem>>
    %dma_wait3A_556 = tpu.memref_squeeze %dma_wait3A_555 : memref<1x8x128xf32, #tpu.memory_space<vmem>> -> memref<8x128xf32, #tpu.memory_space<vmem>>
    %dma_wait3A_557 = arith.constant 0 : i32
    %dma_wait3A_558 = arith.constant 0 : i32
    %dma_wait3A_559 = tpu.memref_slice %arg5[%select_n3A_30, %add3A_255, %dma_wait3A_557, %dma_wait3A_558] : memref<4x128x8x128xf32, #tpu.memory_space<hbm>> -> memref<1x1x8x128xf32, #tpu.memory_space<hbm>>
    %dma_wait3A_560 = tpu.memref_squeeze %dma_wait3A_559 : memref<1x1x8x128xf32, #tpu.memory_space<hbm>> -> memref<8x128xf32, #tpu.memory_space<hbm>>
    %dma_wait3A_561 = arith.constant 0 : i32
    %dma_wait3A_562 = arith.constant 0 : i32
    %dma_wait3A_563 = tpu.memref_slice %arg5[%select_n3A_30, %add3A_255, %dma_wait3A_561, %dma_wait3A_562] : memref<4x128x8x128xf32, #tpu.memory_space<hbm>> -> memref<1x1x8x128xf32, #tpu.memory_space<hbm>>
    %dma_wait3A_564 = tpu.memref_squeeze %dma_wait3A_563 : memref<1x1x8x128xf32, #tpu.memory_space<hbm>> -> memref<8x128xf32, #tpu.memory_space<hbm>>
    %dma_wait3A_565 = arith.constant 0 : i32
    %dma_wait3A_566 = arith.constant 0 : i32
    %dma_wait3A_567 = tpu.memref_slice %arg9[%dma_wait3A_552, %dma_wait3A_565, %dma_wait3A_566] : memref<16x8x128xf32, #tpu.memory_space<vmem>> -> memref<1x8x128xf32, #tpu.memory_space<vmem>>
    %dma_wait3A_568 = tpu.memref_squeeze %dma_wait3A_567 : memref<1x8x128xf32, #tpu.memory_space<vmem>> -> memref<8x128xf32, #tpu.memory_space<vmem>>
    tpu.wait_dma2 semaphore(%arg11 : memref<!tpu.dma_semaphore, #tpu.memory_space<semaphore_mem>>) src(%dma_wait3A_568 : memref<8x128xf32, #tpu.memory_space<vmem>>) dst(%dma_wait3A_564 : memref<8x128xf32, #tpu.memory_space<hbm>>)
    %dma_wait3A_569 = arith.constant 10 : i32
    %dma_wait3A_570 = arith.constant 0 : i32
    %dma_wait3A_571 = arith.constant 0 : i32
    %dma_wait3A_572 = tpu.memref_slice %arg9[%dma_wait3A_569, %dma_wait3A_570, %dma_wait3A_571] : memref<16x8x128xf32, #tpu.memory_space<vmem>> -> memref<1x8x128xf32, #tpu.memory_space<vmem>>
    %dma_wait3A_573 = tpu.memref_squeeze %dma_wait3A_572 : memref<1x8x128xf32, #tpu.memory_space<vmem>> -> memref<8x128xf32, #tpu.memory_space<vmem>>
    %dma_wait3A_574 = arith.constant 0 : i32
    %dma_wait3A_575 = arith.constant 0 : i32
    %dma_wait3A_576 = tpu.memref_slice %arg5[%select_n3A_30, %add3A_276, %dma_wait3A_574, %dma_wait3A_575] : memref<4x128x8x128xf32, #tpu.memory_space<hbm>> -> memref<1x1x8x128xf32, #tpu.memory_space<hbm>>
    %dma_wait3A_577 = tpu.memref_squeeze %dma_wait3A_576 : memref<1x1x8x128xf32, #tpu.memory_space<hbm>> -> memref<8x128xf32, #tpu.memory_space<hbm>>
    %dma_wait3A_578 = arith.constant 0 : i32
    %dma_wait3A_579 = arith.constant 0 : i32
    %dma_wait3A_580 = tpu.memref_slice %arg5[%select_n3A_30, %add3A_276, %dma_wait3A_578, %dma_wait3A_579] : memref<4x128x8x128xf32, #tpu.memory_space<hbm>> -> memref<1x1x8x128xf32, #tpu.memory_space<hbm>>
    %dma_wait3A_581 = tpu.memref_squeeze %dma_wait3A_580 : memref<1x1x8x128xf32, #tpu.memory_space<hbm>> -> memref<8x128xf32, #tpu.memory_space<hbm>>
    %dma_wait3A_582 = arith.constant 0 : i32
    %dma_wait3A_583 = arith.constant 0 : i32
    %dma_wait3A_584 = tpu.memref_slice %arg9[%dma_wait3A_569, %dma_wait3A_582, %dma_wait3A_583] : memref<16x8x128xf32, #tpu.memory_space<vmem>> -> memref<1x8x128xf32, #tpu.memory_space<vmem>>
    %dma_wait3A_585 = tpu.memref_squeeze %dma_wait3A_584 : memref<1x8x128xf32, #tpu.memory_space<vmem>> -> memref<8x128xf32, #tpu.memory_space<vmem>>
    tpu.wait_dma2 semaphore(%arg11 : memref<!tpu.dma_semaphore, #tpu.memory_space<semaphore_mem>>) src(%dma_wait3A_585 : memref<8x128xf32, #tpu.memory_space<vmem>>) dst(%dma_wait3A_581 : memref<8x128xf32, #tpu.memory_space<hbm>>)
    %dma_wait3A_586 = arith.constant 11 : i32
    %dma_wait3A_587 = arith.constant 0 : i32
    %dma_wait3A_588 = arith.constant 0 : i32
    %dma_wait3A_589 = tpu.memref_slice %arg9[%dma_wait3A_586, %dma_wait3A_587, %dma_wait3A_588] : memref<16x8x128xf32, #tpu.memory_space<vmem>> -> memref<1x8x128xf32, #tpu.memory_space<vmem>>
    %dma_wait3A_590 = tpu.memref_squeeze %dma_wait3A_589 : memref<1x8x128xf32, #tpu.memory_space<vmem>> -> memref<8x128xf32, #tpu.memory_space<vmem>>
    %dma_wait3A_591 = arith.constant 0 : i32
    %dma_wait3A_592 = arith.constant 0 : i32
    %dma_wait3A_593 = tpu.memref_slice %arg5[%select_n3A_30, %add3A_297, %dma_wait3A_591, %dma_wait3A_592] : memref<4x128x8x128xf32, #tpu.memory_space<hbm>> -> memref<1x1x8x128xf32, #tpu.memory_space<hbm>>
    %dma_wait3A_594 = tpu.memref_squeeze %dma_wait3A_593 : memref<1x1x8x128xf32, #tpu.memory_space<hbm>> -> memref<8x128xf32, #tpu.memory_space<hbm>>
    %dma_wait3A_595 = arith.constant 0 : i32
    %dma_wait3A_596 = arith.constant 0 : i32
    %dma_wait3A_597 = tpu.memref_slice %arg5[%select_n3A_30, %add3A_297, %dma_wait3A_595, %dma_wait3A_596] : memref<4x128x8x128xf32, #tpu.memory_space<hbm>> -> memref<1x1x8x128xf32, #tpu.memory_space<hbm>>
    %dma_wait3A_598 = tpu.memref_squeeze %dma_wait3A_597 : memref<1x1x8x128xf32, #tpu.memory_space<hbm>> -> memref<8x128xf32, #tpu.memory_space<hbm>>
    %dma_wait3A_599 = arith.constant 0 : i32
    %dma_wait3A_600 = arith.constant 0 : i32
    %dma_wait3A_601 = tpu.memref_slice %arg9[%dma_wait3A_586, %dma_wait3A_599, %dma_wait3A_600] : memref<16x8x128xf32, #tpu.memory_space<vmem>> -> memref<1x8x128xf32, #tpu.memory_space<vmem>>
    %dma_wait3A_602 = tpu.memref_squeeze %dma_wait3A_601 : memref<1x8x128xf32, #tpu.memory_space<vmem>> -> memref<8x128xf32, #tpu.memory_space<vmem>>
    tpu.wait_dma2 semaphore(%arg11 : memref<!tpu.dma_semaphore, #tpu.memory_space<semaphore_mem>>) src(%dma_wait3A_602 : memref<8x128xf32, #tpu.memory_space<vmem>>) dst(%dma_wait3A_598 : memref<8x128xf32, #tpu.memory_space<hbm>>)
    %dma_wait3A_603 = arith.constant 12 : i32
    %dma_wait3A_604 = arith.constant 0 : i32
    %dma_wait3A_605 = arith.constant 0 : i32
    %dma_wait3A_606 = tpu.memref_slice %arg9[%dma_wait3A_603, %dma_wait3A_604, %dma_wait3A_605] : memref<16x8x128xf32, #tpu.memory_space<vmem>> -> memref<1x8x128xf32, #tpu.memory_space<vmem>>
    %dma_wait3A_607 = tpu.memref_squeeze %dma_wait3A_606 : memref<1x8x128xf32, #tpu.memory_space<vmem>> -> memref<8x128xf32, #tpu.memory_space<vmem>>
    %dma_wait3A_608 = arith.constant 0 : i32
    %dma_wait3A_609 = arith.constant 0 : i32
    %dma_wait3A_610 = tpu.memref_slice %arg5[%select_n3A_30, %add3A_318, %dma_wait3A_608, %dma_wait3A_609] : memref<4x128x8x128xf32, #tpu.memory_space<hbm>> -> memref<1x1x8x128xf32, #tpu.memory_space<hbm>>
    %dma_wait3A_611 = tpu.memref_squeeze %dma_wait3A_610 : memref<1x1x8x128xf32, #tpu.memory_space<hbm>> -> memref<8x128xf32, #tpu.memory_space<hbm>>
    %dma_wait3A_612 = arith.constant 0 : i32
    %dma_wait3A_613 = arith.constant 0 : i32
    %dma_wait3A_614 = tpu.memref_slice %arg5[%select_n3A_30, %add3A_318, %dma_wait3A_612, %dma_wait3A_613] : memref<4x128x8x128xf32, #tpu.memory_space<hbm>> -> memref<1x1x8x128xf32, #tpu.memory_space<hbm>>
    %dma_wait3A_615 = tpu.memref_squeeze %dma_wait3A_614 : memref<1x1x8x128xf32, #tpu.memory_space<hbm>> -> memref<8x128xf32, #tpu.memory_space<hbm>>
    %dma_wait3A_616 = arith.constant 0 : i32
    %dma_wait3A_617 = arith.constant 0 : i32
    %dma_wait3A_618 = tpu.memref_slice %arg9[%dma_wait3A_603, %dma_wait3A_616, %dma_wait3A_617] : memref<16x8x128xf32, #tpu.memory_space<vmem>> -> memref<1x8x128xf32, #tpu.memory_space<vmem>>
    %dma_wait3A_619 = tpu.memref_squeeze %dma_wait3A_618 : memref<1x8x128xf32, #tpu.memory_space<vmem>> -> memref<8x128xf32, #tpu.memory_space<vmem>>
    tpu.wait_dma2 semaphore(%arg11 : memref<!tpu.dma_semaphore, #tpu.memory_space<semaphore_mem>>) src(%dma_wait3A_619 : memref<8x128xf32, #tpu.memory_space<vmem>>) dst(%dma_wait3A_615 : memref<8x128xf32, #tpu.memory_space<hbm>>)
    %dma_wait3A_620 = arith.constant 13 : i32
    %dma_wait3A_621 = arith.constant 0 : i32
    %dma_wait3A_622 = arith.constant 0 : i32
    %dma_wait3A_623 = tpu.memref_slice %arg9[%dma_wait3A_620, %dma_wait3A_621, %dma_wait3A_622] : memref<16x8x128xf32, #tpu.memory_space<vmem>> -> memref<1x8x128xf32, #tpu.memory_space<vmem>>
    %dma_wait3A_624 = tpu.memref_squeeze %dma_wait3A_623 : memref<1x8x128xf32, #tpu.memory_space<vmem>> -> memref<8x128xf32, #tpu.memory_space<vmem>>
    %dma_wait3A_625 = arith.constant 0 : i32
    %dma_wait3A_626 = arith.constant 0 : i32
    %dma_wait3A_627 = tpu.memref_slice %arg5[%select_n3A_30, %add3A_339, %dma_wait3A_625, %dma_wait3A_626] : memref<4x128x8x128xf32, #tpu.memory_space<hbm>> -> memref<1x1x8x128xf32, #tpu.memory_space<hbm>>
    %dma_wait3A_628 = tpu.memref_squeeze %dma_wait3A_627 : memref<1x1x8x128xf32, #tpu.memory_space<hbm>> -> memref<8x128xf32, #tpu.memory_space<hbm>>
    %dma_wait3A_629 = arith.constant 0 : i32
    %dma_wait3A_630 = arith.constant 0 : i32
    %dma_wait3A_631 = tpu.memref_slice %arg5[%select_n3A_30, %add3A_339, %dma_wait3A_629, %dma_wait3A_630] : memref<4x128x8x128xf32, #tpu.memory_space<hbm>> -> memref<1x1x8x128xf32, #tpu.memory_space<hbm>>
    %dma_wait3A_632 = tpu.memref_squeeze %dma_wait3A_631 : memref<1x1x8x128xf32, #tpu.memory_space<hbm>> -> memref<8x128xf32, #tpu.memory_space<hbm>>
    %dma_wait3A_633 = arith.constant 0 : i32
    %dma_wait3A_634 = arith.constant 0 : i32
    %dma_wait3A_635 = tpu.memref_slice %arg9[%dma_wait3A_620, %dma_wait3A_633, %dma_wait3A_634] : memref<16x8x128xf32, #tpu.memory_space<vmem>> -> memref<1x8x128xf32, #tpu.memory_space<vmem>>
    %dma_wait3A_636 = tpu.memref_squeeze %dma_wait3A_635 : memref<1x8x128xf32, #tpu.memory_space<vmem>> -> memref<8x128xf32, #tpu.memory_space<vmem>>
    tpu.wait_dma2 semaphore(%arg11 : memref<!tpu.dma_semaphore, #tpu.memory_space<semaphore_mem>>) src(%dma_wait3A_636 : memref<8x128xf32, #tpu.memory_space<vmem>>) dst(%dma_wait3A_632 : memref<8x128xf32, #tpu.memory_space<hbm>>)
    %dma_wait3A_637 = arith.constant 14 : i32
    %dma_wait3A_638 = arith.constant 0 : i32
    %dma_wait3A_639 = arith.constant 0 : i32
    %dma_wait3A_640 = tpu.memref_slice %arg9[%dma_wait3A_637, %dma_wait3A_638, %dma_wait3A_639] : memref<16x8x128xf32, #tpu.memory_space<vmem>> -> memref<1x8x128xf32, #tpu.memory_space<vmem>>
    %dma_wait3A_641 = tpu.memref_squeeze %dma_wait3A_640 : memref<1x8x128xf32, #tpu.memory_space<vmem>> -> memref<8x128xf32, #tpu.memory_space<vmem>>
    %dma_wait3A_642 = arith.constant 0 : i32
    %dma_wait3A_643 = arith.constant 0 : i32
    %dma_wait3A_644 = tpu.memref_slice %arg5[%select_n3A_30, %add3A_360, %dma_wait3A_642, %dma_wait3A_643] : memref<4x128x8x128xf32, #tpu.memory_space<hbm>> -> memref<1x1x8x128xf32, #tpu.memory_space<hbm>>
    %dma_wait3A_645 = tpu.memref_squeeze %dma_wait3A_644 : memref<1x1x8x128xf32, #tpu.memory_space<hbm>> -> memref<8x128xf32, #tpu.memory_space<hbm>>
    %dma_wait3A_646 = arith.constant 0 : i32
    %dma_wait3A_647 = arith.constant 0 : i32
    %dma_wait3A_648 = tpu.memref_slice %arg5[%select_n3A_30, %add3A_360, %dma_wait3A_646, %dma_wait3A_647] : memref<4x128x8x128xf32, #tpu.memory_space<hbm>> -> memref<1x1x8x128xf32, #tpu.memory_space<hbm>>
    %dma_wait3A_649 = tpu.memref_squeeze %dma_wait3A_648 : memref<1x1x8x128xf32, #tpu.memory_space<hbm>> -> memref<8x128xf32, #tpu.memory_space<hbm>>
    %dma_wait3A_650 = arith.constant 0 : i32
    %dma_wait3A_651 = arith.constant 0 : i32
    %dma_wait3A_652 = tpu.memref_slice %arg9[%dma_wait3A_637, %dma_wait3A_650, %dma_wait3A_651] : memref<16x8x128xf32, #tpu.memory_space<vmem>> -> memref<1x8x128xf32, #tpu.memory_space<vmem>>
    %dma_wait3A_653 = tpu.memref_squeeze %dma_wait3A_652 : memref<1x8x128xf32, #tpu.memory_space<vmem>> -> memref<8x128xf32, #tpu.memory_space<vmem>>
    tpu.wait_dma2 semaphore(%arg11 : memref<!tpu.dma_semaphore, #tpu.memory_space<semaphore_mem>>) src(%dma_wait3A_653 : memref<8x128xf32, #tpu.memory_space<vmem>>) dst(%dma_wait3A_649 : memref<8x128xf32, #tpu.memory_space<hbm>>)
    %dma_wait3A_654 = arith.constant 15 : i32
    %dma_wait3A_655 = arith.constant 0 : i32
    %dma_wait3A_656 = arith.constant 0 : i32
    %dma_wait3A_657 = tpu.memref_slice %arg9[%dma_wait3A_654, %dma_wait3A_655, %dma_wait3A_656] : memref<16x8x128xf32, #tpu.memory_space<vmem>> -> memref<1x8x128xf32, #tpu.memory_space<vmem>>
    %dma_wait3A_658 = tpu.memref_squeeze %dma_wait3A_657 : memref<1x8x128xf32, #tpu.memory_space<vmem>> -> memref<8x128xf32, #tpu.memory_space<vmem>>
    %dma_wait3A_659 = arith.constant 0 : i32
    %dma_wait3A_660 = arith.constant 0 : i32
    %dma_wait3A_661 = tpu.memref_slice %arg5[%select_n3A_30, %add3A_381, %dma_wait3A_659, %dma_wait3A_660] : memref<4x128x8x128xf32, #tpu.memory_space<hbm>> -> memref<1x1x8x128xf32, #tpu.memory_space<hbm>>
    %dma_wait3A_662 = tpu.memref_squeeze %dma_wait3A_661 : memref<1x1x8x128xf32, #tpu.memory_space<hbm>> -> memref<8x128xf32, #tpu.memory_space<hbm>>
    %dma_wait3A_663 = arith.constant 0 : i32
    %dma_wait3A_664 = arith.constant 0 : i32
    %dma_wait3A_665 = tpu.memref_slice %arg5[%select_n3A_30, %add3A_381, %dma_wait3A_663, %dma_wait3A_664] : memref<4x128x8x128xf32, #tpu.memory_space<hbm>> -> memref<1x1x8x128xf32, #tpu.memory_space<hbm>>
    %dma_wait3A_666 = tpu.memref_squeeze %dma_wait3A_665 : memref<1x1x8x128xf32, #tpu.memory_space<hbm>> -> memref<8x128xf32, #tpu.memory_space<hbm>>
    %dma_wait3A_667 = arith.constant 0 : i32
    %dma_wait3A_668 = arith.constant 0 : i32
    %dma_wait3A_669 = tpu.memref_slice %arg9[%dma_wait3A_654, %dma_wait3A_667, %dma_wait3A_668] : memref<16x8x128xf32, #tpu.memory_space<vmem>> -> memref<1x8x128xf32, #tpu.memory_space<vmem>>
    %dma_wait3A_670 = tpu.memref_squeeze %dma_wait3A_669 : memref<1x8x128xf32, #tpu.memory_space<vmem>> -> memref<8x128xf32, #tpu.memory_space<vmem>>
    tpu.wait_dma2 semaphore(%arg11 : memref<!tpu.dma_semaphore, #tpu.memory_space<semaphore_mem>>) src(%dma_wait3A_670 : memref<8x128xf32, #tpu.memory_space<vmem>>) dst(%dma_wait3A_666 : memref<8x128xf32, #tpu.memory_space<hbm>>)
    return
  }
}

</mosaic_0001>

<sc_bundles>
// kernel: kernel.3.cloned.1.call-start
scs
__scs_entry_jumppad:
0x0: {  	(pc) =	sbr.rel $0x88, $3  }
0x1: {  	(tag) =	ssettag $0x0;
	lr =	simm.s32 $0x1  }
0x2: {  	[smem:$0x3F9E] =	sst lr;
	_ =	strace $0xD0000000  }
0x3: {  	_ = 	snop  }
0x4: {  	_ = 	snop  }
0x5: {  	_ = 	snop  }
0x6: {  	_ = 	snop  }
0x7: {  	_ = 	snop  }
__scs_overlays_trampoline_lowered:
0x8: {  	[smem:$0x3FAD] =	sst s0  }
0x9: {  	[smem:$0x3FAE] =	sst s1  }
0xa: {  	[smem:$0x3FAF] =	sst s2  }
0xb: {  	[smem:$0x3FB0] =	sst s3  }
0xc: {  	[smem:$0x3FB1] =	sst s4  }
0xd: {  	[smem:$0x3FB2] =	sst s5  }
0xe: {  	[smem:$0x3FB3] =	sst s6  }
0xf: {  	[smem:$0x3FB4] =	sst s7  }
0x10: {  	[smem:$0x3FB5] =	sst s8  }
0x11: {  	[smem:$0x3FB6] =	sst s9;
	s0 =	simm.s32 @!p0 $0x0  }
0x12: {  	s1 =	sld [smem:$0x3F9C];
	s0 =	simm.s32 @p0 $0x1  }
0x13: {  	[smem:$0x3FB7] =	sst s0;
	s0 =	simm.s32 @!p1 $0x0  }
0x14: {  	s2 =	sld [smem:$0x3F9B];
	s0 =	simm.s32 @p1 $0x1  }
0x15: {  	[smem:$0x3FB8] =	sst s0;
	s0 =	simm.s32 @!p2 $0x0  }
0x16: {  	s3 =	sld [smem:$0x3FDB];
	s0 =	simm.s32 @p2 $0x1  }
0x17: {  	s4 =	simm.s32 $0x1BF5;
	[smem:$0x3FBA] =	sst s0  }
0x18: {  	s0 =	sld [smem:$0x3F9D];
	_ =	swait.ge [sflag:s4], $0x0  }
0x19: {  	s7 =	sld [smem:$0x3F9E]  }
0x1a: {  	s8 =	sadd.s32 $0xFFFFE003, lr  }
0x1b: {  	s9 =	sadd.s32 $0xFFFFFEF7, lr;
	s5 =	simm.s32 $0xFFFFFFFF;
	p2 =	slt.u32 s8, $0xFFFFF086  }
0x1c: {  	p1 =	slt.u32 s9, $0xF7A;
	s5 =	simm.s32 @!p2 $0x0  }
0x1d: {  	s5 =	simm.s32 @p1 $0x1;
	p0 =	seq.s32 s7, s2  }
0x1e: {  	s7 =	smul.u32 @!p0 $0xF7A, s2;
	p2 =	seq.s32 @!p0 s5, $0x0  }
0x1f: {  	s9 =	smul.u32 $0xF7A, s1;
	s8 =	simm.s32 @!p0 $0x1BF5;
	p2 =	por !p2, p0  }
0x20: {  	[sflag:s8] =	ssyncset.s32 @!p0 $0xFFFFF086;
	s6 =	sadd.s32 @!p0 s3, s7;
	s7 =	simm.s32 @!p0 $0x108  }
0x21: {  	s3 =	sadd.s32 s3, s9;
	s6 =	sadd.s32 @!p0 $0x88, s6;
	s7 =	simm.s32 @p2 $0x1082  }
0x22: {  	[simem:s7], [sflag:s8] =	dma.local @!p0 [hbm:s6], $0xF7A  }
0x23: {  	s9 =	sor.u32 $0xD0000000, s2;
	s6 =	simm.s32 $0x108;
	_ =	swait.ge @!p0 [sflag:s8], $0x0  }
0x24: {  	s3 =	sadd.s32 $0x88, s3;
	s6 =	simm.s32 @!p1 $0x1082;
	[sflag:s4] =	ssyncset.s32 $0xFFFFF086  }
0x25: {  	[simem:s6], [sflag:s4] =	dma.local [hbm:s3], $0xF7A  }
0x26: {  	[smem:$0x3F9E] =	sst s1;
	(tag) =	ssettag s2;
	_ =	strace s9  }
0x27: {  	s1 =	sld [smem:$0x3FAE]  }
0x28: {  	s2 =	sld [smem:$0x3FAF]  }
0x29: {  	s4 =	sld [smem:$0x3FB1]  }
0x2a: {  	p0 =	seq.s32 s5, $0x0;
	s5 =	sld [smem:$0x3FB2]  }
0x2b: {  	s6 =	sld [smem:$0x3FB3]  }
0x2c: {  	s7 =	sld [smem:$0x3FB4]  }
0x2d: {  	s3 =	simm.s32 $0x108;
	s8 =	sld [smem:$0x3FB5]  }
0x2e: {  	s3 =	simm.s32 @!p0 $0x1082;
	s9 =	sld [smem:$0x3FB6]  }
0x2f: {  	lr =	sadd.s32 s0, s3;
	s0 =	sld [smem:$0x3FAD]  }
0x30: {  	s3 =	sld [smem:$0x3FB0]  }
0x31: {  	[smem:$0x3FB9] =	sst s10  }
0x32: {  	s10 =	sld [smem:$0x3FB7];
	_ =	sdelay $0x3  }
0x33: {  	p0 =	seq.s32 s10, $0x1;
	s10 =	sld [smem:$0x3FB9];
	_ =	sdelay $0x3  }
0x34: {  	[smem:$0x3FB9] =	sst s10  }
0x35: {  	s10 =	sld [smem:$0x3FB8];
	_ =	sdelay $0x3  }
0x36: {  	p1 =	seq.s32 s10, $0x1;
	s10 =	sld [smem:$0x3FB9];
	_ =	sdelay $0x3  }
0x37: {  	[smem:$0x3FB9] =	sst s10  }
0x38: {  	s10 =	sld [smem:$0x3FBA]  }
0x39: {  	_ = 	snop;
	(pc) =	sbr.ind lr, $3  }
0x3a: {  	_ = 	snop  }
0x3b: {  	_ = 	snop  }
0x3c: {  	p2 =	seq.s32 s10, $0x1;
	s10 =	sld [smem:$0x3FB9]  }
0x3d: {  	_ =	shalt  }
0x3e: {  	_ =	shalt  }
0x3f: {  	_ =	shalt  }
0x40: {  	_ =	shalt  }
0x41: {  	_ =	shalt  }
0x42: {  	_ =	shalt  }
0x43: {  	_ =	shalt  }
0x44: {  	_ =	shalt  }
0x45: {  	_ =	shalt  }
0x46: {  	_ =	shalt  }
0x47: {  	_ =	shalt  }
0x48: {  	_ =	shalt  }
0x49: {  	_ =	shalt  }
0x4a: {  	_ =	shalt  }
0x4b: {  	_ =	shalt  }
0x4c: {  	_ =	shalt  }
0x4d: {  	_ =	shalt  }
0x4e: {  	_ =	shalt  }
0x4f: {  	_ =	shalt  }
0x50: {  	_ =	shalt  }
0x51: {  	_ =	shalt  }
0x52: {  	_ =	shalt  }
0x53: {  	_ =	shalt  }
0x54: {  	_ =	shalt  }
0x55: {  	_ =	shalt  }
0x56: {  	_ =	shalt  }
0x57: {  	_ =	shalt  }
0x58: {  	_ =	shalt  }
0x59: {  	_ =	shalt  }
0x5a: {  	_ =	shalt  }
0x5b: {  	_ =	shalt  }
0x5c: {  	_ =	shalt  }
0x5d: {  	_ =	shalt  }
0x5e: {  	_ =	shalt  }
0x5f: {  	_ =	shalt  }
0x60: {  	_ =	shalt  }
0x61: {  	_ =	shalt  }
0x62: {  	_ =	shalt  }
0x63: {  	_ =	shalt  }
0x64: {  	_ =	shalt  }
0x65: {  	_ =	shalt  }
0x66: {  	_ =	shalt  }
0x67: {  	_ =	shalt  }
0x68: {  	_ =	shalt  }
0x69: {  	_ =	shalt  }
0x6a: {  	_ =	shalt  }
0x6b: {  	_ =	shalt  }
0x6c: {  	_ =	shalt  }
0x6d: {  	_ =	shalt  }
0x6e: {  	_ =	shalt  }
0x6f: {  	_ =	shalt  }
0x70: {  	_ =	shalt  }
0x71: {  	_ =	shalt  }
0x72: {  	_ =	shalt  }
0x73: {  	_ =	shalt  }
0x74: {  	_ =	shalt  }
0x75: {  	_ =	shalt  }
0x76: {  	_ =	shalt  }
0x77: {  	_ =	shalt  }
0x78: {  	_ =	shalt  }
0x79: {  	_ =	shalt  }
0x7a: {  	_ =	shalt  }
0x7b: {  	_ =	shalt  }
0x7c: {  	_ =	shalt  }
0x7d: {  	_ =	shalt  }
0x7e: {  	_ =	shalt  }
0x7f: {  	_ =	shalt  }
0x80: {  	_ =	shalt  }
0x81: {  	_ =	shalt  }
0x82: {  	_ =	shalt  }
0x83: {  	_ =	shalt  }
0x84: {  	_ =	shalt  }
0x85: {  	_ =	shalt  }
0x86: {  	_ =	shalt  }
0x87: {  	_ =	shalt  }
.Lfunc_end0:
.L_simem_size_0:
called_computation_lowered:
.L_overlay_start_0:
0x88: {  	s2 =	sld [smem:$0x3FD9]  }
0x89: {  	s3 =	sld [smem:$0x3FFE];
	_ =	sdelay $0x1  }
0x8a: {  	s1 =	srdreg.scid  }
0x8b: {  	s0 =	sand.u32 $0x1, s1  }
0x8c: {  	s17 =	sshll.u32 s0, $0xA;
	s2 =	sadd.s32 s3, s2  }
0x8d: {  	s2 =	sadd.s32 s2, s17  }
0x8e: {  	[smem:$0x3FC5] =	sst s2  }
0x8f: {  	_ = 	snop  }
0x90: {  	s2 =	sld [smem:$0x3FC9]  }
0x91: {  	s18 =	sld [smem:$0x3FD0];
	(tm) =	ssettm $0x1  }
0x92: {  	s4 =	sld [smem:$0x3FFB];
	_ =	sdelay $0x3  }
0x93: {  	_ =	strace s4  }
0x94: {  	s4 =	sld [smem:$0x3FFC];
	_ =	sdelay $0x3  }
0x95: {  	_ =	strace s4  }
0x96: {  	s4 =	sld [smem:$0x3FFD];
	_ =	sdelay $0x3  }
0x97: {  	_ =	strace s4  }
0x98: {  	_ =	strace $0x8FFFFFFF  }
0x99: {  	s19 =	sld [smem:$0x3FDB];
	_ =	sdelay $0x1  }
0x9a: {  	s5 =	simm.s32 $_scs_section_size  }
0x9b: {  	s6 =	simm.s32 $_size__tile_overlayer_lowered;
	s7 =	simm.s32 $_tile_overlayer_lowered  }
0x9c: {  	s22 =	simm.s32 $0x1BFF;
	s21 =	sshll.u32 s7, $0x1;
	s4 =	sadd.s32 s5, s19  }
0x9d: {  	s8 =	simm.s32 $0x0;
	s20 =	sshll.u32 s6, $0x1;
	s6 =	sadd.s32 s21, s4  }
0x9e: {  	[timem:s8], [sflag:s22] =	dma.local [hbm:s6], s20  }
0x9f: {  	_ =	swait.ge [sflag:s22], s20  }
0xa0: {  	s5 =	ssub.s32 $0x0, s20;
	[sflag:s22] =	ssyncset.done $0x0  }
0xa1: {  	[sflag:s22] =	ssyncadd.s32 s5;
	_ =	sdelay $0x1  }
0xa2: {  	s23 =	simm.s32 $0x1B8B  }
0xa3: {  	_ =	swait.ge [sflag:s23], $0x1  }
0xa4: {  	[sflag:s23] =	ssyncset.done $0x0  }
0xa5: {  	s25 =	simm.s32 $0x1B8E;
	s24 =	sld [smem:$0x3FFE];
	[sflag:s23] =	ssyncadd.s32 $0xFFFFFFFF  }
0xa6: {  	s26 =	simm.s32 $execute0_lowered;
	[smem:$0x3FD2] =	sst s25  }
0xa7: {  	s6 =	sshll.u32 s26, $0x1;
	_ =	strace $0x80000046;
	[dreg:$0x1] =	wrdreg $0xFFFFFFFF  }
0xa8: {  	s28 =	simm.s32 $_size_execute0_lowered;
	s4 =	sadd.s32 s4, s6;
	[dreg:$0x0] =	wrdreg $0x0  }
0xa9: {  	s6 =	sshll.u32 s28, $0x1;
	[dreg:$0x2] =	wrdreg s4  }
0xaa: {  	[dreg:$0x3] =	wrdreg s6  }
0xab: {  	[dreg:$0x4] =	wrdreg $0xC0  }
0xac: {  	_ =	task [dreg:s8], $0x5FFFF  }
0xad: {  	[dreg:$0x1] =	wrdreg $0xFFFFFFFF  }
0xae: {  	[dreg:$0x0] =	wrdreg $0x60  }
0xaf: {  	[dreg:$0x2] =	wrdreg s2  }
0xb0: {  	[dreg:$0x3] =	wrdreg s24  }
0xb1: {  	[dreg:$0x4] =	wrdreg s18  }
0xb2: {  	[dreg:$0x5] =	wrdreg $0x9  }
0xb3: {  	_ =	task.clear_ibuf [dreg:s8], $0x6FFFF;
	_ =	strace $0x90000046  }
0xb4: {  	s29 =	simm.s32 $0x9;
	_ =	strace $0x80000048  }
0xb5: {  	_ =	swait.ge [sflag:s29], $0x1  }
0xb6: {  	[sflag:s29] =	ssyncadd.s32 $0xFFFFFFFF  }
0xb7: {  	_ =	strace $0x90000048  }
0xb8: {  	_ =	sfence  }
0xb9: {  	s30 =	sld [smem:$0x0];
	_ =	sdelay $0x2  }
0xba: {  	s31 =	sshll.u32 s1, $0xD;
	s1 =	sshrl.u32 s1, $0x2  }
0xbb: {  	s3 =	sand.u32 $0x4000, s31;
	s1 =	sadd.s32 s1, s30  }
0xbc: {  	s0 =	sor.u32 s3, s0;
	s1 =	sshll.u32 s1, $0x11  }
0xbd: {  	s0 =	sor.u32 s1, s0  }
0xbe: {  	s0 =	sadd.s32 $0x8F2B, s0  }
0xbf: {  	[sflag:s0] =	ssyncadd.remote.s32 $0x1  }
0xc0: {  	_ =	sfence.sel $0xFFFF  }
0xc1: {  	[dreg:$0x0] =	wrdreg $0xFFFFFFFF;
	(pc) =	sbr.abs _section_cstart, $3  }
0xc2: {  	[dreg:$0x1] =	wrdreg $0xFFFFFFFF  }
0xc3: {  	_ =	task.clear_ibuf [dreg:s8], $0x2FFFF;
	_ =	strace $0x9FFFFFFF  }
0xc4: {  	(tm) =	ssettm $0x7FFFFFFF  }
0xc5: {  	_ =	shalt  }
tec
execute0_lowered:
.L_overlay_start_1:
0x0: {  	(tag) =	ssettag $0x1  }
0x1: {  	s0 =	rddreg [dreg:$0x0]  }
0x2: {  	s1 =	rddreg [dreg:$0x1]  }
0x3: {  	s4 =	rddreg [dreg:$0x2];
	s2 =	simm.s32 $0x0;
	s6 =	stileid.u32  }
0x4: {  	s5 =	srdreg.scid;
	s23 =	simm.s32 $0x1000;
	s24 =	simm.s32 $0x3000  }
0x5: {  	s25 =	simm.s32 $0x1;
	s29 =	simm.s32 $0x2;
	s30 =	simm.s32 $0x0  }
0x6: {  	[smem:$0x7FF] =	sst s2;
	s3 =	sshrl.u32 s6, $0x2;
	s6 =	sshll.u32 s6, $0x1  }
0x7: {  	s5 =	sand.u32 $0x1, s5;
	s7 =	sshll.u32 s3, $0xA;
	s6 =	sand.u32 $0x6, s6  }
0x8: {  	_ =	strace $0x80000047;
	s3 =	sshll.u32 s3, $0xE;
	s6 =	sor.u32 s5, s6  }
0x9: {  	s1 =	sadd.s32 s7, s1;
	s5 =	ssub.s32 $0x2, s5;
	s31 =	sshll.u32 s6, $0xB  }
0xa: {  	s8 =	sshrl.u32 s5, $0x1;
	s6 =	sshll.u32 s6, $0x9;
	s7 =	sor.u32 s3, s31  }
0xb: {  	s22 =	ssub.s32 s5, s8;
	s3 =	sadd.s32 s0, s6;
	s5 =	sadd.s32 $0x400, s1  }
0xc: {  	s6 =	sadd.s32 $0x1400, s1;
	s4 =	sadd.s32 s4, s7;
	s22 =	smax.u32 s22, $0x1  }
0xd: {  	s7 =	sadd.s32 $0x80, s4;
	s8 =	sadd.s32 $0x100, s4;
	s9 =	sadd.s32 $0x180, s4  }
0xe: {  	s10 =	sadd.s32 $0x200, s4;
	s11 =	sadd.s32 $0x280, s4;
	s12 =	sadd.s32 $0x300, s4  }
0xf: {  	s13 =	sadd.s32 $0x380, s4;
	s14 =	sadd.s32 $0x400, s4;
	s15 =	sadd.s32 $0x480, s4  }
0x10: {  	s16 =	sadd.s32 $0x500, s4;
	s17 =	sadd.s32 $0x580, s4;
	s18 =	sadd.s32 $0x600, s4  }
0x11: {  	s19 =	sadd.s32 $0x680, s4;
	s20 =	sadd.s32 $0x700, s4;
	s21 =	sadd.s32 $0x780, s4  }
.LBB2_1:
0x12: {  	[tilespmem:s2], [sflag:$0x1] =	stream.linear.gather [hbm4b:s3+s2], $0x1000, $0x38;
	[tilespmem:$0x9000] =	vst v63  }
0x13: {  	_ = 	snop  }
0x14: {  	[tilespmem:s23], [sflag:$0x1] =	stream.linear.gather [hbm4b:s5+s2], $0x2000, $0x38;
	[tilespmem:$0x9000] =	vst v63  }
0x15: {  	_ = 	snop  }
0x16: {  	[tilespmem:s24], [sflag:$0x1] =	stream.linear.gather [hbm4b:s6+s2], $0x2000, $0x38;
	[tilespmem:$0x9000] =	vst v63  }
0x17: {  	_ =	swait.ge [sflag:s25], $0x1000  }
0x18: {  	[sflag:s25] =	ssyncset.done $0x0  }
0x19: {  	[sflag:s25] =	ssyncadd.s32 $0xFFFFF000  }
0x1a: {  	_ =	swait.ge [sflag:s25], $0x2000  }
0x1b: {  	[sflag:s25] =	ssyncset.done $0x0  }
0x1c: {  	[sflag:s25] =	ssyncadd.s32 $0xFFFFE000  }
0x1d: {  	_ =	swait.ge [sflag:s25], $0x2000  }
0x1e: {  	[sflag:s25] =	ssyncset.done $0x0  }
0x1f: {  	s26 =	simm.s32 $0x0;
	[sflag:s25] =	ssyncadd.s32 $0xFFFFE000  }
0x20: {  	v0 =	vld [tilespmem:s26+$0x0]  }
0x21: {  	v1 =	vld [tilespmem:s26+$0x80];
	_ =	sdelay $0x3  }
0x22: {  	v0 =	vadd.s32 $0x1, v0  }
0x23: {  	v1 =	vadd.s32 $0x1, v1;
	v2 =	vshll.u32 v0, $0x3  }
0x24: {  	v0 =	vand.u32 $0x7F, v0;
	v3 =	vshll.u32 v1, $0x3;
	v2 =	vand.u32 $0xFFFFFC00, v2  }
0x25: {  	v1 =	vand.u32 $0x7F, v1;
	v3 =	vand.u32 $0xFFFFFC00, v3;
	v0 =	vor.u32 v0, v2  }
0x26: {  	v1 =	vor.u32 v1, v3  }
0x27: {  	v2 =	vor.u32 $0x80, v0  }
0x28: {  	v3 =	vor.u32 $0x100, v0  }
0x29: {  	v4 =	vor.u32 $0x180, v0  }
0x2a: {  	v6 =	vor.u32 $0x200, v0;
	v5 =	vld.idx.msk [tilespmem:v0+s23+$0x0], $0xffff  }
0x2b: {  	v8 =	vor.u32 $0x280, v0;
	v7 =	vld.idx.msk [tilespmem:v1+s24+$0x0], $0xffff  }
0x2c: {  	v9 =	vor.u32 $0x300, v0;
	v2 =	vld.idx.msk [tilespmem:v2+s23+$0x0], $0xffff  }
0x2d: {  	v10 =	vor.u32 $0x80, v1;
	v3 =	vld.idx.msk [tilespmem:v3+s23+$0x0], $0xffff  }
0x2e: {  	v11 =	vor.u32 $0x100, v1;
	v4 =	vld.idx.msk [tilespmem:v4+s23+$0x0], $0xffff  }
0x2f: {  	v12 =	vor.u32 $0x180, v1;
	v6 =	vld.idx.msk [tilespmem:v6+s23+$0x0], $0xffff  }
0x30: {  	v13 =	vor.u32 $0x200, v1;
	v8 =	vld.idx.msk [tilespmem:v8+s23+$0x0], $0xffff  }
0x31: {  	v14 =	vor.u32 $0x280, v1;
	v9 =	vld.idx.msk [tilespmem:v9+s23+$0x0], $0xffff  }
0x32: {  	v15 =	vor.u32 $0x300, v1;
	v10 =	vld.idx.msk [tilespmem:v10+s24+$0x0], $0xffff  }
0x33: {  	v0 =	vor.u32 $0x380, v0;
	v11 =	vld.idx.msk [tilespmem:v11+s24+$0x0], $0xffff  }
0x34: {  	v1 =	vor.u32 $0x380, v1;
	v12 =	vld.idx.msk [tilespmem:v12+s24+$0x0], $0xffff  }
0x35: {  	v13 =	vld.idx.msk [tilespmem:v13+s24+$0x0], $0xffff  }
0x36: {  	v14 =	vld.idx.msk [tilespmem:v14+s24+$0x0], $0xffff  }
0x37: {  	v15 =	vld.idx.msk [tilespmem:v15+s24+$0x0], $0xffff;
	v5 =	vadd.f32 v7, v5  }
0x38: {  	s31 =	simm.s32 $0x5200;
	v0 =	vld.idx.msk [tilespmem:v0+s23+$0x0], $0xffff;
	v2 =	vadd.f32 v10, v2  }
0x39: {  	v1 =	vld.idx.msk [tilespmem:v1+s24+$0x0], $0xffff;
	v3 =	vadd.f32 v11, v3;
	[tilespmem:s31+$0xFFFFFE00] =	vst v5  }
0x3a: {  	[tilespmem:s31+$0xFFFFFE80] =	vst v2;
	v2 =	vadd.f32 v12, v4  }
0x3b: {  	[tilespmem:s31+$0xFFFFFF00] =	vst v3;
	v3 =	vadd.f32 v13, v6  }
0x3c: {  	[tilespmem:s31+$0xFFFFFF80] =	vst v2;
	v2 =	vadd.f32 v14, v8  }
0x3d: {  	[tilespmem:s31+$0x0] =	vst v3;
	v3 =	vadd.f32 v15, v9  }
0x3e: {  	v0 =	vadd.f32 v1, v0;
	[tilespmem:s31+$0x80] =	vst v2  }
0x3f: {  	[tilespmem:s31+$0x100] =	vst v3  }
0x40: {  	[tilespmem:s31+$0x180] =	vst v0  }
0x41: {  	v0 =	vld [tilespmem:s26+$0x10]  }
0x42: {  	v1 =	vld [tilespmem:s26+$0x90];
	_ =	sdelay $0x3  }
0x43: {  	v0 =	vadd.s32 $0x1, v0  }
0x44: {  	v1 =	vadd.s32 $0x1, v1;
	v2 =	vshll.u32 v0, $0x3  }
0x45: {  	v3 =	vshll.u32 v1, $0x3;
	v0 =	vand.u32 $0x7F, v0;
	v2 =	vand.u32 $0xFFFFFC00, v2  }
0x46: {  	v1 =	vand.u32 $0x7F, v1;
	v3 =	vand.u32 $0xFFFFFC00, v3;
	v0 =	vor.u32 v0, v2  }
0x47: {  	v1 =	vor.u32 v1, v3  }
0x48: {  	v2 =	vor.u32 $0x80, v0  }
0x49: {  	v3 =	vor.u32 $0x100, v0  }
0x4a: {  	v4 =	vor.u32 $0x180, v0  }
0x4b: {  	v6 =	vor.u32 $0x200, v0;
	v5 =	vld.idx.msk [tilespmem:v0+s23+$0x0], $0xffff  }
0x4c: {  	v7 =	vor.u32 $0x280, v0;
	v8 =	vld.idx.msk [tilespmem:v1+s24+$0x0], $0xffff  }
0x4d: {  	v9 =	vor.u32 $0x300, v0;
	v2 =	vld.idx.msk [tilespmem:v2+s23+$0x0], $0xffff  }
0x4e: {  	v10 =	vor.u32 $0x80, v1;
	v3 =	vld.idx.msk [tilespmem:v3+s23+$0x0], $0xffff  }
0x4f: {  	v11 =	vor.u32 $0x100, v1;
	v4 =	vld.idx.msk [tilespmem:v4+s23+$0x0], $0xffff  }
0x50: {  	v12 =	vor.u32 $0x180, v1;
	v6 =	vld.idx.msk [tilespmem:v6+s23+$0x0], $0xffff  }
0x51: {  	v13 =	vor.u32 $0x200, v1;
	v7 =	vld.idx.msk [tilespmem:v7+s23+$0x0], $0xffff  }
0x52: {  	v14 =	vor.u32 $0x280, v1;
	v9 =	vld.idx.msk [tilespmem:v9+s23+$0x0], $0xffff  }
0x53: {  	v15 =	vor.u32 $0x300, v1;
	v10 =	vld.idx.msk [tilespmem:v10+s24+$0x0], $0xffff  }
0x54: {  	v0 =	vor.u32 $0x380, v0;
	v11 =	vld.idx.msk [tilespmem:v11+s24+$0x0], $0xffff  }
0x55: {  	v1 =	vor.u32 $0x380, v1;
	v12 =	vld.idx.msk [tilespmem:v12+s24+$0x0], $0xffff  }
0x56: {  	v13 =	vld.idx.msk [tilespmem:v13+s24+$0x0], $0xffff  }
0x57: {  	v14 =	vld.idx.msk [tilespmem:v14+s24+$0x0], $0xffff  }
0x58: {  	v15 =	vld.idx.msk [tilespmem:v15+s24+$0x0], $0xffff;
	v5 =	vadd.f32 v8, v5  }
0x59: {  	v0 =	vld.idx.msk [tilespmem:v0+s23+$0x0], $0xffff;
	v2 =	vadd.f32 v10, v2  }
0x5a: {  	v1 =	vld.idx.msk [tilespmem:v1+s24+$0x0], $0xffff;
	v3 =	vadd.f32 v11, v3;
	[tilespmem:s31+$0xFFFFFE10] =	vst v5  }
0x5b: {  	[tilespmem:s31+$0xFFFFFE90] =	vst v2;
	v2 =	vadd.f32 v12, v4  }
0x5c: {  	v4 =	vadd.f32 v13, v6;
	[tilespmem:s31+$0xFFFFFF10] =	vst v3  }
0x5d: {  	v3 =	vadd.f32 v14, v7;
	[tilespmem:s31+$0xFFFFFF90] =	vst v2  }
0x5e: {  	v2 =	vadd.f32 v15, v9;
	[tilespmem:s31+$0x10] =	vst v4  }
0x5f: {  	v0 =	vadd.f32 v1, v0;
	[tilespmem:s31+$0x90] =	vst v3  }
0x60: {  	[tilespmem:s31+$0x110] =	vst v2  }
0x61: {  	[tilespmem:s31+$0x190] =	vst v0  }
0x62: {  	v0 =	vld [tilespmem:s26+$0x20]  }
0x63: {  	v1 =	vld [tilespmem:s26+$0xA0];
	_ =	sdelay $0x3  }
0x64: {  	v0 =	vadd.s32 $0x1, v0  }
0x65: {  	v1 =	vadd.s32 $0x1, v1;
	v2 =	vshll.u32 v0, $0x3  }
0x66: {  	v0 =	vand.u32 $0x7F, v0;
	v3 =	vshll.u32 v1, $0x3;
	v2 =	vand.u32 $0xFFFFFC00, v2  }
0x67: {  	v1 =	vand.u32 $0x7F, v1;
	v3 =	vand.u32 $0xFFFFFC00, v3;
	v0 =	vor.u32 v0, v2  }
0x68: {  	v1 =	vor.u32 v1, v3  }
0x69: {  	v2 =	vor.u32 $0x80, v0  }
0x6a: {  	v3 =	vor.u32 $0x100, v0  }
0x6b: {  	v4 =	vor.u32 $0x180, v0  }
0x6c: {  	v6 =	vor.u32 $0x200, v0;
	v5 =	vld.idx.msk [tilespmem:v0+s23+$0x0], $0xffff  }
0x6d: {  	v8 =	vor.u32 $0x280, v0;
	v7 =	vld.idx.msk [tilespmem:v1+s24+$0x0], $0xffff  }
0x6e: {  	v9 =	vor.u32 $0x300, v0;
	v2 =	vld.idx.msk [tilespmem:v2+s23+$0x0], $0xffff  }
0x6f: {  	v10 =	vor.u32 $0x80, v1;
	v3 =	vld.idx.msk [tilespmem:v3+s23+$0x0], $0xffff  }
0x70: {  	v11 =	vor.u32 $0x100, v1;
	v4 =	vld.idx.msk [tilespmem:v4+s23+$0x0], $0xffff  }
0x71: {  	v12 =	vor.u32 $0x180, v1;
	v6 =	vld.idx.msk [tilespmem:v6+s23+$0x0], $0xffff  }
0x72: {  	v13 =	vor.u32 $0x200, v1;
	v8 =	vld.idx.msk [tilespmem:v8+s23+$0x0], $0xffff  }
0x73: {  	v14 =	vor.u32 $0x280, v1;
	v9 =	vld.idx.msk [tilespmem:v9+s23+$0x0], $0xffff  }
0x74: {  	v15 =	vor.u32 $0x300, v1;
	v10 =	vld.idx.msk [tilespmem:v10+s24+$0x0], $0xffff  }
0x75: {  	v0 =	vor.u32 $0x380, v0;
	v11 =	vld.idx.msk [tilespmem:v11+s24+$0x0], $0xffff  }
0x76: {  	v1 =	vor.u32 $0x380, v1;
	v12 =	vld.idx.msk [tilespmem:v12+s24+$0x0], $0xffff  }
0x77: {  	v13 =	vld.idx.msk [tilespmem:v13+s24+$0x0], $0xffff  }
0x78: {  	v14 =	vld.idx.msk [tilespmem:v14+s24+$0x0], $0xffff  }
0x79: {  	v15 =	vld.idx.msk [tilespmem:v15+s24+$0x0], $0xffff;
	v5 =	vadd.f32 v7, v5  }
0x7a: {  	v0 =	vld.idx.msk [tilespmem:v0+s23+$0x0], $0xffff;
	v2 =	vadd.f32 v10, v2  }
0x7b: {  	v1 =	vld.idx.msk [tilespmem:v1+s24+$0x0], $0xffff;
	v3 =	vadd.f32 v11, v3;
	[tilespmem:s31+$0xFFFFFE20] =	vst v5  }
0x7c: {  	[tilespmem:s31+$0xFFFFFEA0] =	vst v2;
	v2 =	vadd.f32 v12, v4  }
0x7d: {  	[tilespmem:s31+$0xFFFFFF20] =	vst v3;
	v3 =	vadd.f32 v13, v6  }
0x7e: {  	[tilespmem:s31+$0xFFFFFFA0] =	vst v2;
	v2 =	vadd.f32 v14, v8  }
0x7f: {  	[tilespmem:s31+$0x20] =	vst v3;
	v3 =	vadd.f32 v15, v9  }
0x80: {  	v0 =	vadd.f32 v1, v0;
	[tilespmem:s31+$0xA0] =	vst v2  }
0x81: {  	[tilespmem:s31+$0x120] =	vst v3  }
0x82: {  	[tilespmem:s31+$0x1A0] =	vst v0  }
0x83: {  	v0 =	vld [tilespmem:s26+$0x30]  }
0x84: {  	v1 =	vld [tilespmem:s26+$0xB0];
	_ =	sdelay $0x3  }
0x85: {  	v0 =	vadd.s32 $0x1, v0  }
0x86: {  	v1 =	vadd.s32 $0x1, v1;
	v2 =	vshll.u32 v0, $0x3  }
0x87: {  	v3 =	vshll.u32 v1, $0x3;
	v0 =	vand.u32 $0x7F, v0;
	v2 =	vand.u32 $0xFFFFFC00, v2  }
0x88: {  	v1 =	vand.u32 $0x7F, v1;
	v3 =	vand.u32 $0xFFFFFC00, v3;
	v0 =	vor.u32 v0, v2  }
0x89: {  	v1 =	vor.u32 v1, v3  }
0x8a: {  	s0 =	simm.s32 $0x100;
	v2 =	vor.u32 $0x80, v0  }
0x8b: {  	v5 =	vld [tilespmem:s0+$0x80];
	v4 =	vor.u32 $0x100, v0  }
0x8c: {  	v3 =	vld [tilespmem:s0+$0x0];
	v6 =	vor.u32 $0x180, v0  }
0x8d: {  	v8 =	vor.u32 $0x200, v0;
	v7 =	vld.idx.msk [tilespmem:v0+s23+$0x0], $0xffff  }
0x8e: {  	v9 =	vor.u32 $0x280, v0;
	v10 =	vld.idx.msk [tilespmem:v1+s24+$0x0], $0xffff  }
0x8f: {  	v11 =	vor.u32 $0x300, v0;
	v2 =	vld.idx.msk [tilespmem:v2+s23+$0x0], $0xffff  }
0x90: {  	v12 =	vor.u32 $0x80, v1;
	v4 =	vld.idx.msk [tilespmem:v4+s23+$0x0], $0xffff  }
0x91: {  	v13 =	vor.u32 $0x100, v1;
	v6 =	vld.idx.msk [tilespmem:v6+s23+$0x0], $0xffff  }
0x92: {  	v14 =	vor.u32 $0x180, v1;
	v8 =	vld.idx.msk [tilespmem:v8+s23+$0x0], $0xffff  }
0x93: {  	v15 =	vor.u32 $0x200, v1;
	v9 =	vld.idx.msk [tilespmem:v9+s23+$0x0], $0xffff  }
0x94: {  	v16 =	vor.u32 $0x280, v1;
	v11 =	vld.idx.msk [tilespmem:v11+s23+$0x0], $0xffff  }
0x95: {  	v17 =	vor.u32 $0x300, v1;
	v12 =	vld.idx.msk [tilespmem:v12+s24+$0x0], $0xffff  }
0x96: {  	v0 =	vor.u32 $0x380, v0;
	v13 =	vld.idx.msk [tilespmem:v13+s24+$0x0], $0xffff  }
0x97: {  	v5 =	vadd.s32 $0x1, v5;
	v1 =	vor.u32 $0x380, v1;
	v3 =	vadd.s32 $0x1, v3;
	v14 =	vld.idx.msk [tilespmem:v14+s24+$0x0], $0xffff  }
0x98: {  	v19 =	vshll.u32 v5, $0x3;
	v18 =	vshll.u32 v3, $0x3;
	v15 =	vld.idx.msk [tilespmem:v15+s24+$0x0], $0xffff  }
0x99: {  	v5 =	vand.u32 $0x7F, v5;
	v3 =	vand.u32 $0x7F, v3;
	v16 =	vld.idx.msk [tilespmem:v16+s24+$0x0], $0xffff;
	v18 =	vand.u32 $0xFFFFFC00, v18  }
0x9a: {  	v19 =	vand.u32 $0xFFFFFC00, v19;
	v17 =	vld.idx.msk [tilespmem:v17+s24+$0x0], $0xffff;
	v3 =	vor.u32 v3, v18;
	v7 =	vadd.f32 v10, v7  }
0x9b: {  	v5 =	vor.u32 v5, v19;
	v0 =	vld.idx.msk [tilespmem:v0+s23+$0x0], $0xffff;
	v2 =	vadd.f32 v12, v2  }
0x9c: {  	v1 =	vld.idx.msk [tilespmem:v1+s24+$0x0], $0xffff;
	v10 =	vor.u32 $0x80, v3;
	v4 =	vadd.f32 v13, v4;
	[tilespmem:s31+$0xFFFFFE30] =	vst v7  }
0x9d: {  	v13 =	vor.u32 $0x100, v5;
	[tilespmem:s31+$0xFFFFFEB0] =	vst v2;
	v2 =	vadd.f32 v14, v6  }
0x9e: {  	v6 =	vor.u32 $0x180, v3;
	[tilespmem:s31+$0xFFFFFF30] =	vst v4;
	v4 =	vadd.f32 v15, v8  }
0x9f: {  	v8 =	vld.idx.msk [tilespmem:v3+s23+$0x0], $0xffff;
	[tilespmem:s31+$0xFFFFFFB0] =	vst v2;
	v2 =	vadd.f32 v16, v9  }
0xa0: {  	v9 =	vld.idx.msk [tilespmem:v5+s24+$0x0], $0xffff;
	[tilespmem:s31+$0x30] =	vst v4;
	v4 =	vadd.f32 v17, v11  }
0xa1: {  	v7 =	vor.u32 $0x100, v3;
	v10 =	vld.idx.msk [tilespmem:v10+s23+$0x0], $0xffff;
	v0 =	vadd.f32 v1, v0;
	[tilespmem:s31+$0xB0] =	vst v2  }
0xa2: {  	v14 =	vor.u32 $0x180, v5;
	v13 =	vld.idx.msk [tilespmem:v13+s24+$0x0], $0xffff;
	[tilespmem:s31+$0x130] =	vst v4  }
0xa3: {  	v15 =	vor.u32 $0x200, v5;
	v11 =	vor.u32 $0x200, v3;
	[tilespmem:s31+$0x1B0] =	vst v0;
	v4 =	vld.idx.msk [tilespmem:v6+s23+$0x0], $0xffff  }
0xa4: {  	v2 =	vor.u32 $0x280, v3;
	v0 =	vor.u32 $0x380, v3;
	v6 =	vor.u32 $0x300, v3;
	v3 =	vld [tilespmem:s26+$0x40]  }
0xa5: {  	v16 =	vor.u32 $0x280, v5;
	v12 =	vld [tilespmem:s26+$0xC0]  }
0xa6: {  	v17 =	vor.u32 $0x300, v5;
	v1 =	vld.idx.msk [tilespmem:v7+s23+$0x0], $0xffff  }
0xa7: {  	v14 =	vld.idx.msk [tilespmem:v14+s24+$0x0], $0xffff  }
0xa8: {  	v15 =	vld.idx.msk [tilespmem:v15+s24+$0x0], $0xffff  }
0xa9: {  	v7 =	vor.u32 $0x80, v5;
	v11 =	vld.idx.msk [tilespmem:v11+s23+$0x0], $0xffff;
	v3 =	vadd.s32 $0x1, v3  }
0xaa: {  	v5 =	vor.u32 $0x380, v5;
	v16 =	vld.idx.msk [tilespmem:v16+s24+$0x0], $0xffff;
	v12 =	vadd.s32 $0x1, v12;
	v18 =	vshll.u32 v3, $0x3  }
0xab: {  	v17 =	vld.idx.msk [tilespmem:v17+s24+$0x0], $0xffff;
	v19 =	vshll.u32 v12, $0x3;
	v3 =	vand.u32 $0x7F, v3;
	v18 =	vand.u32 $0xFFFFFC00, v18  }
0xac: {  	v2 =	vld.idx.msk [tilespmem:v2+s23+$0x0], $0xffff;
	v12 =	vand.u32 $0x7F, v12;
	v19 =	vand.u32 $0xFFFFFC00, v19;
	v3 =	vor.u32 v3, v18  }
0xad: {  	v0 =	vld.idx.msk [tilespmem:v0+s23+$0x0], $0xffff;
	v12 =	vor.u32 v12, v19  }
0xae: {  	v7 =	vld.idx.msk [tilespmem:v7+s24+$0x0], $0xffff;
	v18 =	vor.u32 $0x80, v3  }
0xaf: {  	v5 =	vld.idx.msk [tilespmem:v5+s24+$0x0], $0xffff;
	v19 =	vor.u32 $0x100, v3  }
0xb0: {  	v6 =	vld.idx.msk [tilespmem:v6+s23+$0x0], $0xffff;
	v20 =	vor.u32 $0x180, v3  }
0xb1: {  	v22 =	vor.u32 $0x200, v3;
	v21 =	vld.idx.msk [tilespmem:v3+s23+$0x0], $0xffff  }
0xb2: {  	v23 =	vor.u32 $0x280, v3;
	v24 =	vld.idx.msk [tilespmem:v12+s24+$0x0], $0xffff  }
0xb3: {  	v25 =	vor.u32 $0x300, v3;
	v18 =	vld.idx.msk [tilespmem:v18+s23+$0x0], $0xffff  }
0xb4: {  	v8 =	vadd.f32 v9, v8;
	v26 =	vor.u32 $0x80, v12;
	v19 =	vld.idx.msk [tilespmem:v19+s23+$0x0], $0xffff  }
0xb5: {  	s1 =	simm.s32 $0x5600;
	v1 =	vadd.f32 v13, v1;
	v27 =	vor.u32 $0x100, v12;
	v20 =	vld.idx.msk [tilespmem:v20+s23+$0x0], $0xffff  }
0xb6: {  	[tilespmem:s1+$0xFFFFFE00] =	vst v8;
	v4 =	vadd.f32 v14, v4;
	v54 =	vor.u32 $0x200, v12;
	v22 =	vld.idx.msk [tilespmem:v22+s23+$0x0], $0xffff  }
0xb7: {  	[tilespmem:s1+$0xFFFFFF00] =	vst v1;
	v7 =	vadd.f32 v7, v10;
	v8 =	vor.u32 $0x280, v12;
	v9 =	vld.idx.msk [tilespmem:v23+s23+$0x0], $0xffff  }
0xb8: {  	v1 =	vadd.f32 v15, v11;
	[tilespmem:s1+$0xFFFFFF80] =	vst v4;
	v13 =	vor.u32 $0x300, v12;
	v10 =	vld.idx.msk [tilespmem:v25+s23+$0x0], $0xffff  }
0xb9: {  	v2 =	vadd.f32 v16, v2;
	[tilespmem:s1+$0xFFFFFE80] =	vst v7;
	v7 =	vld.idx.msk [tilespmem:v26+s24+$0x0], $0xffff  }
0xba: {  	[tilespmem:s1+$0x0] =	vst v1;
	v0 =	vadd.f32 v5, v0;
	v23 =	vor.u32 $0x180, v12;
	v11 =	vld.idx.msk [tilespmem:v27+s24+$0x0], $0xffff  }
0xbb: {  	v1 =	vadd.f32 v17, v6;
	[tilespmem:s1+$0x80] =	vst v2;
	v3 =	vor.u32 $0x380, v3;
	v6 =	vld.idx.msk [tilespmem:v54+s24+$0x0], $0xffff  }
0xbc: {  	[tilespmem:s1+$0x180] =	vst v0;
	v12 =	vor.u32 $0x380, v12;
	v2 =	vld.idx.msk [tilespmem:v8+s24+$0x0], $0xffff  }
0xbd: {  	[tilespmem:s1+$0x100] =	vst v1;
	v1 =	vld.idx.msk [tilespmem:v13+s24+$0x0], $0xffff  }
0xbe: {  	v8 =	vld [tilespmem:s0+$0x10]  }
0xbf: {  	v4 =	vld.idx.msk [tilespmem:v23+s24+$0x0], $0xffff  }
0xc0: {  	v3 =	vld.idx.msk [tilespmem:v3+s23+$0x0], $0xffff;
	v5 =	vadd.f32 v24, v21  }
0xc1: {  	v0 =	vld.idx.msk [tilespmem:v12+s24+$0x0], $0xffff;
	v7 =	vadd.f32 v7, v18  }
0xc2: {  	v2 =	vadd.f32 v2, v9;
	[tilespmem:s31+$0xFFFFFE40] =	vst v5;
	v5 =	vadd.f32 v11, v19;
	v11 =	vld [tilespmem:s0+$0x90]  }
0xc3: {  	[tilespmem:s31+$0xFFFFFEC0] =	vst v7  }
0xc4: {  	[tilespmem:s31+$0xC0] =	vst v2;
	v4 =	vadd.f32 v4, v20  }
0xc5: {  	v1 =	vadd.f32 v1, v10;
	[tilespmem:s31+$0xFFFFFF40] =	vst v5  }
0xc6: {  	v5 =	vadd.f32 v6, v22;
	[tilespmem:s31+$0xFFFFFFC0] =	vst v4;
	v4 =	vadd.s32 $0x1, v8  }
0xc7: {  	[tilespmem:s31+$0x140] =	vst v1;
	v0 =	vadd.f32 v0, v3;
	v2 =	vadd.s32 $0x1, v11;
	v3 =	vshll.u32 v4, $0x3  }
0xc8: {  	[tilespmem:s31+$0x40] =	vst v5;
	v4 =	vand.u32 $0x7F, v4;
	v1 =	vand.u32 $0xFFFFFC00, v3;
	v3 =	vshll.u32 v2, $0x3  }
0xc9: {  	[tilespmem:s31+$0x1C0] =	vst v0;
	v2 =	vand.u32 $0x7F, v2;
	v0 =	vand.u32 $0xFFFFFC00, v3;
	v1 =	vor.u32 v4, v1  }
0xca: {  	v3 =	vld [tilespmem:s26+$0x50];
	v0 =	vor.u32 v2, v0  }
0xcb: {  	v2 =	vld [tilespmem:s26+$0xD0];
	v4 =	vor.u32 $0x80, v1  }
0xcc: {  	v5 =	vor.u32 $0x100, v1  }
0xcd: {  	v6 =	vor.u32 $0x180, v1  }
0xce: {  	v8 =	vor.u32 $0x200, v1;
	v7 =	vld.idx.msk [tilespmem:v1+s23+$0x0], $0xffff  }
0xcf: {  	v9 =	vor.u32 $0x280, v1;
	v10 =	vor.u32 $0x300, v1;
	v3 =	vadd.s32 $0x1, v3;
	v11 =	vld.idx.msk [tilespmem:v0+s24+$0x0], $0xffff  }
0xd0: {  	v1 =	vor.u32 $0x380, v1;
	v2 =	vadd.s32 $0x1, v2;
	v12 =	vshll.u32 v3, $0x3;
	v4 =	vld.idx.msk [tilespmem:v4+s23+$0x0], $0xffff  }
0xd1: {  	v3 =	vand.u32 $0x7F, v3;
	v5 =	vld.idx.msk [tilespmem:v5+s23+$0x0], $0xffff;
	v12 =	vand.u32 $0xFFFFFC00, v12;
	v13 =	vshll.u32 v2, $0x3  }
0xd2: {  	v6 =	vld.idx.msk [tilespmem:v6+s23+$0x0], $0xffff;
	v2 =	vand.u32 $0x7F, v2;
	v13 =	vand.u32 $0xFFFFFC00, v13;
	v3 =	vor.u32 v3, v12  }
0xd3: {  	v8 =	vld.idx.msk [tilespmem:v8+s23+$0x0], $0xffff;
	v2 =	vor.u32 v2, v13  }
0xd4: {  	v9 =	vld.idx.msk [tilespmem:v9+s23+$0x0], $0xffff;
	v12 =	vor.u32 $0x80, v3  }
0xd5: {  	v10 =	vld.idx.msk [tilespmem:v10+s23+$0x0], $0xffff;
	v13 =	vor.u32 $0x100, v3  }
0xd6: {  	v14 =	vor.u32 $0x180, v3;
	v1 =	vld.idx.msk [tilespmem:v1+s23+$0x0], $0xffff  }
0xd7: {  	v16 =	vor.u32 $0x200, v3;
	v15 =	vld.idx.msk [tilespmem:v3+s23+$0x0], $0xffff  }
0xd8: {  	v17 =	vor.u32 $0x280, v3;
	v18 =	vld.idx.msk [tilespmem:v2+s24+$0x0], $0xffff  }
0xd9: {  	v19 =	vor.u32 $0x300, v3;
	v12 =	vld.idx.msk [tilespmem:v12+s23+$0x0], $0xffff  }
0xda: {  	v20 =	vor.u32 $0x80, v2;
	v13 =	vld.idx.msk [tilespmem:v13+s23+$0x0], $0xffff  }
0xdb: {  	v21 =	vor.u32 $0x100, v2;
	v14 =	vld.idx.msk [tilespmem:v14+s23+$0x0], $0xffff  }
0xdc: {  	v22 =	vor.u32 $0x180, v2;
	v16 =	vld.idx.msk [tilespmem:v16+s23+$0x0], $0xffff  }
0xdd: {  	v23 =	vor.u32 $0x200, v2;
	v17 =	vld.idx.msk [tilespmem:v17+s23+$0x0], $0xffff  }
0xde: {  	v55 =	vor.u32 $0x280, v2;
	v19 =	vld.idx.msk [tilespmem:v19+s23+$0x0], $0xffff  }
0xdf: {  	v56 =	vor.u32 $0x300, v2;
	v20 =	vld.idx.msk [tilespmem:v20+s24+$0x0], $0xffff  }
0xe0: {  	v3 =	vor.u32 $0x380, v3;
	v21 =	vld.idx.msk [tilespmem:v21+s24+$0x0], $0xffff  }
0xe1: {  	v2 =	vor.u32 $0x380, v2;
	v22 =	vld.idx.msk [tilespmem:v22+s24+$0x0], $0xffff  }
0xe2: {  	v57 =	vor.u32 $0x80, v0;
	v23 =	vld.idx.msk [tilespmem:v23+s24+$0x0], $0xffff  }
0xe3: {  	v58 =	vor.u32 $0x100, v0;
	v24 =	vld.idx.msk [tilespmem:v55+s24+$0x0], $0xffff  }
0xe4: {  	v28 =	vor.u32 $0x180, v0;
	v25 =	vld.idx.msk [tilespmem:v56+s24+$0x0], $0xffff;
	v15 =	vadd.f32 v18, v15  }
0xe5: {  	v3 =	vld.idx.msk [tilespmem:v3+s23+$0x0], $0xffff;
	v18 =	vor.u32 $0x200, v0;
	v12 =	vadd.f32 v20, v12  }
0xe6: {  	v2 =	vld.idx.msk [tilespmem:v2+s24+$0x0], $0xffff;
	v20 =	vor.u32 $0x280, v0;
	v13 =	vadd.f32 v21, v13;
	[tilespmem:s31+$0xFFFFFE50] =	vst v15  }
0xe7: {  	v21 =	vor.u32 $0x300, v0;
	v15 =	vld.idx.msk [tilespmem:v57+s24+$0x0], $0xffff;
	[tilespmem:s31+$0xFFFFFED0] =	vst v12;
	v12 =	vadd.f32 v22, v14  }
0xe8: {  	v0 =	vor.u32 $0x380, v0;
	v14 =	vld.idx.msk [tilespmem:v58+s24+$0x0], $0xffff;
	[tilespmem:s31+$0xFFFFFF50] =	vst v13;
	v13 =	vadd.f32 v23, v16  }
0xe9: {  	v16 =	vld.idx.msk [tilespmem:v28+s24+$0x0], $0xffff;
	[tilespmem:s31+$0xFFFFFFD0] =	vst v12;
	v12 =	vadd.f32 v24, v17  }
0xea: {  	v17 =	vld.idx.msk [tilespmem:v18+s24+$0x0], $0xffff;
	[tilespmem:s31+$0x50] =	vst v13;
	v13 =	vadd.f32 v25, v19  }
0xeb: {  	v2 =	vadd.f32 v2, v3;
	v18 =	vld.idx.msk [tilespmem:v20+s24+$0x0], $0xffff;
	[tilespmem:s31+$0xD0] =	vst v12  }
0xec: {  	v3 =	vld.idx.msk [tilespmem:v21+s24+$0x0], $0xffff;
	[tilespmem:s31+$0x150] =	vst v13  }
0xed: {  	v0 =	vld.idx.msk [tilespmem:v0+s24+$0x0], $0xffff;
	[tilespmem:s31+$0x1D0] =	vst v2  }
0xee: {  	v2 =	vld [tilespmem:s26+$0x60]  }
0xef: {  	v7 =	vadd.f32 v11, v7;
	v11 =	vld [tilespmem:s26+$0xE0]  }
0xf0: {  	v4 =	vadd.f32 v15, v4  }
0xf1: {  	[tilespmem:s1+$0xFFFFFE10] =	vst v7;
	v5 =	vadd.f32 v14, v5  }
0xf2: {  	[tilespmem:s1+$0xFFFFFE90] =	vst v4;
	v4 =	vadd.f32 v16, v6;
	v6 =	vadd.f32 v17, v8  }
0xf3: {  	[tilespmem:s1+$0xFFFFFF10] =	vst v5;
	v5 =	vadd.f32 v18, v9;
	v3 =	vadd.f32 v3, v10;
	v2 =	vadd.s32 $0x1, v2  }
0xf4: {  	[tilespmem:s1+$0xFFFFFF90] =	vst v4;
	v0 =	vadd.f32 v0, v1;
	v1 =	vadd.s32 $0x1, v11;
	v4 =	vshll.u32 v2, $0x3  }
0xf5: {  	[tilespmem:s1+$0x10] =	vst v6;
	v6 =	vshll.u32 v1, $0x3;
	v2 =	vand.u32 $0x7F, v2;
	v4 =	vand.u32 $0xFFFFFC00, v4  }
0xf6: {  	[tilespmem:s1+$0x90] =	vst v5;
	v1 =	vand.u32 $0x7F, v1;
	v5 =	vand.u32 $0xFFFFFC00, v6;
	v2 =	vor.u32 v2, v4  }
0xf7: {  	[tilespmem:s1+$0x110] =	vst v3;
	v1 =	vor.u32 v1, v5  }
0xf8: {  	[tilespmem:s1+$0x190] =	vst v0;
	v0 =	vor.u32 $0x80, v2  }
0xf9: {  	v3 =	vld [tilespmem:s0+$0x20];
	v4 =	vor.u32 $0x100, v2  }
0xfa: {  	v5 =	vld [tilespmem:s0+$0xA0];
	v6 =	vor.u32 $0x180, v2  }
0xfb: {  	v8 =	vor.u32 $0x200, v2;
	v7 =	vld.idx.msk [tilespmem:v2+s23+$0x0], $0xffff  }
0xfc: {  	v9 =	vor.u32 $0x280, v2;
	v10 =	vld.idx.msk [tilespmem:v1+s24+$0x0], $0xffff  }
0xfd: {  	v11 =	vor.u32 $0x300, v2;
	v0 =	vld.idx.msk [tilespmem:v0+s23+$0x0], $0xffff  }
0xfe: {  	v12 =	vor.u32 $0x80, v1;
	v4 =	vld.idx.msk [tilespmem:v4+s23+$0x0], $0xffff  }
0xff: {  	v13 =	vor.u32 $0x100, v1;
	v6 =	vld.idx.msk [tilespmem:v6+s23+$0x0], $0xffff  }
0x100: {  	v14 =	vor.u32 $0x180, v1;
	v8 =	vld.idx.msk [tilespmem:v8+s23+$0x0], $0xffff  }
0x101: {  	v15 =	vor.u32 $0x200, v1;
	v9 =	vld.idx.msk [tilespmem:v9+s23+$0x0], $0xffff  }
0x102: {  	v16 =	vor.u32 $0x280, v1;
	v11 =	vld.idx.msk [tilespmem:v11+s23+$0x0], $0xffff  }
0x103: {  	v17 =	vor.u32 $0x300, v1;
	v12 =	vld.idx.msk [tilespmem:v12+s24+$0x0], $0xffff  }
0x104: {  	v2 =	vor.u32 $0x380, v2;
	v13 =	vld.idx.msk [tilespmem:v13+s24+$0x0], $0xffff  }
0x105: {  	v3 =	vadd.s32 $0x1, v3;
	v1 =	vor.u32 $0x380, v1;
	v5 =	vadd.s32 $0x1, v5;
	v14 =	vld.idx.msk [tilespmem:v14+s24+$0x0], $0xffff  }
0x106: {  	v18 =	vshll.u32 v3, $0x3;
	v3 =	vand.u32 $0x7F, v3;
	v15 =	vld.idx.msk [tilespmem:v15+s24+$0x0], $0xffff;
	v19 =	vshll.u32 v5, $0x3  }
0x107: {  	v18 =	vand.u32 $0xFFFFFC00, v18;
	v5 =	vand.u32 $0x7F, v5;
	v16 =	vld.idx.msk [tilespmem:v16+s24+$0x0], $0xffff;
	v19 =	vand.u32 $0xFFFFFC00, v19  }
0x108: {  	v3 =	vor.u32 v3, v18;
	v17 =	vld.idx.msk [tilespmem:v17+s24+$0x0], $0xffff;
	v5 =	vor.u32 v5, v19;
	v7 =	vadd.f32 v10, v7  }
0x109: {  	v18 =	vor.u32 $0x380, v5;
	v2 =	vld.idx.msk [tilespmem:v2+s23+$0x0], $0xffff;
	v0 =	vadd.f32 v12, v0  }
0x10a: {  	v1 =	vld.idx.msk [tilespmem:v1+s24+$0x0], $0xffff;
	v4 =	vadd.f32 v13, v4;
	[tilespmem:s31+$0xFFFFFE60] =	vst v7  }
0x10b: {  	v10 =	vor.u32 $0x80, v3;
	[tilespmem:s31+$0xFFFFFEE0] =	vst v0;
	v0 =	vadd.f32 v14, v6  }
0x10c: {  	v7 =	vor.u32 $0x100, v3;
	[tilespmem:s31+$0xFFFFFF60] =	vst v4;
	v4 =	vadd.f32 v15, v8  }
0x10d: {  	v8 =	vld.idx.msk [tilespmem:v3+s23+$0x0], $0xffff;
	[tilespmem:s31+$0xFFFFFFE0] =	vst v0;
	v0 =	vadd.f32 v16, v9  }
0x10e: {  	v18 =	vld.idx.msk [tilespmem:v18+s24+$0x0], $0xffff;
	[tilespmem:s31+$0x60] =	vst v4;
	v4 =	vadd.f32 v17, v11  }
0x10f: {  	v9 =	vld.idx.msk [tilespmem:v5+s24+$0x0], $0xffff;
	v11 =	vor.u32 $0x200, v3;
	[tilespmem:s31+$0xE0] =	vst v0;
	v0 =	vadd.f32 v1, v2  }
0x110: {  	v10 =	vld.idx.msk [tilespmem:v10+s23+$0x0], $0xffff;
	v1 =	vor.u32 $0x280, v3;
	[tilespmem:s31+$0x160] =	vst v4  }
0x111: {  	v6 =	vor.u32 $0x180, v3;
	v13 =	vld.idx.msk [tilespmem:v7+s23+$0x0], $0xffff;
	[tilespmem:s31+$0x1E0] =	vst v0  }
0x112: {  	v2 =	vor.u32 $0x300, v3;
	v0 =	vor.u32 $0x380, v3;
	v3 =	vld [tilespmem:s26+$0x70]  }
0x113: {  	v7 =	vld [tilespmem:s26+$0xF0]  }
0x114: {  	v17 =	vld.idx.msk [tilespmem:v11+s23+$0x0], $0xffff;
	v11 =	vor.u32 $0x100, v5  }
0x115: {  	v16 =	vld.idx.msk [tilespmem:v1+s23+$0x0], $0xffff;
	v1 =	vor.u32 $0x180, v5  }
0x116: {  	v12 =	vor.u32 $0x300, v5;
	v4 =	vld.idx.msk [tilespmem:v6+s23+$0x0], $0xffff  }
0x117: {  	v6 =	vor.u32 $0x80, v5;
	v14 =	vld.idx.msk [tilespmem:v0+s23+$0x0], $0xffff;
	v0 =	vor.u32 $0x280, v5;
	v3 =	vadd.s32 $0x1, v3  }
0x118: {  	v15 =	vld.idx.msk [tilespmem:v2+s23+$0x0], $0xffff;
	v2 =	vor.u32 $0x200, v5;
	v5 =	vadd.s32 $0x1, v7;
	v7 =	vshll.u32 v3, $0x3  }
0x119: {  	v22 =	vld.idx.msk [tilespmem:v11+s24+$0x0], $0xffff;
	v11 =	vshll.u32 v5, $0x3;
	v3 =	vand.u32 $0x7F, v3;
	v7 =	vand.u32 $0xFFFFFC00, v7  }
0x11a: {  	v23 =	vld.idx.msk [tilespmem:v1+s24+$0x0], $0xffff;
	v1 =	vand.u32 $0xFFFFFC00, v11;
	v7 =	vor.u32 v3, v7;
	v3 =	vand.u32 $0x7F, v5  }
0x11b: {  	v19 =	vld.idx.msk [tilespmem:v12+s24+$0x0], $0xffff;
	v5 =	vor.u32 v3, v1  }
0x11c: {  	v20 =	vld.idx.msk [tilespmem:v0+s24+$0x0], $0xffff;
	v0 =	vor.u32 $0x80, v7  }
0x11d: {  	v6 =	vld.idx.msk [tilespmem:v6+s24+$0x0], $0xffff;
	v1 =	vor.u32 $0x100, v7  }
0x11e: {  	v21 =	vld.idx.msk [tilespmem:v2+s24+$0x0], $0xffff;
	v12 =	vor.u32 $0x200, v7  }
0x11f: {  	v11 =	vor.u32 $0x180, v7;
	v59 =	vld.idx.msk [tilespmem:v7+s23+$0x0], $0xffff  }
0x120: {  	v60 =	vor.u32 $0x380, v7;
	v61 =	vld.idx.msk [tilespmem:v5+s24+$0x0], $0xffff  }
0x121: {  	v63 =	vor.u32 $0x280, v7;
	v3 =	vld.idx.msk [tilespmem:v0+s23+$0x0], $0xffff  }
0x122: {  	v62 =	vor.u32 $0x380, v5;
	v2 =	vld.idx.msk [tilespmem:v1+s23+$0x0], $0xffff  }
0x123: {  	v0 =	vld.idx.msk [tilespmem:v12+s23+$0x0], $0xffff;
	v12 =	vor.u32 $0x300, v7  }
0x124: {  	v8 =	vadd.f32 v9, v8;
	v1 =	vld.idx.msk [tilespmem:v11+s23+$0x0], $0xffff;
	v11 =	vor.u32 $0x80, v5  }
0x125: {  	v29 =	vadd.f32 v6, v10;
	v10 =	vor.u32 $0x100, v5;
	v7 =	vld.idx.msk [tilespmem:v60+s23+$0x0], $0xffff  }
0x126: {  	[tilespmem:s1+$0xFFFFFE20] =	vst v8;
	v22 =	vadd.f32 v22, v13;
	v9 =	vor.u32 $0x180, v5;
	v23 =	vadd.f32 v23, v4;
	v4 =	vld.idx.msk [tilespmem:v63+s23+$0x0], $0xffff  }
0x127: {  	s26 =	simm.s32 $0x800;
	[tilespmem:s1+$0xFFFFFEA0] =	vst v29;
	v13 =	vor.u32 $0x200, v5;
	v8 =	vld.idx.msk [tilespmem:v62+s24+$0x0], $0xffff;
	v6 =	vadd.f32 v61, v59  }
.LBB2_2:
0x128: {  	p0 =	sne.s32 s26, $0x3C00;
	[tilespmem:s1+$0xFFFFFF20] =	vst v22;
	v17 =	vadd.f32 v21, v17;
	v12 =	vld.idx.msk [tilespmem:v12+s23+$0x0], $0xffff;
	v21 =	vor.u32 $0x280, v5  }
0x129: {  	v16 =	vadd.f32 v20, v16;
	v5 =	vor.u32 $0x300, v5;
	[tilespmem:s1+$0xFFFFFFA0] =	vst v23;
	v11 =	vld.idx.msk [tilespmem:v11+s24+$0x0], $0xffff  }
0x12a: {  	v15 =	vadd.f32 v19, v15;
	[tilespmem:s1+$0x20] =	vst v17;
	v10 =	vld.idx.msk [tilespmem:v10+s24+$0x0], $0xffff  }
0x12b: {  	v14 =	vadd.f32 v18, v14;
	[tilespmem:s1+$0xA0] =	vst v16;
	v9 =	vld.idx.msk [tilespmem:v9+s24+$0x0], $0xffff  }
0x12c: {  	v7 =	vadd.f32 v8, v7;
	[tilespmem:s1+$0x120] =	vst v15;
	v13 =	vld.idx.msk [tilespmem:v13+s24+$0x0], $0xffff  }
0x12d: {  	[tilespmem:s1+$0x1A0] =	vst v14;
	v8 =	vld.idx.msk [tilespmem:v21+s24+$0x0], $0xffff  }
0x12e: {  	v5 =	vld.idx.msk [tilespmem:v5+s24+$0x0], $0xffff;
	[tilespmem:s31+$0x1F0] =	vst v7  }
0x12f: {  	v3 =	vadd.f32 v11, v3;
	v7 =	vld [tilespmem:s0+$0x30];
	[tilespmem:s31+$0xFFFFFE70] =	vst v6  }
0x130: {  	v2 =	vadd.f32 v10, v2;
	v6 =	vld [tilespmem:s0+$0xB0]  }
0x131: {  	v1 =	vadd.f32 v9, v1;
	[tilespmem:s31+$0xFFFFFEF0] =	vst v3  }
0x132: {  	v0 =	vadd.f32 v13, v0;
	[tilespmem:s31+$0xFFFFFF70] =	vst v2  }
0x133: {  	[tilespmem:s31+$0xFFFFFFF0] =	vst v1;
	v1 =	vadd.f32 v8, v4  }
0x134: {  	v2 =	vadd.s32 $0x1, v7;
	[tilespmem:s31+$0x70] =	vst v0;
	v0 =	vadd.f32 v5, v12  }
0x135: {  	v3 =	vadd.s32 $0x1, v6;
	v4 =	vshll.u32 v2, $0x3;
	[tilespmem:s31+$0xF0] =	vst v1  }
0x136: {  	v2 =	vand.u32 $0x7F, v2;
	v1 =	vand.u32 $0xFFFFFC00, v4;
	v4 =	vshll.u32 v3, $0x3;
	[tilespmem:s31+$0x170] =	vst v0;
	s31 =	smov.u32 s1  }
0x137: {  	v0 =	vand.u32 $0xFFFFFC00, v4;
	v1 =	vor.u32 v2, v1;
	v2 =	vand.u32 $0x7F, v3  }
0x138: {  	v0 =	vor.u32 v2, v0  }
0x139: {  	s28 =	sshra.s32 s26, $0x2;
	v2 =	vor.u32 $0x80, v1  }
0x13a: {  	v4 =	vor.u32 $0x100, v1;
	v3 =	vld [tilespmem:s28+$0x0]  }
0x13b: {  	v6 =	vor.u32 $0x180, v1;
	v5 =	vld [tilespmem:s28+$0x80]  }
0x13c: {  	v8 =	vor.u32 $0x200, v1;
	v7 =	vld.idx.msk [tilespmem:v1+s23+$0x0], $0xffff  }
0x13d: {  	v9 =	vor.u32 $0x280, v1;
	v10 =	vld.idx.msk [tilespmem:v0+s24+$0x0], $0xffff  }
0x13e: {  	v11 =	vor.u32 $0x300, v1;
	v2 =	vld.idx.msk [tilespmem:v2+s23+$0x0], $0xffff  }
0x13f: {  	v1 =	vor.u32 $0x380, v1;
	v4 =	vld.idx.msk [tilespmem:v4+s23+$0x0], $0xffff  }
0x140: {  	v12 =	vor.u32 $0x80, v0;
	v6 =	vld.idx.msk [tilespmem:v6+s23+$0x0], $0xffff  }
0x141: {  	v13 =	vor.u32 $0x100, v0;
	v8 =	vld.idx.msk [tilespmem:v8+s23+$0x0], $0xffff  }
0x142: {  	v14 =	vor.u32 $0x180, v0;
	v9 =	vld.idx.msk [tilespmem:v9+s23+$0x0], $0xffff  }
0x143: {  	v15 =	vor.u32 $0x200, v0;
	v11 =	vld.idx.msk [tilespmem:v11+s23+$0x0], $0xffff  }
0x144: {  	v16 =	vor.u32 $0x280, v0;
	v1 =	vld.idx.msk [tilespmem:v1+s23+$0x0], $0xffff  }
0x145: {  	v17 =	vor.u32 $0x300, v0;
	v12 =	vld.idx.msk [tilespmem:v12+s24+$0x0], $0xffff  }
0x146: {  	v0 =	vor.u32 $0x380, v0;
	v13 =	vld.idx.msk [tilespmem:v13+s24+$0x0], $0xffff  }
0x147: {  	v3 =	vadd.s32 $0x1, v3;
	v14 =	vld.idx.msk [tilespmem:v14+s24+$0x0], $0xffff  }
0x148: {  	v5 =	vadd.s32 $0x1, v5;
	v18 =	vshll.u32 v3, $0x3;
	v3 =	vand.u32 $0x7F, v3;
	v15 =	vld.idx.msk [tilespmem:v15+s24+$0x0], $0xffff  }
0x149: {  	v18 =	vand.u32 $0xFFFFFC00, v18;
	v19 =	vshll.u32 v5, $0x3;
	v5 =	vand.u32 $0x7F, v5;
	v16 =	vld.idx.msk [tilespmem:v16+s24+$0x0], $0xffff  }
0x14a: {  	v19 =	vand.u32 $0xFFFFFC00, v19;
	v3 =	vor.u32 v3, v18;
	v7 =	vadd.f32 v10, v7;
	v17 =	vld.idx.msk [tilespmem:v17+s24+$0x0], $0xffff  }
0x14b: {  	v5 =	vor.u32 v5, v19;
	v2 =	vadd.f32 v12, v2;
	v0 =	vld.idx.msk [tilespmem:v0+s24+$0x0], $0xffff  }
0x14c: {  	v10 =	vor.u32 $0x80, v3;
	v4 =	vadd.f32 v13, v4;
	[tilespmem:s1+$0xFFFFFE30] =	vst v7  }
0x14d: {  	v7 =	vor.u32 $0x100, v3;
	[tilespmem:s1+$0xFFFFFEB0] =	vst v2;
	v2 =	vadd.f32 v14, v6  }
0x14e: {  	v6 =	vor.u32 $0x180, v3;
	[tilespmem:s1+$0xFFFFFF30] =	vst v4;
	v4 =	vadd.f32 v15, v8  }
0x14f: {  	v8 =	vld.idx.msk [tilespmem:v3+s23+$0x0], $0xffff;
	[tilespmem:s1+$0xFFFFFFB0] =	vst v2;
	v2 =	vadd.f32 v16, v9  }
0x150: {  	v9 =	vld.idx.msk [tilespmem:v5+s24+$0x0], $0xffff;
	[tilespmem:s1+$0x30] =	vst v4;
	v4 =	vadd.f32 v17, v11  }
0x151: {  	v11 =	vor.u32 $0x200, v3;
	v0 =	vadd.f32 v0, v1;
	v10 =	vld.idx.msk [tilespmem:v10+s23+$0x0], $0xffff;
	[tilespmem:s1+$0xB0] =	vst v2  }
0x152: {  	v2 =	vor.u32 $0x280, v3;
	v1 =	vld.idx.msk [tilespmem:v7+s23+$0x0], $0xffff;
	[tilespmem:s1+$0x130] =	vst v4  }
0x153: {  	v4 =	vld.idx.msk [tilespmem:v6+s23+$0x0], $0xffff;
	v6 =	vor.u32 $0x300, v3;
	[tilespmem:s1+$0x1B0] =	vst v0  }
0x154: {  	v0 =	vor.u32 $0x380, v3;
	v3 =	vld [tilespmem:s0+$0x40]  }
0x155: {  	v7 =	vor.u32 $0x80, v5;
	v12 =	vld [tilespmem:s0+$0xC0]  }
0x156: {  	v13 =	vor.u32 $0x100, v5;
	v11 =	vld.idx.msk [tilespmem:v11+s23+$0x0], $0xffff  }
0x157: {  	v14 =	vor.u32 $0x180, v5;
	v2 =	vld.idx.msk [tilespmem:v2+s23+$0x0], $0xffff  }
0x158: {  	v15 =	vor.u32 $0x200, v5;
	v6 =	vld.idx.msk [tilespmem:v6+s23+$0x0], $0xffff  }
0x159: {  	v16 =	vor.u32 $0x280, v5;
	v17 =	vor.u32 $0x300, v5;
	v0 =	vld.idx.msk [tilespmem:v0+s23+$0x0], $0xffff;
	v3 =	vadd.s32 $0x1, v3  }
0x15a: {  	v5 =	vor.u32 $0x380, v5;
	v7 =	vld.idx.msk [tilespmem:v7+s24+$0x0], $0xffff;
	v12 =	vadd.s32 $0x1, v12;
	v18 =	vshll.u32 v3, $0x3  }
0x15b: {  	v3 =	vand.u32 $0x7F, v3;
	v13 =	vld.idx.msk [tilespmem:v13+s24+$0x0], $0xffff;
	v18 =	vand.u32 $0xFFFFFC00, v18;
	v19 =	vshll.u32 v12, $0x3  }
0x15c: {  	v12 =	vand.u32 $0x7F, v12;
	v14 =	vld.idx.msk [tilespmem:v14+s24+$0x0], $0xffff;
	v19 =	vand.u32 $0xFFFFFC00, v19;
	v3 =	vor.u32 v3, v18  }
0x15d: {  	v15 =	vld.idx.msk [tilespmem:v15+s24+$0x0], $0xffff;
	v12 =	vor.u32 v12, v19  }
0x15e: {  	v18 =	vor.u32 $0x80, v3;
	v16 =	vld.idx.msk [tilespmem:v16+s24+$0x0], $0xffff  }
0x15f: {  	v19 =	vor.u32 $0x100, v3;
	v17 =	vld.idx.msk [tilespmem:v17+s24+$0x0], $0xffff  }
0x160: {  	v20 =	vor.u32 $0x180, v3;
	v5 =	vld.idx.msk [tilespmem:v5+s24+$0x0], $0xffff  }
0x161: {  	v22 =	vor.u32 $0x200, v3;
	v21 =	vld.idx.msk [tilespmem:v3+s23+$0x0], $0xffff  }
0x162: {  	v23 =	vor.u32 $0x280, v3;
	v24 =	vld.idx.msk [tilespmem:v12+s24+$0x0], $0xffff  }
0x163: {  	v25 =	vor.u32 $0x300, v3;
	v18 =	vld.idx.msk [tilespmem:v18+s23+$0x0], $0xffff  }
0x164: {  	v3 =	vor.u32 $0x380, v3;
	v19 =	vld.idx.msk [tilespmem:v19+s23+$0x0], $0xffff  }
0x165: {  	v26 =	vor.u32 $0x80, v12;
	v20 =	vld.idx.msk [tilespmem:v20+s23+$0x0], $0xffff  }
0x166: {  	v27 =	vor.u32 $0x100, v12;
	v22 =	vld.idx.msk [tilespmem:v22+s23+$0x0], $0xffff  }
0x167: {  	v8 =	vadd.f32 v9, v8;
	v9 =	vld.idx.msk [tilespmem:v23+s23+$0x0], $0xffff;
	v23 =	vor.u32 $0x180, v12  }
0x168: {  	s1 =	sadd.s32 $0x400, s1;
	v7 =	vadd.f32 v7, v10;
	v10 =	vld.idx.msk [tilespmem:v25+s23+$0x0], $0xffff;
	v25 =	vor.u32 $0x200, v12  }
0x169: {  	v1 =	vadd.f32 v13, v1;
	[tilespmem:s1+$0xFFFFFE00] =	vst v8;
	v3 =	vld.idx.msk [tilespmem:v3+s23+$0x0], $0xffff;
	v8 =	vor.u32 $0x280, v12  }
0x16a: {  	v13 =	vor.u32 $0x300, v12;
	v4 =	vadd.f32 v14, v4;
	[tilespmem:s1+$0xFFFFFE80] =	vst v7;
	v7 =	vld.idx.msk [tilespmem:v26+s24+$0x0], $0xffff  }
0x16b: {  	v12 =	vor.u32 $0x380, v12;
	[tilespmem:s1+$0xFFFFFF00] =	vst v1;
	v1 =	vadd.f32 v15, v11;
	v11 =	vld.idx.msk [tilespmem:v27+s24+$0x0], $0xffff  }
0x16c: {  	v2 =	vadd.f32 v16, v2;
	[tilespmem:s1+$0xFFFFFF80] =	vst v4;
	v4 =	vld.idx.msk [tilespmem:v23+s24+$0x0], $0xffff  }
0x16d: {  	[tilespmem:s1+$0x0] =	vst v1;
	v1 =	vadd.f32 v17, v6;
	v6 =	vld.idx.msk [tilespmem:v25+s24+$0x0], $0xffff  }
0x16e: {  	v0 =	vadd.f32 v5, v0;
	[tilespmem:s1+$0x80] =	vst v2;
	v2 =	vld.idx.msk [tilespmem:v8+s24+$0x0], $0xffff  }
0x16f: {  	v5 =	vadd.f32 v24, v21;
	[tilespmem:s1+$0x100] =	vst v1;
	v1 =	vld.idx.msk [tilespmem:v13+s24+$0x0], $0xffff  }
0x170: {  	v7 =	vadd.f32 v7, v18;
	[tilespmem:s1+$0x180] =	vst v0;
	v0 =	vld.idx.msk [tilespmem:v12+s24+$0x0], $0xffff  }
0x171: {  	v8 =	vld [tilespmem:s28+$0x10];
	[tilespmem:s31+$0xFFFFFE40] =	vst v5;
	v5 =	vadd.f32 v11, v19  }
0x172: {  	v4 =	vadd.f32 v4, v20;
	v11 =	vld [tilespmem:s28+$0x90];
	[tilespmem:s31+$0xFFFFFEC0] =	vst v7  }
0x173: {  	[tilespmem:s31+$0xFFFFFF40] =	vst v5;
	v5 =	vadd.f32 v6, v22  }
0x174: {  	v2 =	vadd.f32 v2, v9;
	[tilespmem:s31+$0xFFFFFFC0] =	vst v4  }
0x175: {  	v1 =	vadd.f32 v1, v10;
	[tilespmem:s31+$0x40] =	vst v5  }
0x176: {  	v0 =	vadd.f32 v0, v3;
	v4 =	vadd.s32 $0x1, v8;
	[tilespmem:s31+$0xC0] =	vst v2  }
0x177: {  	v2 =	vadd.s32 $0x1, v11;
	v3 =	vshll.u32 v4, $0x3;
	[tilespmem:s31+$0x140] =	vst v1  }
0x178: {  	v4 =	vand.u32 $0x7F, v4;
	v1 =	vand.u32 $0xFFFFFC00, v3;
	v3 =	vshll.u32 v2, $0x3;
	[tilespmem:s31+$0x1C0] =	vst v0  }
0x179: {  	v2 =	vand.u32 $0x7F, v2;
	v0 =	vand.u32 $0xFFFFFC00, v3;
	v1 =	vor.u32 v4, v1;
	v3 =	vld [tilespmem:s0+$0x50]  }
0x17a: {  	v0 =	vor.u32 v2, v0;
	v2 =	vld [tilespmem:s0+$0xD0]  }
0x17b: {  	v4 =	vor.u32 $0x80, v1  }
0x17c: {  	v5 =	vor.u32 $0x100, v1  }
0x17d: {  	v6 =	vor.u32 $0x180, v1  }
0x17e: {  	v8 =	vor.u32 $0x200, v1;
	v9 =	vor.u32 $0x280, v1;
	v7 =	vld.idx.msk [tilespmem:v1+s23+$0x0], $0xffff;
	v3 =	vadd.s32 $0x1, v3  }
0x17f: {  	v10 =	vor.u32 $0x300, v1;
	v11 =	vld.idx.msk [tilespmem:v0+s24+$0x0], $0xffff;
	v2 =	vadd.s32 $0x1, v2;
	v12 =	vshll.u32 v3, $0x3  }
0x180: {  	v3 =	vand.u32 $0x7F, v3;
	v4 =	vld.idx.msk [tilespmem:v4+s23+$0x0], $0xffff;
	v12 =	vand.u32 $0xFFFFFC00, v12;
	v13 =	vshll.u32 v2, $0x3  }
0x181: {  	v2 =	vand.u32 $0x7F, v2;
	v5 =	vld.idx.msk [tilespmem:v5+s23+$0x0], $0xffff;
	v13 =	vand.u32 $0xFFFFFC00, v13;
	v3 =	vor.u32 v3, v12  }
0x182: {  	v6 =	vld.idx.msk [tilespmem:v6+s23+$0x0], $0xffff;
	v2 =	vor.u32 v2, v13  }
0x183: {  	v12 =	vor.u32 $0x80, v3;
	v8 =	vld.idx.msk [tilespmem:v8+s23+$0x0], $0xffff  }
0x184: {  	v13 =	vor.u32 $0x100, v3;
	v9 =	vld.idx.msk [tilespmem:v9+s23+$0x0], $0xffff  }
0x185: {  	v14 =	vor.u32 $0x180, v3;
	v10 =	vld.idx.msk [tilespmem:v10+s23+$0x0], $0xffff  }
0x186: {  	v16 =	vor.u32 $0x200, v3;
	v15 =	vld.idx.msk [tilespmem:v3+s23+$0x0], $0xffff  }
0x187: {  	v17 =	vor.u32 $0x280, v3;
	v18 =	vld.idx.msk [tilespmem:v2+s24+$0x0], $0xffff  }
0x188: {  	v19 =	vor.u32 $0x300, v3;
	v12 =	vld.idx.msk [tilespmem:v12+s23+$0x0], $0xffff  }
0x189: {  	v3 =	vor.u32 $0x380, v3;
	v13 =	vld.idx.msk [tilespmem:v13+s23+$0x0], $0xffff  }
0x18a: {  	v20 =	vor.u32 $0x80, v2;
	v14 =	vld.idx.msk [tilespmem:v14+s23+$0x0], $0xffff  }
0x18b: {  	v21 =	vor.u32 $0x100, v2;
	v16 =	vld.idx.msk [tilespmem:v16+s23+$0x0], $0xffff  }
0x18c: {  	v22 =	vor.u32 $0x180, v2;
	v17 =	vld.idx.msk [tilespmem:v17+s23+$0x0], $0xffff  }
0x18d: {  	v23 =	vor.u32 $0x200, v2;
	v19 =	vld.idx.msk [tilespmem:v19+s23+$0x0], $0xffff  }
0x18e: {  	v24 =	vor.u32 $0x280, v2;
	v3 =	vld.idx.msk [tilespmem:v3+s23+$0x0], $0xffff  }
0x18f: {  	v25 =	vor.u32 $0x300, v2;
	v20 =	vld.idx.msk [tilespmem:v20+s24+$0x0], $0xffff  }
0x190: {  	v2 =	vor.u32 $0x380, v2;
	v21 =	vld.idx.msk [tilespmem:v21+s24+$0x0], $0xffff  }
0x191: {  	v1 =	vor.u32 $0x380, v1;
	v22 =	vld.idx.msk [tilespmem:v22+s24+$0x0], $0xffff  }
0x192: {  	v26 =	vor.u32 $0x80, v0;
	v23 =	vld.idx.msk [tilespmem:v23+s24+$0x0], $0xffff  }
0x193: {  	v27 =	vor.u32 $0x100, v0;
	v24 =	vld.idx.msk [tilespmem:v24+s24+$0x0], $0xffff  }
0x194: {  	v28 =	vor.u32 $0x180, v0;
	v15 =	vadd.f32 v18, v15;
	v25 =	vld.idx.msk [tilespmem:v25+s24+$0x0], $0xffff  }
0x195: {  	v18 =	vor.u32 $0x200, v0;
	v12 =	vadd.f32 v20, v12;
	v2 =	vld.idx.msk [tilespmem:v2+s24+$0x0], $0xffff  }
0x196: {  	v20 =	vor.u32 $0x280, v0;
	v13 =	vadd.f32 v21, v13;
	v1 =	vld.idx.msk [tilespmem:v1+s23+$0x0], $0xffff;
	[tilespmem:s31+$0xFFFFFE50] =	vst v15  }
0x197: {  	v21 =	vor.u32 $0x300, v0;
	v15 =	vld.idx.msk [tilespmem:v26+s24+$0x0], $0xffff;
	[tilespmem:s31+$0xFFFFFED0] =	vst v12;
	v12 =	vadd.f32 v22, v14  }
0x198: {  	v0 =	vor.u32 $0x380, v0;
	v14 =	vld.idx.msk [tilespmem:v27+s24+$0x0], $0xffff;
	[tilespmem:s31+$0xFFFFFF50] =	vst v13;
	v13 =	vadd.f32 v23, v16  }
0x199: {  	v16 =	vld.idx.msk [tilespmem:v28+s24+$0x0], $0xffff;
	[tilespmem:s31+$0xFFFFFFD0] =	vst v12;
	v12 =	vadd.f32 v24, v17  }
0x19a: {  	v17 =	vld.idx.msk [tilespmem:v18+s24+$0x0], $0xffff;
	[tilespmem:s31+$0x50] =	vst v13;
	v13 =	vadd.f32 v25, v19  }
0x19b: {  	v2 =	vadd.f32 v2, v3;
	v18 =	vld.idx.msk [tilespmem:v20+s24+$0x0], $0xffff;
	[tilespmem:s31+$0xD0] =	vst v12  }
0x19c: {  	v3 =	vld.idx.msk [tilespmem:v21+s24+$0x0], $0xffff;
	[tilespmem:s31+$0x150] =	vst v13  }
0x19d: {  	v0 =	vld.idx.msk [tilespmem:v0+s24+$0x0], $0xffff;
	[tilespmem:s31+$0x1D0] =	vst v2  }
0x19e: {  	v2 =	vld [tilespmem:s0+$0x60]  }
0x19f: {  	v7 =	vadd.f32 v11, v7;
	v11 =	vld [tilespmem:s0+$0xE0]  }
0x1a0: {  	v4 =	vadd.f32 v15, v4  }
0x1a1: {  	v5 =	vadd.f32 v14, v5;
	[tilespmem:s1+$0xFFFFFE10] =	vst v7  }
0x1a2: {  	[tilespmem:s1+$0xFFFFFE90] =	vst v4;
	v4 =	vadd.f32 v16, v6;
	v6 =	vadd.f32 v17, v8  }
0x1a3: {  	v3 =	vadd.f32 v3, v10;
	[tilespmem:s1+$0xFFFFFF10] =	vst v5;
	v5 =	vadd.f32 v18, v9;
	v2 =	vadd.s32 $0x1, v2  }
0x1a4: {  	v0 =	vadd.f32 v0, v1;
	[tilespmem:s1+$0xFFFFFF90] =	vst v4;
	v1 =	vadd.s32 $0x1, v11;
	v4 =	vshll.u32 v2, $0x3  }
0x1a5: {  	v2 =	vand.u32 $0x7F, v2;
	[tilespmem:s1+$0x10] =	vst v6;
	v4 =	vand.u32 $0xFFFFFC00, v4;
	v6 =	vshll.u32 v1, $0x3  }
0x1a6: {  	v1 =	vand.u32 $0x7F, v1;
	[tilespmem:s1+$0x90] =	vst v5;
	v5 =	vand.u32 $0xFFFFFC00, v6;
	v2 =	vor.u32 v2, v4  }
0x1a7: {  	[tilespmem:s1+$0x110] =	vst v3;
	v1 =	vor.u32 v1, v5  }
0x1a8: {  	[tilespmem:s1+$0x190] =	vst v0;
	v0 =	vor.u32 $0x80, v2  }
0x1a9: {  	v4 =	vor.u32 $0x100, v2;
	v3 =	vld [tilespmem:s28+$0x20]  }
0x1aa: {  	v6 =	vor.u32 $0x180, v2;
	v5 =	vld [tilespmem:s28+$0xA0]  }
0x1ab: {  	v8 =	vor.u32 $0x200, v2;
	v7 =	vld.idx.msk [tilespmem:v2+s23+$0x0], $0xffff  }
0x1ac: {  	v9 =	vor.u32 $0x280, v2;
	v10 =	vld.idx.msk [tilespmem:v1+s24+$0x0], $0xffff  }
0x1ad: {  	v11 =	vor.u32 $0x300, v2;
	v0 =	vld.idx.msk [tilespmem:v0+s23+$0x0], $0xffff  }
0x1ae: {  	v2 =	vor.u32 $0x380, v2;
	v4 =	vld.idx.msk [tilespmem:v4+s23+$0x0], $0xffff  }
0x1af: {  	v12 =	vor.u32 $0x80, v1;
	v6 =	vld.idx.msk [tilespmem:v6+s23+$0x0], $0xffff  }
0x1b0: {  	v13 =	vor.u32 $0x100, v1;
	v8 =	vld.idx.msk [tilespmem:v8+s23+$0x0], $0xffff  }
0x1b1: {  	v14 =	vor.u32 $0x180, v1;
	v9 =	vld.idx.msk [tilespmem:v9+s23+$0x0], $0xffff  }
0x1b2: {  	v15 =	vor.u32 $0x200, v1;
	v11 =	vld.idx.msk [tilespmem:v11+s23+$0x0], $0xffff  }
0x1b3: {  	v16 =	vor.u32 $0x280, v1;
	v2 =	vld.idx.msk [tilespmem:v2+s23+$0x0], $0xffff  }
0x1b4: {  	v17 =	vor.u32 $0x300, v1;
	v12 =	vld.idx.msk [tilespmem:v12+s24+$0x0], $0xffff  }
0x1b5: {  	v1 =	vor.u32 $0x380, v1;
	v13 =	vld.idx.msk [tilespmem:v13+s24+$0x0], $0xffff  }
0x1b6: {  	v3 =	vadd.s32 $0x1, v3;
	v14 =	vld.idx.msk [tilespmem:v14+s24+$0x0], $0xffff  }
0x1b7: {  	v5 =	vadd.s32 $0x1, v5;
	v18 =	vshll.u32 v3, $0x3;
	v3 =	vand.u32 $0x7F, v3;
	v15 =	vld.idx.msk [tilespmem:v15+s24+$0x0], $0xffff  }
0x1b8: {  	v18 =	vand.u32 $0xFFFFFC00, v18;
	v19 =	vshll.u32 v5, $0x3;
	v5 =	vand.u32 $0x7F, v5;
	v16 =	vld.idx.msk [tilespmem:v16+s24+$0x0], $0xffff  }
0x1b9: {  	v19 =	vand.u32 $0xFFFFFC00, v19;
	v3 =	vor.u32 v3, v18;
	v7 =	vadd.f32 v10, v7;
	v17 =	vld.idx.msk [tilespmem:v17+s24+$0x0], $0xffff  }
0x1ba: {  	v5 =	vor.u32 v5, v19;
	v0 =	vadd.f32 v12, v0;
	v1 =	vld.idx.msk [tilespmem:v1+s24+$0x0], $0xffff  }
0x1bb: {  	v10 =	vor.u32 $0x80, v3;
	v4 =	vadd.f32 v13, v4;
	[tilespmem:s31+$0xFFFFFE60] =	vst v7  }
0x1bc: {  	v7 =	vor.u32 $0x100, v3;
	[tilespmem:s31+$0xFFFFFEE0] =	vst v0;
	v0 =	vadd.f32 v14, v6  }
0x1bd: {  	v6 =	vor.u32 $0x180, v3;
	[tilespmem:s31+$0xFFFFFF60] =	vst v4;
	v4 =	vadd.f32 v15, v8  }
0x1be: {  	v8 =	vld.idx.msk [tilespmem:v3+s23+$0x0], $0xffff;
	[tilespmem:s31+$0xFFFFFFE0] =	vst v0;
	v0 =	vadd.f32 v16, v9  }
0x1bf: {  	v9 =	vld.idx.msk [tilespmem:v5+s24+$0x0], $0xffff;
	[tilespmem:s31+$0x60] =	vst v4;
	v4 =	vadd.f32 v17, v11  }
0x1c0: {  	v11 =	vor.u32 $0x200, v3;
	v10 =	vld.idx.msk [tilespmem:v10+s23+$0x0], $0xffff;
	[tilespmem:s31+$0xE0] =	vst v0;
	v0 =	vadd.f32 v1, v2  }
0x1c1: {  	v1 =	vor.u32 $0x280, v3;
	v13 =	vld.idx.msk [tilespmem:v7+s23+$0x0], $0xffff;
	[tilespmem:s31+$0x160] =	vst v4  }
0x1c2: {  	v2 =	vor.u32 $0x300, v3;
	v4 =	vld.idx.msk [tilespmem:v6+s23+$0x0], $0xffff;
	[tilespmem:s31+$0x1E0] =	vst v0  }
0x1c3: {  	v0 =	vor.u32 $0x380, v3;
	v3 =	vld [tilespmem:s0+$0x70]  }
0x1c4: {  	v6 =	vor.u32 $0x80, v5;
	v7 =	vld [tilespmem:s0+$0xF0];
	s0 =	smov.u32 s28  }
0x1c5: {  	v17 =	vld.idx.msk [tilespmem:v11+s23+$0x0], $0xffff;
	v11 =	vor.u32 $0x100, v5  }
0x1c6: {  	v16 =	vld.idx.msk [tilespmem:v1+s23+$0x0], $0xffff;
	v1 =	vor.u32 $0x180, v5  }
0x1c7: {  	v15 =	vld.idx.msk [tilespmem:v2+s23+$0x0], $0xffff;
	v2 =	vor.u32 $0x200, v5  }
0x1c8: {  	v12 =	vor.u32 $0x300, v5;
	v14 =	vld.idx.msk [tilespmem:v0+s23+$0x0], $0xffff;
	v0 =	vor.u32 $0x280, v5;
	v3 =	vadd.s32 $0x1, v3  }
0x1c9: {  	v18 =	vor.u32 $0x380, v5;
	v6 =	vld.idx.msk [tilespmem:v6+s24+$0x0], $0xffff;
	v5 =	vadd.s32 $0x1, v7;
	v7 =	vshll.u32 v3, $0x3  }
0x1ca: {  	v3 =	vand.u32 $0x7F, v3;
	v22 =	vld.idx.msk [tilespmem:v11+s24+$0x0], $0xffff;
	v7 =	vand.u32 $0xFFFFFC00, v7;
	v11 =	vshll.u32 v5, $0x3  }
0x1cb: {  	v23 =	vld.idx.msk [tilespmem:v1+s24+$0x0], $0xffff;
	v1 =	vand.u32 $0xFFFFFC00, v11;
	v7 =	vor.u32 v3, v7;
	v3 =	vand.u32 $0x7F, v5  }
0x1cc: {  	v21 =	vld.idx.msk [tilespmem:v2+s24+$0x0], $0xffff;
	v5 =	vor.u32 v3, v1  }
0x1cd: {  	v20 =	vld.idx.msk [tilespmem:v0+s24+$0x0], $0xffff;
	v0 =	vor.u32 $0x80, v7  }
0x1ce: {  	v1 =	vor.u32 $0x100, v7;
	v19 =	vld.idx.msk [tilespmem:v12+s24+$0x0], $0xffff  }
0x1cf: {  	v11 =	vor.u32 $0x180, v7;
	v18 =	vld.idx.msk [tilespmem:v18+s24+$0x0], $0xffff  }
0x1d0: {  	v25 =	vor.u32 $0x200, v7;
	v24 =	vld.idx.msk [tilespmem:v7+s23+$0x0], $0xffff  }
0x1d1: {  	v26 =	vor.u32 $0x380, v7;
	v27 =	vld.idx.msk [tilespmem:v5+s24+$0x0], $0xffff  }
0x1d2: {  	v28 =	vor.u32 $0x380, v5;
	v3 =	vld.idx.msk [tilespmem:v0+s23+$0x0], $0xffff  }
0x1d3: {  	v29 =	vor.u32 $0x280, v7;
	v2 =	vld.idx.msk [tilespmem:v1+s23+$0x0], $0xffff  }
.Ltmp0:
0x1d4: {  	v12 =	vor.u32 $0x300, v7;
	v1 =	vld.idx.msk [tilespmem:v11+s23+$0x0], $0xffff;
	(pc) =	sbr.rel @p0 .LBB2_2-.Ltmp0, $4  }
0x1d5: {  	v8 =	vadd.f32 v9, v8;
	v11 =	vor.u32 $0x80, v5;
	v0 =	vld.idx.msk [tilespmem:v25+s23+$0x0], $0xffff  }
0x1d6: {  	v25 =	vadd.f32 v6, v10;
	v10 =	vor.u32 $0x100, v5;
	v7 =	vld.idx.msk [tilespmem:v26+s23+$0x0], $0xffff  }
0x1d7: {  	v9 =	vor.u32 $0x180, v5;
	v22 =	vadd.f32 v22, v13;
	v6 =	vadd.f32 v27, v24;
	[tilespmem:s1+$0xFFFFFE20] =	vst v8;
	v8 =	vld.idx.msk [tilespmem:v28+s24+$0x0], $0xffff  }
0x1d8: {  	s26 =	sadd.s32 $0x400, s26;
	v13 =	vor.u32 $0x200, v5;
	v23 =	vadd.f32 v23, v4;
	[tilespmem:s1+$0xFFFFFEA0] =	vst v25;
	v4 =	vld.idx.msk [tilespmem:v29+s23+$0x0], $0xffff  }
0x1d9: {  	[tilespmem:s1+$0xFFFFFF20] =	vst v22;
	v17 =	vadd.f32 v21, v17  }
0x1da: {  	v16 =	vadd.f32 v20, v16;
	[tilespmem:s1+$0xFFFFFFA0] =	vst v23  }
0x1db: {  	v15 =	vadd.f32 v19, v15;
	[tilespmem:s1+$0x20] =	vst v17  }
0x1dc: {  	v14 =	vadd.f32 v18, v14;
	[tilespmem:s1+$0xA0] =	vst v16  }
0x1dd: {  	[tilespmem:s1+$0x120] =	vst v15  }
0x1de: {  	[tilespmem:s1+$0x1A0] =	vst v14  }
0x1df: {  	v14 =	vld [tilespmem:s0+$0x30]  }
0x1e0: {  	v15 =	vld [tilespmem:s0+$0xB0];
	_ =	sdelay $0x3  }
0x1e1: {  	v14 =	vadd.s32 $0x1, v14  }
0x1e2: {  	v15 =	vadd.s32 $0x1, v15;
	v37 =	vshll.u32 v14, $0x3  }
0x1e3: {  	v38 =	vshll.u32 v15, $0x3;
	v14 =	vand.u32 $0x7F, v14;
	v16 =	vand.u32 $0xFFFFFC00, v37  }
0x1e4: {  	v15 =	vand.u32 $0x7F, v15;
	v17 =	vand.u32 $0xFFFFFC00, v38;
	v14 =	vor.u32 v14, v16  }
0x1e5: {  	v15 =	vor.u32 v15, v17  }
0x1e6: {  	v16 =	vor.u32 $0x80, v14  }
0x1e7: {  	v39 =	vor.u32 $0x100, v14  }
0x1e8: {  	v40 =	vor.u32 $0x180, v14  }
0x1e9: {  	v42 =	vor.u32 $0x200, v14;
	v41 =	vld.idx.msk [tilespmem:v14+s23+$0x0], $0xffff  }
0x1ea: {  	v43 =	vor.u32 $0x280, v14;
	v22 =	vld.idx.msk [tilespmem:v15+s24+$0x0], $0xffff  }
0x1eb: {  	v44 =	vor.u32 $0x300, v14;
	v16 =	vld.idx.msk [tilespmem:v16+s23+$0x0], $0xffff  }
0x1ec: {  	v24 =	vor.u32 $0x80, v15;
	v17 =	vld.idx.msk [tilespmem:v39+s23+$0x0], $0xffff  }
0x1ed: {  	v25 =	vor.u32 $0x100, v15;
	v18 =	vld.idx.msk [tilespmem:v40+s23+$0x0], $0xffff  }
0x1ee: {  	v26 =	vor.u32 $0x180, v15;
	v20 =	vld.idx.msk [tilespmem:v42+s23+$0x0], $0xffff  }
0x1ef: {  	v27 =	vor.u32 $0x200, v15;
	v21 =	vld.idx.msk [tilespmem:v43+s23+$0x0], $0xffff  }
0x1f0: {  	v28 =	vor.u32 $0x280, v15;
	v23 =	vld.idx.msk [tilespmem:v44+s23+$0x0], $0xffff  }
0x1f1: {  	v29 =	vor.u32 $0x300, v15;
	v24 =	vld.idx.msk [tilespmem:v24+s24+$0x0], $0xffff  }
0x1f2: {  	v14 =	vor.u32 $0x380, v14;
	v25 =	vld.idx.msk [tilespmem:v25+s24+$0x0], $0xffff  }
0x1f3: {  	v15 =	vor.u32 $0x380, v15;
	v26 =	vld.idx.msk [tilespmem:v26+s24+$0x0], $0xffff  }
0x1f4: {  	v27 =	vld.idx.msk [tilespmem:v27+s24+$0x0], $0xffff  }
0x1f5: {  	v28 =	vld.idx.msk [tilespmem:v28+s24+$0x0], $0xffff  }
0x1f6: {  	v29 =	vld.idx.msk [tilespmem:v29+s24+$0x0], $0xffff;
	v19 =	vadd.f32 v22, v41  }
0x1f7: {  	v14 =	vld.idx.msk [tilespmem:v14+s23+$0x0], $0xffff;
	v16 =	vadd.f32 v24, v16  }
0x1f8: {  	v15 =	vld.idx.msk [tilespmem:v15+s24+$0x0], $0xffff;
	v17 =	vadd.f32 v25, v17;
	[tilespmem:s1+$0xFFFFFE30] =	vst v19  }
0x1f9: {  	v45 =	vadd.f32 v26, v18;
	[tilespmem:s1+$0xFFFFFEB0] =	vst v16  }
0x1fa: {  	v46 =	vadd.f32 v27, v20;
	[tilespmem:s1+$0xFFFFFF30] =	vst v17  }
0x1fb: {  	v47 =	vadd.f32 v28, v21;
	[tilespmem:s1+$0xFFFFFFB0] =	vst v45  }
0x1fc: {  	v48 =	vadd.f32 v29, v23;
	[tilespmem:s1+$0x30] =	vst v46  }
0x1fd: {  	[tilespmem:s1+$0xB0] =	vst v47;
	v14 =	vadd.f32 v15, v14  }
0x1fe: {  	[tilespmem:s1+$0x130] =	vst v48  }
0x1ff: {  	[tilespmem:s1+$0x1B0] =	vst v14  }
0x200: {  	v14 =	vld [tilespmem:s0+$0x40]  }
0x201: {  	v49 =	vld [tilespmem:s0+$0xC0];
	_ =	sdelay $0x3  }
0x202: {  	v14 =	vadd.s32 $0x1, v14  }
0x203: {  	v15 =	vadd.s32 $0x1, v49;
	v50 =	vshll.u32 v14, $0x3  }
0x204: {  	v51 =	vshll.u32 v15, $0x3;
	v14 =	vand.u32 $0x7F, v14;
	v16 =	vand.u32 $0xFFFFFC00, v50  }
0x205: {  	v15 =	vand.u32 $0x7F, v15;
	v17 =	vand.u32 $0xFFFFFC00, v51;
	v14 =	vor.u32 v14, v16  }
0x206: {  	v15 =	vor.u32 v15, v17  }
0x207: {  	v16 =	vor.u32 $0x80, v14  }
0x208: {  	v52 =	vor.u32 $0x100, v14  }
0x209: {  	v53 =	vor.u32 $0x180, v14  }
0x20a: {  	v54 =	vor.u32 $0x200, v14;
	v19 =	vld.idx.msk [tilespmem:v14+s23+$0x0], $0xffff  }
0x20b: {  	v55 =	vor.u32 $0x280, v14;
	v56 =	vld.idx.msk [tilespmem:v15+s24+$0x0], $0xffff  }
0x20c: {  	v57 =	vor.u32 $0x300, v14;
	v16 =	vld.idx.msk [tilespmem:v16+s23+$0x0], $0xffff  }
0x20d: {  	v58 =	vor.u32 $0x80, v15;
	v17 =	vld.idx.msk [tilespmem:v52+s23+$0x0], $0xffff  }
0x20e: {  	v59 =	vor.u32 $0x100, v15;
	v18 =	vld.idx.msk [tilespmem:v53+s23+$0x0], $0xffff  }
0x20f: {  	v60 =	vor.u32 $0x180, v15;
	v20 =	vld.idx.msk [tilespmem:v54+s23+$0x0], $0xffff  }
0x210: {  	v61 =	vor.u32 $0x200, v15;
	v21 =	vld.idx.msk [tilespmem:v55+s23+$0x0], $0xffff  }
0x211: {  	v62 =	vor.u32 $0x280, v15;
	v23 =	vld.idx.msk [tilespmem:v57+s23+$0x0], $0xffff  }
0x212: {  	v63 =	vor.u32 $0x300, v15;
	v24 =	vld.idx.msk [tilespmem:v58+s24+$0x0], $0xffff  }
0x213: {  	v14 =	vor.u32 $0x380, v14;
	v25 =	vld.idx.msk [tilespmem:v59+s24+$0x0], $0xffff  }
0x214: {  	v15 =	vor.u32 $0x380, v15;
	v26 =	vld.idx.msk [tilespmem:v60+s24+$0x0], $0xffff  }
0x215: {  	v27 =	vld.idx.msk [tilespmem:v61+s24+$0x0], $0xffff  }
0x216: {  	v28 =	vld.idx.msk [tilespmem:v62+s24+$0x0], $0xffff  }
0x217: {  	v29 =	vld.idx.msk [tilespmem:v63+s24+$0x0], $0xffff;
	v19 =	vadd.f32 v56, v19  }
0x218: {  	v14 =	vld.idx.msk [tilespmem:v14+s23+$0x0], $0xffff;
	v16 =	vadd.f32 v24, v16  }
0x219: {  	v15 =	vld.idx.msk [tilespmem:v15+s24+$0x0], $0xffff;
	v17 =	vadd.f32 v25, v17;
	[tilespmem:s1+$0xFFFFFE40] =	vst v19  }
0x21a: {  	v24 =	vadd.f32 v26, v18;
	[tilespmem:s1+$0xFFFFFEC0] =	vst v16  }
0x21b: {  	v25 =	vadd.f32 v27, v20;
	[tilespmem:s1+$0xFFFFFF40] =	vst v17  }
0x21c: {  	v26 =	vadd.f32 v28, v21;
	[tilespmem:s1+$0xFFFFFFC0] =	vst v24  }
0x21d: {  	v27 =	vadd.f32 v29, v23;
	[tilespmem:s1+$0x40] =	vst v25  }
0x21e: {  	[tilespmem:s1+$0xC0] =	vst v26;
	v14 =	vadd.f32 v15, v14  }
0x21f: {  	[tilespmem:s1+$0x140] =	vst v27  }
0x220: {  	[tilespmem:s1+$0x1C0] =	vst v14  }
0x221: {  	v14 =	vld [tilespmem:s0+$0x50]  }
0x222: {  	v28 =	vld [tilespmem:s0+$0xD0];
	_ =	sdelay $0x3  }
0x223: {  	v14 =	vadd.s32 $0x1, v14  }
0x224: {  	v15 =	vadd.s32 $0x1, v28;
	v29 =	vshll.u32 v14, $0x3  }
0x225: {  	v30 =	vshll.u32 v15, $0x3;
	v14 =	vand.u32 $0x7F, v14;
	v16 =	vand.u32 $0xFFFFFC00, v29  }
0x226: {  	v15 =	vand.u32 $0x7F, v15;
	v17 =	vand.u32 $0xFFFFFC00, v30;
	v14 =	vor.u32 v14, v16  }
0x227: {  	v15 =	vor.u32 v15, v17  }
0x228: {  	v16 =	vor.u32 $0x80, v14  }
0x229: {  	v31 =	vor.u32 $0x100, v14  }
0x22a: {  	v32 =	vor.u32 $0x180, v14  }
0x22b: {  	v33 =	vor.u32 $0x200, v14;
	v19 =	vld.idx.msk [tilespmem:v14+s23+$0x0], $0xffff  }
0x22c: {  	v34 =	vor.u32 $0x280, v14;
	v35 =	vld.idx.msk [tilespmem:v15+s24+$0x0], $0xffff  }
0x22d: {  	v36 =	vor.u32 $0x300, v14;
	v16 =	vld.idx.msk [tilespmem:v16+s23+$0x0], $0xffff  }
0x22e: {  	v37 =	vor.u32 $0x80, v15;
	v17 =	vld.idx.msk [tilespmem:v31+s23+$0x0], $0xffff  }
0x22f: {  	v38 =	vor.u32 $0x100, v15;
	v18 =	vld.idx.msk [tilespmem:v32+s23+$0x0], $0xffff  }
0x230: {  	v39 =	vor.u32 $0x180, v15;
	v20 =	vld.idx.msk [tilespmem:v33+s23+$0x0], $0xffff  }
0x231: {  	v40 =	vor.u32 $0x200, v15;
	v21 =	vld.idx.msk [tilespmem:v34+s23+$0x0], $0xffff  }
0x232: {  	v41 =	vor.u32 $0x280, v15;
	v23 =	vld.idx.msk [tilespmem:v36+s23+$0x0], $0xffff  }
0x233: {  	v42 =	vor.u32 $0x300, v15;
	v24 =	vld.idx.msk [tilespmem:v37+s24+$0x0], $0xffff  }
0x234: {  	v14 =	vor.u32 $0x380, v14;
	v25 =	vld.idx.msk [tilespmem:v38+s24+$0x0], $0xffff  }
0x235: {  	v15 =	vor.u32 $0x380, v15;
	v26 =	vld.idx.msk [tilespmem:v39+s24+$0x0], $0xffff  }
0x236: {  	v27 =	vld.idx.msk [tilespmem:v40+s24+$0x0], $0xffff  }
0x237: {  	v28 =	vld.idx.msk [tilespmem:v41+s24+$0x0], $0xffff  }
0x238: {  	v29 =	vld.idx.msk [tilespmem:v42+s24+$0x0], $0xffff;
	v19 =	vadd.f32 v35, v19  }
0x239: {  	v14 =	vld.idx.msk [tilespmem:v14+s23+$0x0], $0xffff;
	v16 =	vadd.f32 v24, v16  }
0x23a: {  	v15 =	vld.idx.msk [tilespmem:v15+s24+$0x0], $0xffff;
	v17 =	vadd.f32 v25, v17;
	[tilespmem:s1+$0xFFFFFE50] =	vst v19  }
0x23b: {  	v43 =	vadd.f32 v26, v18;
	[tilespmem:s1+$0xFFFFFED0] =	vst v16  }
0x23c: {  	v44 =	vadd.f32 v27, v20;
	[tilespmem:s1+$0xFFFFFF50] =	vst v17  }
0x23d: {  	v45 =	vadd.f32 v28, v21;
	[tilespmem:s1+$0xFFFFFFD0] =	vst v43  }
0x23e: {  	v46 =	vadd.f32 v29, v23;
	[tilespmem:s1+$0x50] =	vst v44  }
0x23f: {  	[tilespmem:s1+$0xD0] =	vst v45;
	v14 =	vadd.f32 v15, v14  }
0x240: {  	[tilespmem:s1+$0x150] =	vst v46  }
0x241: {  	[tilespmem:s1+$0x1D0] =	vst v14  }
0x242: {  	v14 =	vld [tilespmem:s0+$0x60]  }
0x243: {  	v47 =	vld [tilespmem:s0+$0xE0];
	_ =	sdelay $0x3  }
0x244: {  	v14 =	vadd.s32 $0x1, v14  }
0x245: {  	v15 =	vadd.s32 $0x1, v47;
	v48 =	vshll.u32 v14, $0x3  }
0x246: {  	v49 =	vshll.u32 v15, $0x3;
	v14 =	vand.u32 $0x7F, v14;
	v16 =	vand.u32 $0xFFFFFC00, v48  }
0x247: {  	v15 =	vand.u32 $0x7F, v15;
	v17 =	vand.u32 $0xFFFFFC00, v49;
	v14 =	vor.u32 v14, v16  }
0x248: {  	v15 =	vor.u32 v15, v17  }
0x249: {  	v16 =	vor.u32 $0x80, v14  }
0x24a: {  	v50 =	vor.u32 $0x100, v14  }
0x24b: {  	v51 =	vor.u32 $0x180, v14  }
0x24c: {  	v52 =	vor.u32 $0x200, v14;
	v19 =	vld.idx.msk [tilespmem:v14+s23+$0x0], $0xffff  }
0x24d: {  	v53 =	vor.u32 $0x280, v14;
	v54 =	vld.idx.msk [tilespmem:v15+s24+$0x0], $0xffff  }
0x24e: {  	v55 =	vor.u32 $0x300, v14;
	v16 =	vld.idx.msk [tilespmem:v16+s23+$0x0], $0xffff  }
0x24f: {  	v56 =	vor.u32 $0x80, v15;
	v17 =	vld.idx.msk [tilespmem:v50+s23+$0x0], $0xffff  }
0x250: {  	v57 =	vor.u32 $0x100, v15;
	v18 =	vld.idx.msk [tilespmem:v51+s23+$0x0], $0xffff  }
0x251: {  	v58 =	vor.u32 $0x180, v15;
	v20 =	vld.idx.msk [tilespmem:v52+s23+$0x0], $0xffff  }
0x252: {  	v59 =	vor.u32 $0x200, v15;
	v21 =	vld.idx.msk [tilespmem:v53+s23+$0x0], $0xffff  }
0x253: {  	v60 =	vor.u32 $0x280, v15;
	v23 =	vld.idx.msk [tilespmem:v55+s23+$0x0], $0xffff  }
0x254: {  	v61 =	vor.u32 $0x300, v15;
	v24 =	vld.idx.msk [tilespmem:v56+s24+$0x0], $0xffff  }
0x255: {  	v14 =	vor.u32 $0x380, v14;
	v25 =	vld.idx.msk [tilespmem:v57+s24+$0x0], $0xffff  }
0x256: {  	v15 =	vor.u32 $0x380, v15;
	v26 =	vld.idx.msk [tilespmem:v58+s24+$0x0], $0xffff  }
0x257: {  	v27 =	vld.idx.msk [tilespmem:v59+s24+$0x0], $0xffff  }
0x258: {  	v28 =	vld.idx.msk [tilespmem:v60+s24+$0x0], $0xffff  }
0x259: {  	v62 =	vld.idx.msk [tilespmem:v61+s24+$0x0], $0xffff;
	v19 =	vadd.f32 v54, v19  }
0x25a: {  	v14 =	vld.idx.msk [tilespmem:v14+s23+$0x0], $0xffff;
	v16 =	vadd.f32 v24, v16  }
0x25b: {  	v15 =	vld.idx.msk [tilespmem:v15+s24+$0x0], $0xffff;
	v17 =	vadd.f32 v25, v17;
	[tilespmem:s1+$0xFFFFFE60] =	vst v19  }
0x25c: {  	v63 =	vadd.f32 v26, v18;
	[tilespmem:s1+$0xFFFFFEE0] =	vst v16  }
0x25d: {  	v24 =	vadd.f32 v27, v20;
	[tilespmem:s1+$0xFFFFFF60] =	vst v17  }
0x25e: {  	v25 =	vadd.f32 v28, v21;
	[tilespmem:s1+$0xFFFFFFE0] =	vst v63  }
0x25f: {  	v26 =	vadd.f32 v62, v23;
	[tilespmem:s1+$0x60] =	vst v24  }
0x260: {  	[tilespmem:s1+$0xE0] =	vst v25;
	v14 =	vadd.f32 v15, v14  }
0x261: {  	[tilespmem:s1+$0x160] =	vst v26  }
0x262: {  	[tilespmem:s1+$0x1E0] =	vst v14  }
0x263: {  	v14 =	vld [tilespmem:s0+$0x70]  }
0x264: {  	v27 =	vld [tilespmem:s0+$0xF0];
	_ =	sdelay $0x3  }
0x265: {  	v29 =	vor.u32 $0x300, v5;
	v14 =	vadd.s32 $0x1, v14  }
0x266: {  	v12 =	vld.idx.msk [tilespmem:v12+s23+$0x0], $0xffff;
	v28 =	vor.u32 $0x280, v5;
	v15 =	vadd.s32 $0x1, v27;
	v30 =	vshll.u32 v14, $0x3  }
0x267: {  	v11 =	vld.idx.msk [tilespmem:v11+s24+$0x0], $0xffff;
	v31 =	vshll.u32 v15, $0x3;
	v14 =	vand.u32 $0x7F, v14;
	v17 =	vand.u32 $0xFFFFFC00, v30  }
0x268: {  	v10 =	vld.idx.msk [tilespmem:v10+s24+$0x0], $0xffff;
	v15 =	vand.u32 $0x7F, v15;
	v18 =	vand.u32 $0xFFFFFC00, v31;
	v14 =	vor.u32 v14, v17  }
0x269: {  	v9 =	vld.idx.msk [tilespmem:v9+s24+$0x0], $0xffff;
	v15 =	vor.u32 v15, v18  }
0x26a: {  	v13 =	vld.idx.msk [tilespmem:v13+s24+$0x0], $0xffff;
	v17 =	vor.u32 $0x80, v14  }
0x26b: {  	v5 =	vld.idx.msk [tilespmem:v29+s24+$0x0], $0xffff;
	v32 =	vor.u32 $0x100, v14  }
0x26c: {  	v16 =	vld.idx.msk [tilespmem:v28+s24+$0x0], $0xffff;
	v33 =	vor.u32 $0x180, v14  }
0x26d: {  	v35 =	vor.u32 $0x200, v14;
	v34 =	vld.idx.msk [tilespmem:v14+s23+$0x0], $0xffff  }
0x26e: {  	v36 =	vor.u32 $0x380, v14;
	v37 =	vld.idx.msk [tilespmem:v15+s24+$0x0], $0xffff  }
0x26f: {  	v38 =	vor.u32 $0x380, v15;
	v17 =	vld.idx.msk [tilespmem:v17+s23+$0x0], $0xffff  }
0x270: {  	v39 =	vor.u32 $0x280, v14;
	v18 =	vld.idx.msk [tilespmem:v32+s23+$0x0], $0xffff  }
0x271: {  	v40 =	vor.u32 $0x80, v15;
	v19 =	vld.idx.msk [tilespmem:v33+s23+$0x0], $0xffff  }
0x272: {  	v7 =	vadd.f32 v8, v7;
	v42 =	vor.u32 $0x100, v15;
	v21 =	vld.idx.msk [tilespmem:v35+s23+$0x0], $0xffff  }
0x273: {  	v43 =	vor.u32 $0x180, v15;
	v41 =	vld.idx.msk [tilespmem:v36+s23+$0x0], $0xffff  }
0x274: {  	v3 =	vadd.f32 v11, v3;
	[tilespmem:s31+$0x1F0] =	vst v7;
	v45 =	vor.u32 $0x200, v15;
	v24 =	vld.idx.msk [tilespmem:v38+s24+$0x0], $0xffff  }
0x275: {  	v2 =	vadd.f32 v10, v2;
	[tilespmem:s31+$0xFFFFFE70] =	vst v6;
	v47 =	vor.u32 $0x280, v15;
	v44 =	vld.idx.msk [tilespmem:v39+s23+$0x0], $0xffff  }
0x276: {  	v1 =	vadd.f32 v9, v1;
	[tilespmem:s31+$0xFFFFFEF0] =	vst v3;
	v49 =	vor.u32 $0x300, v15;
	v48 =	vld.idx.msk [tilespmem:v40+s24+$0x0], $0xffff  }
0x277: {  	v0 =	vadd.f32 v13, v0;
	[tilespmem:s31+$0xFFFFFF70] =	vst v2;
	v14 =	vor.u32 $0x300, v14;
	v50 =	vld.idx.msk [tilespmem:v42+s24+$0x0], $0xffff  }
0x278: {  	[tilespmem:s31+$0xFFFFFFF0] =	vst v1;
	v53 =	vadd.f32 v5, v12;
	v52 =	vld.idx.msk [tilespmem:v43+s24+$0x0], $0xffff  }
0x279: {  	[tilespmem:s31+$0x70] =	vst v0;
	v51 =	vadd.f32 v16, v4;
	v54 =	vld.idx.msk [tilespmem:v45+s24+$0x0], $0xffff  }
0x27a: {  	[tilespmem:s31+$0x170] =	vst v53;
	v56 =	vld.idx.msk [tilespmem:v47+s24+$0x0], $0xffff;
	v57 =	vadd.f32 v37, v34  }
0x27b: {  	[tilespmem:s31+$0xF0] =	vst v51;
	v9 =	vld.idx.msk [tilespmem:v49+s24+$0x0], $0xffff;
	v55 =	vadd.f32 v24, v41  }
0x27c: {  	v46 =	vld.idx.msk [tilespmem:v14+s23+$0x0], $0xffff;
	v58 =	vadd.f32 v48, v17;
	[tilespmem:s1+$0xFFFFFE70] =	vst v57  }
0x27d: {  	v59 =	vadd.f32 v50, v18;
	[tilespmem:s1+$0x1F0] =	vst v55  }
0x27e: {  	v60 =	vadd.f32 v52, v19;
	[tilespmem:s1+$0xFFFFFEF0] =	vst v58  }
0x27f: {  	v61 =	vadd.f32 v54, v21;
	[tilespmem:s1+$0xFFFFFF70] =	vst v59  }
0x280: {  	v62 =	vadd.f32 v56, v44;
	[tilespmem:s1+$0xFFFFFFF0] =	vst v60  }
0x281: {  	[tilespmem:s1+$0x70] =	vst v61;
	v63 =	vadd.f32 v9, v46  }
0x282: {  	[tilespmem:s1+$0xF0] =	vst v62  }
0x283: {  	[tilespmem:s1+$0x170] =	vst v63;
	s1 =	simm.s32 $0x5000  }
0x284: {  	[hbm4b:s4+s2] =	stream.linear.scatter [tilespmem:s1], [sflag:$0x2], $0x400, $0x38;
	[tilespmem:$0x9000] =	vst v63  }
0x285: {  	s26 =	simm.s32 $0x5400  }
0x286: {  	[hbm4b:s7+s2] =	stream.linear.scatter [tilespmem:s26], [sflag:$0x2], $0x400, $0x38;
	[tilespmem:$0x9000] =	vst v63  }
0x287: {  	s28 =	simm.s32 $0x5800  }
0x288: {  	[hbm4b:s8+s2] =	stream.linear.scatter [tilespmem:s28], [sflag:$0x2], $0x400, $0x38;
	[tilespmem:$0x9000] =	vst v63  }
0x289: {  	s31 =	simm.s32 $0x5C00  }
0x28a: {  	[hbm4b:s9+s2] =	stream.linear.scatter [tilespmem:s31], [sflag:$0x2], $0x400, $0x38;
	[tilespmem:$0x9000] =	vst v63  }
0x28b: {  	s1 =	simm.s32 $0x6000  }
0x28c: {  	[hbm4b:s10+s2] =	stream.linear.scatter [tilespmem:s1], [sflag:$0x2], $0x400, $0x38;
	[tilespmem:$0x9000] =	vst v63  }
0x28d: {  	s26 =	simm.s32 $0x6400  }
0x28e: {  	[hbm4b:s11+s2] =	stream.linear.scatter [tilespmem:s26], [sflag:$0x2], $0x400, $0x38;
	[tilespmem:$0x9000] =	vst v63  }
0x28f: {  	s28 =	simm.s32 $0x6800  }
0x290: {  	[hbm4b:s12+s2] =	stream.linear.scatter [tilespmem:s28], [sflag:$0x2], $0x400, $0x38;
	[tilespmem:$0x9000] =	vst v63  }
0x291: {  	s31 =	simm.s32 $0x6C00  }
0x292: {  	[hbm4b:s13+s2] =	stream.linear.scatter [tilespmem:s31], [sflag:$0x2], $0x400, $0x38;
	[tilespmem:$0x9000] =	vst v63  }
0x293: {  	s1 =	simm.s32 $0x7000  }
0x294: {  	[hbm4b:s14+s2] =	stream.linear.scatter [tilespmem:s1], [sflag:$0x2], $0x400, $0x38;
	[tilespmem:$0x9000] =	vst v63  }
0x295: {  	s26 =	simm.s32 $0x7400  }
0x296: {  	[hbm4b:s15+s2] =	stream.linear.scatter [tilespmem:s26], [sflag:$0x2], $0x400, $0x38;
	[tilespmem:$0x9000] =	vst v63  }
0x297: {  	s28 =	simm.s32 $0x7800  }
0x298: {  	[hbm4b:s16+s2] =	stream.linear.scatter [tilespmem:s28], [sflag:$0x2], $0x400, $0x38;
	[tilespmem:$0x9000] =	vst v63  }
0x299: {  	s31 =	simm.s32 $0x7C00  }
0x29a: {  	[hbm4b:s17+s2] =	stream.linear.scatter [tilespmem:s31], [sflag:$0x2], $0x400, $0x38;
	[tilespmem:$0x9000] =	vst v63  }
0x29b: {  	s1 =	simm.s32 $0x8000  }
0x29c: {  	[hbm4b:s18+s2] =	stream.linear.scatter [tilespmem:s1], [sflag:$0x2], $0x400, $0x38;
	[tilespmem:$0x9000] =	vst v63  }
0x29d: {  	s26 =	simm.s32 $0x8400  }
0x29e: {  	[hbm4b:s19+s2] =	stream.linear.scatter [tilespmem:s26], [sflag:$0x2], $0x400, $0x38;
	[tilespmem:$0x9000] =	vst v63  }
0x29f: {  	s28 =	simm.s32 $0x8800  }
0x2a0: {  	[hbm4b:s20+s2] =	stream.linear.scatter [tilespmem:s28], [sflag:$0x2], $0x400, $0x38;
	[tilespmem:$0x9000] =	vst v63  }
0x2a1: {  	s31 =	simm.s32 $0x8C00  }
0x2a2: {  	[hbm4b:s21+s2] =	stream.linear.scatter [tilespmem:s31], [sflag:$0x2], $0x400, $0x38;
	[tilespmem:$0x9000] =	vst v63  }
0x2a3: {  	_ =	swait.ge [sflag:s29], $0x400  }
0x2a4: {  	[sflag:s29] =	ssyncset.done $0x0  }
0x2a5: {  	[sflag:s29] =	ssyncadd.s32 $0xFFFFFC00  }
0x2a6: {  	_ =	swait.ge [sflag:s29], $0x400  }
0x2a7: {  	[sflag:s29] =	ssyncset.done $0x0  }
0x2a8: {  	[sflag:s29] =	ssyncadd.s32 $0xFFFFFC00  }
0x2a9: {  	_ =	swait.ge [sflag:s29], $0x400  }
0x2aa: {  	[sflag:s29] =	ssyncset.done $0x0  }
0x2ab: {  	[sflag:s29] =	ssyncadd.s32 $0xFFFFFC00  }
0x2ac: {  	_ =	swait.ge [sflag:s29], $0x400  }
0x2ad: {  	[sflag:s29] =	ssyncset.done $0x0  }
0x2ae: {  	[sflag:s29] =	ssyncadd.s32 $0xFFFFFC00  }
0x2af: {  	_ =	swait.ge [sflag:s29], $0x400  }
0x2b0: {  	[sflag:s29] =	ssyncset.done $0x0  }
0x2b1: {  	[sflag:s29] =	ssyncadd.s32 $0xFFFFFC00  }
0x2b2: {  	_ =	swait.ge [sflag:s29], $0x400  }
0x2b3: {  	[sflag:s29] =	ssyncset.done $0x0  }
0x2b4: {  	[sflag:s29] =	ssyncadd.s32 $0xFFFFFC00  }
0x2b5: {  	_ =	swait.ge [sflag:s29], $0x400  }
0x2b6: {  	[sflag:s29] =	ssyncset.done $0x0  }
0x2b7: {  	[sflag:s29] =	ssyncadd.s32 $0xFFFFFC00  }
0x2b8: {  	_ =	swait.ge [sflag:s29], $0x400  }
0x2b9: {  	[sflag:s29] =	ssyncset.done $0x0  }
0x2ba: {  	[sflag:s29] =	ssyncadd.s32 $0xFFFFFC00  }
0x2bb: {  	_ =	swait.ge [sflag:s29], $0x400  }
0x2bc: {  	[sflag:s29] =	ssyncset.done $0x0  }
0x2bd: {  	[sflag:s29] =	ssyncadd.s32 $0xFFFFFC00  }
0x2be: {  	_ =	swait.ge [sflag:s29], $0x400  }
0x2bf: {  	[sflag:s29] =	ssyncset.done $0x0  }
0x2c0: {  	[sflag:s29] =	ssyncadd.s32 $0xFFFFFC00  }
0x2c1: {  	_ =	swait.ge [sflag:s29], $0x400  }
0x2c2: {  	[sflag:s29] =	ssyncset.done $0x0  }
0x2c3: {  	[sflag:s29] =	ssyncadd.s32 $0xFFFFFC00  }
0x2c4: {  	_ =	swait.ge [sflag:s29], $0x400  }
0x2c5: {  	[sflag:s29] =	ssyncset.done $0x0  }
0x2c6: {  	[sflag:s29] =	ssyncadd.s32 $0xFFFFFC00  }
0x2c7: {  	_ =	swait.ge [sflag:s29], $0x400  }
0x2c8: {  	[sflag:s29] =	ssyncset.done $0x0  }
0x2c9: {  	[sflag:s29] =	ssyncadd.s32 $0xFFFFFC00  }
0x2ca: {  	_ =	swait.ge [sflag:s29], $0x400  }
0x2cb: {  	[sflag:s29] =	ssyncset.done $0x0  }
0x2cc: {  	s30 =	sadd.s32 $0x1, s30;
	[sflag:s29] =	ssyncadd.s32 $0xFFFFFC00  }
0x2cd: {  	p0 =	sne.s32 s30, s22;
	_ =	swait.ge [sflag:s29], $0x400  }
.Ltmp1:
0x2ce: {  	[sflag:s29] =	ssyncset.done $0x0;
	(pc) =	sbr.rel @p0 .LBB2_1-.Ltmp1, $4  }
0x2cf: {  	[sflag:s29] =	ssyncadd.s32 $0xFFFFFC00  }
0x2d0: {  	_ =	swait.ge [sflag:s29], $0x400  }
0x2d1: {  	[sflag:s29] =	ssyncset.done $0x0  }
0x2d2: {  	[sflag:s29] =	ssyncadd.s32 $0xFFFFFC00  }
0x2d3: {  	_ =	sfence.sel $0x180000  }
0x2d4: {  	[bflag:$0x0] =	sbarrier.arrive $0xFFFF  }
0x2d5: {  	_ =	strace $0x90000047  }
0x2d6: {  	s0 =	stileid.u32;
	[bflag:$0x2] =	sbarrier.arrive $0xFFFF  }
0x2d7: {  	p0 =	sne.s32 s0, $0x0;
	s0 =	rddreg [dreg:$0x3]  }
0x2d8: {  	s0 =	sadd.s32 @!p0 $0x100000, s0  }
0x2d9: {  	[sflag:s0] =	ssyncadd.tile.s32 @!p0 $0x1;
	_ =	shalt  }
.Lfunc_end2:
_tile_overlayer_lowered:
.L_overlay_start_2:
0x2da: {  	(tag) =	ssettag $0x2  }
0x2db: {  	s0 =	rddreg [dreg:$0x0];
	s2 =	stileid.u32  }
0x2dc: {  	s1 =	rddreg [dreg:$0x1];
	p0 =	sne.s32 s2, $0x0  }
0x2dd: {  	s3 =	rddreg [dreg:$0x2];
	[bflag:$0x3] =	sbarrier.arrive $0xFFFF;
	s2 =	simm.s32 @!p0 $0x1C03  }
0x2de: {  	[timem:s3], [sflag:s2] =	dma.local @!p0 [hbm:s0], s1  }
0x2df: {  	s0 =	simm.s32 @!p0 $0x3  }
0x2e0: {  	_ =	swait.ge @!p0 [sflag:s0], s1  }
0x2e1: {  	s1 =	ssub.s32 @!p0 $0x0, s1;
	[sflag:s0] =	ssyncset.done @!p0 $0x0  }
0x2e2: {  	[sflag:s0] =	ssyncadd.s32 @!p0 s1  }
0x2e3: {  	[bflag:$0x3] =	sbarrier.arrive $0xFFFF  }
0x2e4: {  	_ =	shalt  }

</sc_bundles>
